<compile_context>
chip_gen: v7x
topology: tpu7x:2x2x1
jax: 0.10.2.dev20260603
libtpu: 0.0.44.dev20260713+nightly
codegen_flags: <defaults>
</compile_context>

<pallas_src>
import functools

import jax
import jax.numpy as jnp
import numpy as np
from jax import lax
from jax.experimental import pallas as pl
from jax.experimental.pallas import tpu as pltpu
from jax.experimental.pallas import tpu_sc as plsc

E_TOTAL = 320000
D = 128
R = 31
NROWS = 5456
NPAD = 5632
TBLK = 512
CHUNK = 256
KSUB = 128


def _multiset_counts() -> np.ndarray:
    counts = np.zeros((NPAD, R), dtype=np.float32)
    for z in range(R):
        for y in range(z + 1):
            for x in range(y + 1):
                rank = (z + 2) * (z + 1) * z // 6 + (y + 1) * y // 2 + x
                counts[rank, x] += 1
                counts[rank, y] += 1
                counts[rank, z] += 1
    return counts


_COUNTS = _multiset_counts()


def _table_body(counts_ref, cb_ref, out_ref):
    out_ref[...] = jnp.dot(counts_ref[...], cb_ref[...],
                           preferred_element_type=jnp.float32)


def _sum_table(cb):
    return pl.pallas_call(
        _table_body,
        grid=(NPAD // TBLK,),
        in_specs=[
            pl.BlockSpec((TBLK, R), lambda i: (i, 0)),
            pl.BlockSpec((R, D), lambda i: (0, 0)),
        ],
        out_specs=pl.BlockSpec((TBLK, D), lambda i: (i, 0)),
        out_shape=jax.ShapeDtypeStruct((NPAD, D), jnp.float32),
    )(jnp.asarray(_COUNTS), cb)


def _make_sc_kernel(n_chunks, chunks_per_worker):
    mesh = plsc.VectorSubcoreMesh(core_axis_name="c", subcore_axis_name="s")
    n_outer = -(-chunks_per_worker // 2)

    @functools.partial(
        pl.kernel,
        mesh=mesh,
        out_type=jax.ShapeDtypeStruct((E_TOTAL, D), jnp.float32),
        scratch_types=[
            pltpu.VMEM_SHARED((NPAD, D), jnp.float32),
            pltpu.VMEM((2, CHUNK), jnp.int32),
            pltpu.VMEM((2, CHUNK), jnp.int32),
            pltpu.VMEM((2, CHUNK), jnp.int32),
            pltpu.VMEM((2, 2, KSUB), jnp.int32),
            pltpu.VMEM((2, CHUNK, D), jnp.float32),
            pltpu.SemaphoreType.DMA,
            pltpu.SemaphoreType.DMA,
            pltpu.SemaphoreType.DMA,
            pltpu.SemaphoreType.DMA,
            pltpu.SemaphoreType.DMA,
            pltpu.SemaphoreType.DMA,
        ],
    )
    def sc_kernel(i0_hbm, i1_hbm, i2_hbm, table_hbm, out_hbm,
                  tableS, i0_v, i1_v, i2_v, key_v, obuf,
                  semi0, semi1, semg0, semg1, semo0, semo1):
        cid = lax.axis_index("c")
        sid = lax.axis_index("s")
        wid = cid * 16 + sid
        semi = (semi0, semi1)
        semg = (semg0, semg1)
        semo = (semo0, semo1)

        @pl.when(sid == 0)
        def _():
            pltpu.sync_copy(table_hbm, tableS)

        plsc.subcore_barrier()

        def out_drain(b):
            pltpu.make_async_copy(
                obuf.at[b], out_hbm.at[pl.ds(0, CHUNK), :], semo[b]).wait()

        def outer_body(it2, _):
            for b in range(2):
                ch = (it2 * 2 + b) * 32 + wid

                @pl.when(ch < n_chunks)
                def _():
                    @pl.when(it2 > 0)
                    def _():
                        out_drain(b)

                    base = ch * CHUNK
                    pltpu.async_copy(
                        i0_hbm.at[pl.ds(base, CHUNK)], i0_v.at[b], semi[b])
                    pltpu.async_copy(
                        i1_hbm.at[pl.ds(base, CHUNK)], i1_v.at[b], semi[b])
                    pltpu.async_copy(
                        i2_hbm.at[pl.ds(base, CHUNK)], i2_v.at[b], semi[b])

            for b in range(2):
                ch = (it2 * 2 + b) * 32 + wid

                @pl.when(ch < n_chunks)
                def _():
                    pltpu.make_async_copy(
                        i0_hbm.at[pl.ds(0, CHUNK)], i0_v.at[b], semi[b]).wait()
                    pltpu.make_async_copy(
                        i0_hbm.at[pl.ds(0, CHUNK)], i1_v.at[b], semi[b]).wait()
                    pltpu.make_async_copy(
                        i0_hbm.at[pl.ds(0, CHUNK)], i2_v.at[b], semi[b]).wait()

                    for t in range(CHUNK // 16):
                        s = pl.ds(t * 16, 16)
                        a = jnp.minimum(i0_v[b, s], i1_v[b, s])
                        h = jnp.maximum(i0_v[b, s], i1_v[b, s])
                        z = jnp.maximum(h, i2_v[b, s])
                        m = jnp.minimum(h, i2_v[b, s])
                        y = jnp.maximum(a, m)
                        x = jnp.minimum(a, m)
                        w = ((z * (z + 1)) >> 1) * (z + 2)
                        z3 = w * jnp.int32(-1431655765)
                        y2 = (y * (y + 1)) >> 1
                        key_v[b, t * 16 // KSUB,
                              pl.ds(t * 16 % KSUB, 16)] = z3 + y2 + x

                    for j in range(CHUNK // KSUB):
                        pltpu.async_copy(
                            tableS.at[key_v.at[b, j]],
                            obuf.at[b, pl.ds(j * KSUB, KSUB), :], semg[b])

            for b in range(2):
                ch = (it2 * 2 + b) * 32 + wid

                @pl.when(ch < n_chunks)
                def _():
                    for j in range(CHUNK // KSUB):
                        pltpu.make_async_copy(
                            tableS.at[key_v.at[b, j]],
                            obuf.at[b, pl.ds(j * KSUB, KSUB), :],
                            semg[b]).wait()
                    base = ch * CHUNK
                    pltpu.async_copy(
                        obuf.at[b], out_hbm.at[pl.ds(base, CHUNK), :], semo[b])

            return ()

        lax.fori_loop(0, n_outer, outer_body, ())

        for b in range(2):
            @pl.when(b * 32 + wid < n_chunks)
            def _():
                out_drain(b)

    return sc_kernel


@jax.jit
def kernel(node2node_connection_types, codebook):
    idx = node2node_connection_types.astype(jnp.int32)
    table = _sum_table(codebook)
    n_chunks = E_TOTAL // CHUNK
    chunks_per_worker = -(-n_chunks // 32)
    sc = _make_sc_kernel(n_chunks, chunks_per_worker)
    return sc(idx[:, 0], idx[:, 1], idx[:, 2], table)

# --- scband reference (transcript-rebuilt; emitter-appended) ---
"""Pipeline reference for scband-embed-pcqm4-mv2-edge-type-38500086842089 (READ-ONLY COPY).

The authoritative reference and input builder live on the scoring server;
editing this copy changes nothing except your own understanding.
"""

import jax, jax.numpy as jnp
import numpy as np


def setup_inputs(seed: int = 0) -> dict:
    key = jax.random.key(seed)
    k1, k2 = jax.random.split(key)
    node2node_connection_types = jax.random.randint(k1, (320000, 3), 0, 31)
    codebook = jax.random.normal(k2, (31, 128), dtype=jnp.float32)
    return {"node2node_connection_types": node2node_connection_types, "codebook": codebook}


def reference(node2node_connection_types, codebook):
    # torch: self.codebook.weight[idx.long()].float().sum(dim=-2)
    gathered = jnp.take(codebook, node2node_connection_types, axis=0)  # [E, 3, D]
    return gathered.astype(jnp.float32).sum(axis=-2)  # [E, D]

if __name__ == "__main__":
    import jax
    _d = setup_inputs()
    print(jax.jit(kernel)(*tuple(_d.values())))

</pallas_src>

<mosaic_0001>
#map = affine_map<(d0, d1) -> (0)>
#map1 = affine_map<(d0, d1) -> (0, 0)>
module attributes {stable_mosaic.version = 14 : i64} {
  func.func @sc_kernel(%arg0: i32, %arg1: i32, %arg2: memref<320000xi32, #tpu.memory_space<hbm>>, %arg3: memref<320000xi32, #tpu.memory_space<hbm>>, %arg4: memref<320000xi32, #tpu.memory_space<hbm>>, %arg5: memref<5632x128xf32, #tpu.memory_space<hbm>>, %arg6: memref<320000x128xf32, #tpu.memory_space<hbm>>, %arg7: memref<5632x128xf32, #tpu.memory_space<vmem_shared>>, %arg8: memref<2x256xi32, #tpu.memory_space<vmem>>, %arg9: memref<2x256xi32, #tpu.memory_space<vmem>>, %arg10: memref<2x256xi32, #tpu.memory_space<vmem>>, %arg11: memref<2x2x128xi32, #tpu.memory_space<vmem>>, %arg12: memref<2x256x128xf32, #tpu.memory_space<vmem>>, %arg13: memref<!tpu.dma_semaphore, #tpu.memory_space<semaphore_mem>>, %arg14: memref<!tpu.dma_semaphore, #tpu.memory_space<semaphore_mem>>, %arg15: memref<!tpu.dma_semaphore, #tpu.memory_space<semaphore_mem>>, %arg16: memref<!tpu.dma_semaphore, #tpu.memory_space<semaphore_mem>>, %arg17: memref<!tpu.dma_semaphore, #tpu.memory_space<semaphore_mem>>, %arg18: memref<!tpu.dma_semaphore, #tpu.memory_space<semaphore_mem>>) attributes {dimension_semantics = [#tpu.dimension_semantics<core_parallel>, #tpu.dimension_semantics<subcore_parallel>], iteration_bounds = array<i64: 2, 16>, scalar_prefetch = 0 : i64, scratch_operands = 12 : i64, tpu.core_type = #tpu.core_type<sc_vector_subcore>, window_params = [{transform_indices = #map}, {transform_indices = #map}, {transform_indices = #map}, {transform_indices = #map1}, {transform_indices = #map1}]} {
    %mul3A = arith.constant 16 : i32
    %mul3A_0 = arith.muli %arg0, %mul3A : i32
    %add3A = arith.addi %mul3A_0, %arg1 : i32
    %eq3A = arith.constant 0 : i32
    %eq3A_1 = arith.cmpi eq, %arg1, %eq3A : i32
    %convert_element_type3A = arith.extui %eq3A_1 : i1 to i32
    %cond3A = arith.constant 0 : i32
    %cond3A_2 = arith.cmpi ne, %convert_element_type3A, %cond3A : i32
    scf.if %cond3A_2 {
      "tpu.region"() ({
        %run_scoped3A = tpu.sem_alloc : memref<!tpu.dma_semaphore, #tpu.memory_space<semaphore_mem>>
        tpu.enqueue_dma source(%arg5 : memref<5632x128xf32, #tpu.memory_space<hbm>>) target(%arg7 : memref<5632x128xf32, #tpu.memory_space<vmem_shared>>) target_semaphore(%run_scoped3A : memref<!tpu.dma_semaphore, #tpu.memory_space<semaphore_mem>>)
        tpu.wait_dma2 semaphore(%run_scoped3A : memref<!tpu.dma_semaphore, #tpu.memory_space<semaphore_mem>>) src(%arg5 : memref<5632x128xf32, #tpu.memory_space<hbm>>) dst(%arg7 : memref<5632x128xf32, #tpu.memory_space<vmem_shared>>)
        tpu.yield
      }) : () -> ()
    } else {
    }
    %barrier3A = arith.constant 0 : index
    tpu.barrier barrier_id(%barrier3A)
    %scan3A = arith.constant 0 : i32
    %scan3A_3 = arith.constant 20 : i32
    %scan3A_4 = arith.addi %scan3A, %scan3A_3 : i32
    %scan3A_5 = arith.constant 1 : i32
    scf.for %scan3A_20 = %scan3A to %scan3A_4 step %scan3A_5  : i32 {
      %mul3A_21 = arith.constant 2 : i32
      %mul3A_22 = arith.muli %scan3A_20, %mul3A_21 : i32
      %add3A_23 = arith.constant 0 : i32
      %add3A_24 = arith.addi %mul3A_22, %add3A_23 : i32
      %mul3A_25 = arith.constant 32 : i32
      %mul3A_26 = arith.muli %add3A_24, %mul3A_25 : i32
      %add3A_27 = arith.addi %mul3A_26, %add3A : i32
      %lt3A_28 = arith.constant 1250 : i32
      %lt3A_29 = arith.cmpi slt, %add3A_27, %lt3A_28 : i32
      %convert_element_type3A_30 = arith.extui %lt3A_29 : i1 to i32
      %cond3A_31 = arith.constant 0 : i32
      %cond3A_32 = arith.cmpi ne, %convert_element_type3A_30, %cond3A_31 : i32
      scf.if %cond3A_32 {
        %gt3A = arith.constant 0 : i32
        %gt3A_93 = arith.cmpi sgt, %scan3A_20, %gt3A : i32
        %convert_element_type3A_94 = arith.extui %gt3A_93 : i1 to i32
        %cond3A_95 = arith.constant 0 : i32
        %cond3A_96 = arith.cmpi ne, %convert_element_type3A_94, %cond3A_95 : i32
        scf.if %cond3A_96 {
          %dma_wait3A = arith.constant 0 : i32
          %dma_wait3A_125 = arith.constant 0 : i32
          %dma_wait3A_126 = arith.constant 0 : i32
          %dma_wait3A_127 = tpu.memref_slice %arg12[%dma_wait3A, %dma_wait3A_125, %dma_wait3A_126] : memref<2x256x128xf32, #tpu.memory_space<vmem>> -> memref<1x256x128xf32, #tpu.memory_space<vmem>>
          %dma_wait3A_128 = tpu.memref_squeeze %dma_wait3A_127 : memref<1x256x128xf32, #tpu.memory_space<vmem>> -> memref<256x128xf32, #tpu.memory_space<vmem>>
          %dma_wait3A_129 = arith.constant 0 : i32
          %dma_wait3A_130 = arith.constant 0 : i32
          %dma_wait3A_131 = tpu.memref_slice %arg6[%dma_wait3A_129, %dma_wait3A_130] : memref<320000x128xf32, #tpu.memory_space<hbm>> -> memref<256x128xf32, #tpu.memory_space<hbm>>
          %dma_wait3A_132 = arith.constant 0 : i32
          %dma_wait3A_133 = arith.constant 0 : i32
          %dma_wait3A_134 = tpu.memref_slice %arg6[%dma_wait3A_132, %dma_wait3A_133] : memref<320000x128xf32, #tpu.memory_space<hbm>> -> memref<256x128xf32, #tpu.memory_space<hbm>>
          %dma_wait3A_135 = arith.constant 0 : i32
          %dma_wait3A_136 = arith.constant 0 : i32
          %dma_wait3A_137 = tpu.memref_slice %arg12[%dma_wait3A, %dma_wait3A_135, %dma_wait3A_136] : memref<2x256x128xf32, #tpu.memory_space<vmem>> -> memref<1x256x128xf32, #tpu.memory_space<vmem>>
          %dma_wait3A_138 = tpu.memref_squeeze %dma_wait3A_137 : memref<1x256x128xf32, #tpu.memory_space<vmem>> -> memref<256x128xf32, #tpu.memory_space<vmem>>
          tpu.wait_dma2 semaphore(%arg17 : memref<!tpu.dma_semaphore, #tpu.memory_space<semaphore_mem>>) src(%dma_wait3A_138 : memref<256x128xf32, #tpu.memory_space<vmem>>) dst(%dma_wait3A_134 : memref<256x128xf32, #tpu.memory_space<hbm>>)
        } else {
        }
        %mul3A_97 = arith.constant 256 : i32
        %mul3A_98 = arith.muli %add3A_27, %mul3A_97 : i32
        %dma_start3A = arith.constant 0 : i32
        %dma_start3A_99 = arith.constant 0 : i32
        %dma_start3A_100 = tpu.memref_slice %arg8[%dma_start3A, %dma_start3A_99] : memref<2x256xi32, #tpu.memory_space<vmem>> -> memref<1x256xi32, #tpu.memory_space<vmem>>
        %dma_start3A_101 = tpu.memref_squeeze %dma_start3A_100 : memref<1x256xi32, #tpu.memory_space<vmem>> -> memref<256xi32, #tpu.memory_space<vmem>>
        %dma_start3A_102 = tpu.memref_slice %arg2[%mul3A_98] : memref<320000xi32, #tpu.memory_space<hbm>> -> memref<256xi32, #tpu.memory_space<hbm>>
        %dma_start3A_103 = arith.constant 0 : i32
        %dma_start3A_104 = tpu.memref_slice %arg8[%dma_start3A, %dma_start3A_103] : memref<2x256xi32, #tpu.memory_space<vmem>> -> memref<1x256xi32, #tpu.memory_space<vmem>>
        %dma_start3A_105 = tpu.memref_squeeze %dma_start3A_104 : memref<1x256xi32, #tpu.memory_space<vmem>> -> memref<256xi32, #tpu.memory_space<vmem>>
        %dma_start3A_106 = tpu.memref_slice %arg2[%mul3A_98] : memref<320000xi32, #tpu.memory_space<hbm>> -> memref<256xi32, #tpu.memory_space<hbm>>
        tpu.enqueue_dma source(%dma_start3A_106 : memref<256xi32, #tpu.memory_space<hbm>>) target(%dma_start3A_105 : memref<256xi32, #tpu.memory_space<vmem>>) target_semaphore(%arg13 : memref<!tpu.dma_semaphore, #tpu.memory_space<semaphore_mem>>)
        %dma_start3A_107 = arith.constant 0 : i32
        %dma_start3A_108 = arith.constant 0 : i32
        %dma_start3A_109 = tpu.memref_slice %arg9[%dma_start3A_107, %dma_start3A_108] : memref<2x256xi32, #tpu.memory_space<vmem>> -> memref<1x256xi32, #tpu.memory_space<vmem>>
        %dma_start3A_110 = tpu.memref_squeeze %dma_start3A_109 : memref<1x256xi32, #tpu.memory_space<vmem>> -> memref<256xi32, #tpu.memory_space<vmem>>
        %dma_start3A_111 = tpu.memref_slice %arg3[%mul3A_98] : memref<320000xi32, #tpu.memory_space<hbm>> -> memref<256xi32, #tpu.memory_space<hbm>>
        %dma_start3A_112 = arith.constant 0 : i32
        %dma_start3A_113 = tpu.memref_slice %arg9[%dma_start3A_107, %dma_start3A_112] : memref<2x256xi32, #tpu.memory_space<vmem>> -> memref<1x256xi32, #tpu.memory_space<vmem>>
        %dma_start3A_114 = tpu.memref_squeeze %dma_start3A_113 : memref<1x256xi32, #tpu.memory_space<vmem>> -> memref<256xi32, #tpu.memory_space<vmem>>
        %dma_start3A_115 = tpu.memref_slice %arg3[%mul3A_98] : memref<320000xi32, #tpu.memory_space<hbm>> -> memref<256xi32, #tpu.memory_space<hbm>>
        tpu.enqueue_dma source(%dma_start3A_115 : memref<256xi32, #tpu.memory_space<hbm>>) target(%dma_start3A_114 : memref<256xi32, #tpu.memory_space<vmem>>) target_semaphore(%arg13 : memref<!tpu.dma_semaphore, #tpu.memory_space<semaphore_mem>>)
        %dma_start3A_116 = arith.constant 0 : i32
        %dma_start3A_117 = arith.constant 0 : i32
        %dma_start3A_118 = tpu.memref_slice %arg10[%dma_start3A_116, %dma_start3A_117] : memref<2x256xi32, #tpu.memory_space<vmem>> -> memref<1x256xi32, #tpu.memory_space<vmem>>
        %dma_start3A_119 = tpu.memref_squeeze %dma_start3A_118 : memref<1x256xi32, #tpu.memory_space<vmem>> -> memref<256xi32, #tpu.memory_space<vmem>>
        %dma_start3A_120 = tpu.memref_slice %arg4[%mul3A_98] : memref<320000xi32, #tpu.memory_space<hbm>> -> memref<256xi32, #tpu.memory_space<hbm>>
        %dma_start3A_121 = arith.constant 0 : i32
        %dma_start3A_122 = tpu.memref_slice %arg10[%dma_start3A_116, %dma_start3A_121] : memref<2x256xi32, #tpu.memory_space<vmem>> -> memref<1x256xi32, #tpu.memory_space<vmem>>
        %dma_start3A_123 = tpu.memref_squeeze %dma_start3A_122 : memref<1x256xi32, #tpu.memory_space<vmem>> -> memref<256xi32, #tpu.memory_space<vmem>>
        %dma_start3A_124 = tpu.memref_slice %arg4[%mul3A_98] : memref<320000xi32, #tpu.memory_space<hbm>> -> memref<256xi32, #tpu.memory_space<hbm>>
        tpu.enqueue_dma source(%dma_start3A_124 : memref<256xi32, #tpu.memory_space<hbm>>) target(%dma_start3A_123 : memref<256xi32, #tpu.memory_space<vmem>>) target_semaphore(%arg13 : memref<!tpu.dma_semaphore, #tpu.memory_space<semaphore_mem>>)
      } else {
      }
      %mul3A_33 = arith.constant 2 : i32
      %mul3A_34 = arith.muli %scan3A_20, %mul3A_33 : i32
      %add3A_35 = arith.constant 1 : i32
      %add3A_36 = arith.addi %mul3A_34, %add3A_35 : i32
      %mul3A_37 = arith.constant 32 : i32
      %mul3A_38 = arith.muli %add3A_36, %mul3A_37 : i32
      %add3A_39 = arith.addi %mul3A_38, %add3A : i32
      %lt3A_40 = arith.constant 1250 : i32
      %lt3A_41 = arith.cmpi slt, %add3A_39, %lt3A_40 : i32
      %convert_element_type3A_42 = arith.extui %lt3A_41 : i1 to i32
      %cond3A_43 = arith.constant 0 : i32
      %cond3A_44 = arith.cmpi ne, %convert_element_type3A_42, %cond3A_43 : i32
      scf.if %cond3A_44 {
        %gt3A = arith.constant 0 : i32
        %gt3A_93 = arith.cmpi sgt, %scan3A_20, %gt3A : i32
        %convert_element_type3A_94 = arith.extui %gt3A_93 : i1 to i32
        %cond3A_95 = arith.constant 0 : i32
        %cond3A_96 = arith.cmpi ne, %convert_element_type3A_94, %cond3A_95 : i32
        scf.if %cond3A_96 {
          %dma_wait3A = arith.constant 1 : i32
          %dma_wait3A_125 = arith.constant 0 : i32
          %dma_wait3A_126 = arith.constant 0 : i32
          %dma_wait3A_127 = tpu.memref_slice %arg12[%dma_wait3A, %dma_wait3A_125, %dma_wait3A_126] : memref<2x256x128xf32, #tpu.memory_space<vmem>> -> memref<1x256x128xf32, #tpu.memory_space<vmem>>
          %dma_wait3A_128 = tpu.memref_squeeze %dma_wait3A_127 : memref<1x256x128xf32, #tpu.memory_space<vmem>> -> memref<256x128xf32, #tpu.memory_space<vmem>>
          %dma_wait3A_129 = arith.constant 0 : i32
          %dma_wait3A_130 = arith.constant 0 : i32
          %dma_wait3A_131 = tpu.memref_slice %arg6[%dma_wait3A_129, %dma_wait3A_130] : memref<320000x128xf32, #tpu.memory_space<hbm>> -> memref<256x128xf32, #tpu.memory_space<hbm>>
          %dma_wait3A_132 = arith.constant 0 : i32
          %dma_wait3A_133 = arith.constant 0 : i32
          %dma_wait3A_134 = tpu.memref_slice %arg6[%dma_wait3A_132, %dma_wait3A_133] : memref<320000x128xf32, #tpu.memory_space<hbm>> -> memref<256x128xf32, #tpu.memory_space<hbm>>
          %dma_wait3A_135 = arith.constant 0 : i32
          %dma_wait3A_136 = arith.constant 0 : i32
          %dma_wait3A_137 = tpu.memref_slice %arg12[%dma_wait3A, %dma_wait3A_135, %dma_wait3A_136] : memref<2x256x128xf32, #tpu.memory_space<vmem>> -> memref<1x256x128xf32, #tpu.memory_space<vmem>>
          %dma_wait3A_138 = tpu.memref_squeeze %dma_wait3A_137 : memref<1x256x128xf32, #tpu.memory_space<vmem>> -> memref<256x128xf32, #tpu.memory_space<vmem>>
          tpu.wait_dma2 semaphore(%arg18 : memref<!tpu.dma_semaphore, #tpu.memory_space<semaphore_mem>>) src(%dma_wait3A_138 : memref<256x128xf32, #tpu.memory_space<vmem>>) dst(%dma_wait3A_134 : memref<256x128xf32, #tpu.memory_space<hbm>>)
        } else {
        }
        %mul3A_97 = arith.constant 256 : i32
        %mul3A_98 = arith.muli %add3A_39, %mul3A_97 : i32
        %dma_start3A = arith.constant 1 : i32
        %dma_start3A_99 = arith.constant 0 : i32
        %dma_start3A_100 = tpu.memref_slice %arg8[%dma_start3A, %dma_start3A_99] : memref<2x256xi32, #tpu.memory_space<vmem>> -> memref<1x256xi32, #tpu.memory_space<vmem>>
        %dma_start3A_101 = tpu.memref_squeeze %dma_start3A_100 : memref<1x256xi32, #tpu.memory_space<vmem>> -> memref<256xi32, #tpu.memory_space<vmem>>
        %dma_start3A_102 = tpu.memref_slice %arg2[%mul3A_98] : memref<320000xi32, #tpu.memory_space<hbm>> -> memref<256xi32, #tpu.memory_space<hbm>>
        %dma_start3A_103 = arith.constant 0 : i32
        %dma_start3A_104 = tpu.memref_slice %arg8[%dma_start3A, %dma_start3A_103] : memref<2x256xi32, #tpu.memory_space<vmem>> -> memref<1x256xi32, #tpu.memory_space<vmem>>
        %dma_start3A_105 = tpu.memref_squeeze %dma_start3A_104 : memref<1x256xi32, #tpu.memory_space<vmem>> -> memref<256xi32, #tpu.memory_space<vmem>>
        %dma_start3A_106 = tpu.memref_slice %arg2[%mul3A_98] : memref<320000xi32, #tpu.memory_space<hbm>> -> memref<256xi32, #tpu.memory_space<hbm>>
        tpu.enqueue_dma source(%dma_start3A_106 : memref<256xi32, #tpu.memory_space<hbm>>) target(%dma_start3A_105 : memref<256xi32, #tpu.memory_space<vmem>>) target_semaphore(%arg14 : memref<!tpu.dma_semaphore, #tpu.memory_space<semaphore_mem>>)
        %dma_start3A_107 = arith.constant 1 : i32
        %dma_start3A_108 = arith.constant 0 : i32
        %dma_start3A_109 = tpu.memref_slice %arg9[%dma_start3A_107, %dma_start3A_108] : memref<2x256xi32, #tpu.memory_space<vmem>> -> memref<1x256xi32, #tpu.memory_space<vmem>>
        %dma_start3A_110 = tpu.memref_squeeze %dma_start3A_109 : memref<1x256xi32, #tpu.memory_space<vmem>> -> memref<256xi32, #tpu.memory_space<vmem>>
        %dma_start3A_111 = tpu.memref_slice %arg3[%mul3A_98] : memref<320000xi32, #tpu.memory_space<hbm>> -> memref<256xi32, #tpu.memory_space<hbm>>
        %dma_start3A_112 = arith.constant 0 : i32
        %dma_start3A_113 = tpu.memref_slice %arg9[%dma_start3A_107, %dma_start3A_112] : memref<2x256xi32, #tpu.memory_space<vmem>> -> memref<1x256xi32, #tpu.memory_space<vmem>>
        %dma_start3A_114 = tpu.memref_squeeze %dma_start3A_113 : memref<1x256xi32, #tpu.memory_space<vmem>> -> memref<256xi32, #tpu.memory_space<vmem>>
        %dma_start3A_115 = tpu.memref_slice %arg3[%mul3A_98] : memref<320000xi32, #tpu.memory_space<hbm>> -> memref<256xi32, #tpu.memory_space<hbm>>
        tpu.enqueue_dma source(%dma_start3A_115 : memref<256xi32, #tpu.memory_space<hbm>>) target(%dma_start3A_114 : memref<256xi32, #tpu.memory_space<vmem>>) target_semaphore(%arg14 : memref<!tpu.dma_semaphore, #tpu.memory_space<semaphore_mem>>)
        %dma_start3A_116 = arith.constant 1 : i32
        %dma_start3A_117 = arith.constant 0 : i32
        %dma_start3A_118 = tpu.memref_slice %arg10[%dma_start3A_116, %dma_start3A_117] : memref<2x256xi32, #tpu.memory_space<vmem>> -> memref<1x256xi32, #tpu.memory_space<vmem>>
        %dma_start3A_119 = tpu.memref_squeeze %dma_start3A_118 : memref<1x256xi32, #tpu.memory_space<vmem>> -> memref<256xi32, #tpu.memory_space<vmem>>
        %dma_start3A_120 = tpu.memref_slice %arg4[%mul3A_98] : memref<320000xi32, #tpu.memory_space<hbm>> -> memref<256xi32, #tpu.memory_space<hbm>>
        %dma_start3A_121 = arith.constant 0 : i32
        %dma_start3A_122 = tpu.memref_slice %arg10[%dma_start3A_116, %dma_start3A_121] : memref<2x256xi32, #tpu.memory_space<vmem>> -> memref<1x256xi32, #tpu.memory_space<vmem>>
        %dma_start3A_123 = tpu.memref_squeeze %dma_start3A_122 : memref<1x256xi32, #tpu.memory_space<vmem>> -> memref<256xi32, #tpu.memory_space<vmem>>
        %dma_start3A_124 = tpu.memref_slice %arg4[%mul3A_98] : memref<320000xi32, #tpu.memory_space<hbm>> -> memref<256xi32, #tpu.memory_space<hbm>>
        tpu.enqueue_dma source(%dma_start3A_124 : memref<256xi32, #tpu.memory_space<hbm>>) target(%dma_start3A_123 : memref<256xi32, #tpu.memory_space<vmem>>) target_semaphore(%arg14 : memref<!tpu.dma_semaphore, #tpu.memory_space<semaphore_mem>>)
      } else {
      }
      %mul3A_45 = arith.constant 2 : i32
      %mul3A_46 = arith.muli %scan3A_20, %mul3A_45 : i32
      %add3A_47 = arith.constant 0 : i32
      %add3A_48 = arith.addi %mul3A_46, %add3A_47 : i32
      %mul3A_49 = arith.constant 32 : i32
      %mul3A_50 = arith.muli %add3A_48, %mul3A_49 : i32
      %add3A_51 = arith.addi %mul3A_50, %add3A : i32
      %lt3A_52 = arith.constant 1250 : i32
      %lt3A_53 = arith.cmpi slt, %add3A_51, %lt3A_52 : i32
      %convert_element_type3A_54 = arith.extui %lt3A_53 : i1 to i32
      %cond3A_55 = arith.constant 0 : i32
      %cond3A_56 = arith.cmpi ne, %convert_element_type3A_54, %cond3A_55 : i32
      scf.if %cond3A_56 {
        %dma_wait3A = arith.constant 0 : i32
        %dma_wait3A_93 = arith.constant 0 : i32
        %dma_wait3A_94 = tpu.memref_slice %arg8[%dma_wait3A, %dma_wait3A_93] : memref<2x256xi32, #tpu.memory_space<vmem>> -> memref<1x256xi32, #tpu.memory_space<vmem>>
        %dma_wait3A_95 = tpu.memref_squeeze %dma_wait3A_94 : memref<1x256xi32, #tpu.memory_space<vmem>> -> memref<256xi32, #tpu.memory_space<vmem>>
        %dma_wait3A_96 = arith.constant 0 : i32
        %dma_wait3A_97 = tpu.memref_slice %arg2[%dma_wait3A_96] : memref<320000xi32, #tpu.memory_space<hbm>> -> memref<256xi32, #tpu.memory_space<hbm>>
        %dma_wait3A_98 = arith.constant 0 : i32
        %dma_wait3A_99 = tpu.memref_slice %arg8[%dma_wait3A, %dma_wait3A_98] : memref<2x256xi32, #tpu.memory_space<vmem>> -> memref<1x256xi32, #tpu.memory_space<vmem>>
        %dma_wait3A_100 = tpu.memref_squeeze %dma_wait3A_99 : memref<1x256xi32, #tpu.memory_space<vmem>> -> memref<256xi32, #tpu.memory_space<vmem>>
        %dma_wait3A_101 = arith.constant 0 : i32
        %dma_wait3A_102 = tpu.memref_slice %arg2[%dma_wait3A_101] : memref<320000xi32, #tpu.memory_space<hbm>> -> memref<256xi32, #tpu.memory_space<hbm>>
        tpu.wait_dma2 semaphore(%arg13 : memref<!tpu.dma_semaphore, #tpu.memory_space<semaphore_mem>>) src(%dma_wait3A_102 : memref<256xi32, #tpu.memory_space<hbm>>) dst(%dma_wait3A_100 : memref<256xi32, #tpu.memory_space<vmem>>)
        %dma_wait3A_103 = arith.constant 0 : i32
        %dma_wait3A_104 = arith.constant 0 : i32
        %dma_wait3A_105 = tpu.memref_slice %arg9[%dma_wait3A_103, %dma_wait3A_104] : memref<2x256xi32, #tpu.memory_space<vmem>> -> memref<1x256xi32, #tpu.memory_space<vmem>>
        %dma_wait3A_106 = tpu.memref_squeeze %dma_wait3A_105 : memref<1x256xi32, #tpu.memory_space<vmem>> -> memref<256xi32, #tpu.memory_space<vmem>>
        %dma_wait3A_107 = arith.constant 0 : i32
        %dma_wait3A_108 = tpu.memref_slice %arg2[%dma_wait3A_107] : memref<320000xi32, #tpu.memory_space<hbm>> -> memref<256xi32, #tpu.memory_space<hbm>>
        %dma_wait3A_109 = arith.constant 0 : i32
        %dma_wait3A_110 = tpu.memref_slice %arg9[%dma_wait3A_103, %dma_wait3A_109] : memref<2x256xi32, #tpu.memory_space<vmem>> -> memref<1x256xi32, #tpu.memory_space<vmem>>
        %dma_wait3A_111 = tpu.memref_squeeze %dma_wait3A_110 : memref<1x256xi32, #tpu.memory_space<vmem>> -> memref<256xi32, #tpu.memory_space<vmem>>
        %dma_wait3A_112 = arith.constant 0 : i32
        %dma_wait3A_113 = tpu.memref_slice %arg2[%dma_wait3A_112] : memref<320000xi32, #tpu.memory_space<hbm>> -> memref<256xi32, #tpu.memory_space<hbm>>
        tpu.wait_dma2 semaphore(%arg13 : memref<!tpu.dma_semaphore, #tpu.memory_space<semaphore_mem>>) src(%dma_wait3A_113 : memref<256xi32, #tpu.memory_space<hbm>>) dst(%dma_wait3A_111 : memref<256xi32, #tpu.memory_space<vmem>>)
        %dma_wait3A_114 = arith.constant 0 : i32
        %dma_wait3A_115 = arith.constant 0 : i32
        %dma_wait3A_116 = tpu.memref_slice %arg10[%dma_wait3A_114, %dma_wait3A_115] : memref<2x256xi32, #tpu.memory_space<vmem>> -> memref<1x256xi32, #tpu.memory_space<vmem>>
        %dma_wait3A_117 = tpu.memref_squeeze %dma_wait3A_116 : memref<1x256xi32, #tpu.memory_space<vmem>> -> memref<256xi32, #tpu.memory_space<vmem>>
        %dma_wait3A_118 = arith.constant 0 : i32
        %dma_wait3A_119 = tpu.memref_slice %arg2[%dma_wait3A_118] : memref<320000xi32, #tpu.memory_space<hbm>> -> memref<256xi32, #tpu.memory_space<hbm>>
        %dma_wait3A_120 = arith.constant 0 : i32
        %dma_wait3A_121 = tpu.memref_slice %arg10[%dma_wait3A_114, %dma_wait3A_120] : memref<2x256xi32, #tpu.memory_space<vmem>> -> memref<1x256xi32, #tpu.memory_space<vmem>>
        %dma_wait3A_122 = tpu.memref_squeeze %dma_wait3A_121 : memref<1x256xi32, #tpu.memory_space<vmem>> -> memref<256xi32, #tpu.memory_space<vmem>>
        %dma_wait3A_123 = arith.constant 0 : i32
        %dma_wait3A_124 = tpu.memref_slice %arg2[%dma_wait3A_123] : memref<320000xi32, #tpu.memory_space<hbm>> -> memref<256xi32, #tpu.memory_space<hbm>>
        tpu.wait_dma2 semaphore(%arg13 : memref<!tpu.dma_semaphore, #tpu.memory_space<semaphore_mem>>) src(%dma_wait3A_124 : memref<256xi32, #tpu.memory_space<hbm>>) dst(%dma_wait3A_122 : memref<256xi32, #tpu.memory_space<vmem>>)
        %get3A = arith.constant 0 : i32
        %get3A_125 = arith.index_cast %get3A : i32 to index
        %get3A_126 = arith.constant 0 : index
        %get3A_127 = tpu.vector_load %arg8[%get3A_125, %get3A_126] {strides = array<i32>} : memref<2x256xi32, #tpu.memory_space<vmem>>, vector<1x16xi32>,
        %get3A_128 = vector.shape_cast %get3A_127 : vector<1x16xi32> to vector<16xi32>
        %get3A_129 = arith.constant 0 : i32
        %get3A_130 = arith.index_cast %get3A_129 : i32 to index
        %get3A_131 = arith.constant 0 : index
        %get3A_132 = tpu.vector_load %arg9[%get3A_130, %get3A_131] {strides = array<i32>} : memref<2x256xi32, #tpu.memory_space<vmem>>, vector<1x16xi32>,
        %get3A_133 = vector.shape_cast %get3A_132 : vector<1x16xi32> to vector<16xi32>
        %min3A = arith.minsi %get3A_128, %get3A_133 : vector<16xi32>
        %get3A_134 = arith.constant 0 : i32
        %get3A_135 = arith.index_cast %get3A_134 : i32 to index
        %get3A_136 = arith.constant 0 : index
        %get3A_137 = tpu.vector_load %arg8[%get3A_135, %get3A_136] {strides = array<i32>} : memref<2x256xi32, #tpu.memory_space<vmem>>, vector<1x16xi32>,
        %get3A_138 = vector.shape_cast %get3A_137 : vector<1x16xi32> to vector<16xi32>
        %get3A_139 = arith.constant 0 : i32
        %get3A_140 = arith.index_cast %get3A_139 : i32 to index
        %get3A_141 = arith.constant 0 : index
        %get3A_142 = tpu.vector_load %arg9[%get3A_140, %get3A_141] {strides = array<i32>} : memref<2x256xi32, #tpu.memory_space<vmem>>, vector<1x16xi32>,
        %get3A_143 = vector.shape_cast %get3A_142 : vector<1x16xi32> to vector<16xi32>
        %max3A = arith.maxsi %get3A_138, %get3A_143 : vector<16xi32>
        %get3A_144 = arith.constant 0 : i32
        %get3A_145 = arith.index_cast %get3A_144 : i32 to index
        %get3A_146 = arith.constant 0 : index
        %get3A_147 = tpu.vector_load %arg10[%get3A_145, %get3A_146] {strides = array<i32>} : memref<2x256xi32, #tpu.memory_space<vmem>>, vector<1x16xi32>,
        %get3A_148 = vector.shape_cast %get3A_147 : vector<1x16xi32> to vector<16xi32>
        %max3A_149 = arith.maxsi %max3A, %get3A_148 : vector<16xi32>
        %get3A_150 = arith.constant 0 : i32
        %get3A_151 = arith.index_cast %get3A_150 : i32 to index
        %get3A_152 = arith.constant 0 : index
        %get3A_153 = tpu.vector_load %arg10[%get3A_151, %get3A_152] {strides = array<i32>} : memref<2x256xi32, #tpu.memory_space<vmem>>, vector<1x16xi32>,
        %get3A_154 = vector.shape_cast %get3A_153 : vector<1x16xi32> to vector<16xi32>
        %min3A_155 = arith.minsi %max3A, %get3A_154 : vector<16xi32>
        %max3A_156 = arith.maxsi %min3A, %min3A_155 : vector<16xi32>
        %min3A_157 = arith.minsi %min3A, %min3A_155 : vector<16xi32>
        %add3A_158 = arith.constant 1 : i32
        %add3A_159 = vector.broadcast %add3A_158 : i32 to vector<16xi32>
        %add3A_160 = arith.addi %max3A_149, %add3A_159 : vector<16xi32>
        %mul3A_161 = arith.muli %max3A_149, %add3A_160 : vector<16xi32>
        %shift_right_arithmetic3A = arith.constant 1 : i32
        %shift_right_arithmetic3A_162 = vector.broadcast %shift_right_arithmetic3A : i32 to vector<16xi32>
        %shift_right_arithmetic3A_163 = arith.shrsi %mul3A_161, %shift_right_arithmetic3A_162 : vector<16xi32>
        %add3A_164 = arith.constant 2 : i32
        %add3A_165 = vector.broadcast %add3A_164 : i32 to vector<16xi32>
        %add3A_166 = arith.addi %max3A_149, %add3A_165 : vector<16xi32>
        %mul3A_167 = arith.muli %shift_right_arithmetic3A_163, %add3A_166 : vector<16xi32>
        %mul3A_168 = arith.constant -1431655765 : i32
        %mul3A_169 = vector.broadcast %mul3A_168 : i32 to vector<16xi32>
        %mul3A_170 = arith.muli %mul3A_167, %mul3A_169 : vector<16xi32>
        %add3A_171 = arith.constant 1 : i32
        %add3A_172 = vector.broadcast %add3A_171 : i32 to vector<16xi32>
        %add3A_173 = arith.addi %max3A_156, %add3A_172 : vector<16xi32>
        %mul3A_174 = arith.muli %max3A_156, %add3A_173 : vector<16xi32>
        %shift_right_arithmetic3A_175 = arith.constant 1 : i32
        %shift_right_arithmetic3A_176 = vector.broadcast %shift_right_arithmetic3A_175 : i32 to vector<16xi32>
        %shift_right_arithmetic3A_177 = arith.shrsi %mul3A_174, %shift_right_arithmetic3A_176 : vector<16xi32>
        %add3A_178 = arith.addi %mul3A_170, %shift_right_arithmetic3A_177 : vector<16xi32>
        %add3A_179 = arith.addi %add3A_178, %min3A_157 : vector<16xi32>
        %swap3A = arith.constant 0 : i32
        %swap3A_180 = arith.constant 0 : i32
        %swap3A_181 = arith.index_cast %swap3A : i32 to index
        %swap3A_182 = arith.index_cast %swap3A_180 : i32 to index
        %swap3A_183 = arith.constant 0 : index
        %swap3A_184 = tpu.vector_load %arg11[%swap3A_181, %swap3A_182, %swap3A_183] {strides = array<i32>} : memref<2x2x128xi32, #tpu.memory_space<vmem>>, vector<1x1x16xi32>,
        %swap3A_185 = vector.shape_cast %swap3A_184 : vector<1x1x16xi32> to vector<16xi32>
        %swap3A_186 = vector.shape_cast %add3A_179 : vector<16xi32> to vector<1x1x16xi32>
        tpu.vector_store %arg11[%swap3A_181, %swap3A_182, %swap3A_183], %swap3A_186 {strides = array<i32>} : memref<2x2x128xi32, #tpu.memory_space<vmem>>, vector<1x1x16xi32>,
        %get3A_187 = arith.constant 0 : i32
        %get3A_188 = arith.index_cast %get3A_187 : i32 to index
        %get3A_189 = arith.constant 16 : index
        %get3A_190 = tpu.vector_load %arg8[%get3A_188, %get3A_189] {strides = array<i32>} : memref<2x256xi32, #tpu.memory_space<vmem>>, vector<1x16xi32>,
        %get3A_191 = vector.shape_cast %get3A_190 : vector<1x16xi32> to vector<16xi32>
        %get3A_192 = arith.constant 0 : i32
        %get3A_193 = arith.index_cast %get3A_192 : i32 to index
        %get3A_194 = arith.constant 16 : index
        %get3A_195 = tpu.vector_load %arg9[%get3A_193, %get3A_194] {strides = array<i32>} : memref<2x256xi32, #tpu.memory_space<vmem>>, vector<1x16xi32>,
        %get3A_196 = vector.shape_cast %get3A_195 : vector<1x16xi32> to vector<16xi32>
        %min3A_197 = arith.minsi %get3A_191, %get3A_196 : vector<16xi32>
        %get3A_198 = arith.constant 0 : i32
        %get3A_199 = arith.index_cast %get3A_198 : i32 to index
        %get3A_200 = arith.constant 16 : index
        %get3A_201 = tpu.vector_load %arg8[%get3A_199, %get3A_200] {strides = array<i32>} : memref<2x256xi32, #tpu.memory_space<vmem>>, vector<1x16xi32>,
        %get3A_202 = vector.shape_cast %get3A_201 : vector<1x16xi32> to vector<16xi32>
        %get3A_203 = arith.constant 0 : i32
        %get3A_204 = arith.index_cast %get3A_203 : i32 to index
        %get3A_205 = arith.constant 16 : index
        %get3A_206 = tpu.vector_load %arg9[%get3A_204, %get3A_205] {strides = array<i32>} : memref<2x256xi32, #tpu.memory_space<vmem>>, vector<1x16xi32>,
        %get3A_207 = vector.shape_cast %get3A_206 : vector<1x16xi32> to vector<16xi32>
        %max3A_208 = arith.maxsi %get3A_202, %get3A_207 : vector<16xi32>
        %get3A_209 = arith.constant 0 : i32
        %get3A_210 = arith.index_cast %get3A_209 : i32 to index
        %get3A_211 = arith.constant 16 : index
        %get3A_212 = tpu.vector_load %arg10[%get3A_210, %get3A_211] {strides = array<i32>} : memref<2x256xi32, #tpu.memory_space<vmem>>, vector<1x16xi32>,
        %get3A_213 = vector.shape_cast %get3A_212 : vector<1x16xi32> to vector<16xi32>
        %max3A_214 = arith.maxsi %max3A_208, %get3A_213 : vector<16xi32>
        %get3A_215 = arith.constant 0 : i32
        %get3A_216 = arith.index_cast %get3A_215 : i32 to index
        %get3A_217 = arith.constant 16 : index
        %get3A_218 = tpu.vector_load %arg10[%get3A_216, %get3A_217] {strides = array<i32>} : memref<2x256xi32, #tpu.memory_space<vmem>>, vector<1x16xi32>,
        %get3A_219 = vector.shape_cast %get3A_218 : vector<1x16xi32> to vector<16xi32>
        %min3A_220 = arith.minsi %max3A_208, %get3A_219 : vector<16xi32>
        %max3A_221 = arith.maxsi %min3A_197, %min3A_220 : vector<16xi32>
        %min3A_222 = arith.minsi %min3A_197, %min3A_220 : vector<16xi32>
        %add3A_223 = arith.constant 1 : i32
        %add3A_224 = vector.broadcast %add3A_223 : i32 to vector<16xi32>
        %add3A_225 = arith.addi %max3A_214, %add3A_224 : vector<16xi32>
        %mul3A_226 = arith.muli %max3A_214, %add3A_225 : vector<16xi32>
        %shift_right_arithmetic3A_227 = arith.constant 1 : i32
        %shift_right_arithmetic3A_228 = vector.broadcast %shift_right_arithmetic3A_227 : i32 to vector<16xi32>
        %shift_right_arithmetic3A_229 = arith.shrsi %mul3A_226, %shift_right_arithmetic3A_228 : vector<16xi32>
        %add3A_230 = arith.constant 2 : i32
        %add3A_231 = vector.broadcast %add3A_230 : i32 to vector<16xi32>
        %add3A_232 = arith.addi %max3A_214, %add3A_231 : vector<16xi32>
        %mul3A_233 = arith.muli %shift_right_arithmetic3A_229, %add3A_232 : vector<16xi32>
        %mul3A_234 = arith.constant -1431655765 : i32
        %mul3A_235 = vector.broadcast %mul3A_234 : i32 to vector<16xi32>
        %mul3A_236 = arith.muli %mul3A_233, %mul3A_235 : vector<16xi32>
        %add3A_237 = arith.constant 1 : i32
        %add3A_238 = vector.broadcast %add3A_237 : i32 to vector<16xi32>
        %add3A_239 = arith.addi %max3A_221, %add3A_238 : vector<16xi32>
        %mul3A_240 = arith.muli %max3A_221, %add3A_239 : vector<16xi32>
        %shift_right_arithmetic3A_241 = arith.constant 1 : i32
        %shift_right_arithmetic3A_242 = vector.broadcast %shift_right_arithmetic3A_241 : i32 to vector<16xi32>
        %shift_right_arithmetic3A_243 = arith.shrsi %mul3A_240, %shift_right_arithmetic3A_242 : vector<16xi32>
        %add3A_244 = arith.addi %mul3A_236, %shift_right_arithmetic3A_243 : vector<16xi32>
        %add3A_245 = arith.addi %add3A_244, %min3A_222 : vector<16xi32>
        %swap3A_246 = arith.constant 0 : i32
        %swap3A_247 = arith.constant 0 : i32
        %swap3A_248 = arith.index_cast %swap3A_246 : i32 to index
        %swap3A_249 = arith.index_cast %swap3A_247 : i32 to index
        %swap3A_250 = arith.constant 16 : index
        %swap3A_251 = tpu.vector_load %arg11[%swap3A_248, %swap3A_249, %swap3A_250] {strides = array<i32>} : memref<2x2x128xi32, #tpu.memory_space<vmem>>, vector<1x1x16xi32>,
        %swap3A_252 = vector.shape_cast %swap3A_251 : vector<1x1x16xi32> to vector<16xi32>
        %swap3A_253 = vector.shape_cast %add3A_245 : vector<16xi32> to vector<1x1x16xi32>
        tpu.vector_store %arg11[%swap3A_248, %swap3A_249, %swap3A_250], %swap3A_253 {strides = array<i32>} : memref<2x2x128xi32, #tpu.memory_space<vmem>>, vector<1x1x16xi32>,
        %get3A_254 = arith.constant 0 : i32
        %get3A_255 = arith.index_cast %get3A_254 : i32 to index
        %get3A_256 = arith.constant 32 : index
        %get3A_257 = tpu.vector_load %arg8[%get3A_255, %get3A_256] {strides = array<i32>} : memref<2x256xi32, #tpu.memory_space<vmem>>, vector<1x16xi32>,
        %get3A_258 = vector.shape_cast %get3A_257 : vector<1x16xi32> to vector<16xi32>
        %get3A_259 = arith.constant 0 : i32
        %get3A_260 = arith.index_cast %get3A_259 : i32 to index
        %get3A_261 = arith.constant 32 : index
        %get3A_262 = tpu.vector_load %arg9[%get3A_260, %get3A_261] {strides = array<i32>} : memref<2x256xi32, #tpu.memory_space<vmem>>, vector<1x16xi32>,
        %get3A_263 = vector.shape_cast %get3A_262 : vector<1x16xi32> to vector<16xi32>
        %min3A_264 = arith.minsi %get3A_258, %get3A_263 : vector<16xi32>
        %get3A_265 = arith.constant 0 : i32
        %get3A_266 = arith.index_cast %get3A_265 : i32 to index
        %get3A_267 = arith.constant 32 : index
        %get3A_268 = tpu.vector_load %arg8[%get3A_266, %get3A_267] {strides = array<i32>} : memref<2x256xi32, #tpu.memory_space<vmem>>, vector<1x16xi32>,
        %get3A_269 = vector.shape_cast %get3A_268 : vector<1x16xi32> to vector<16xi32>
        %get3A_270 = arith.constant 0 : i32
        %get3A_271 = arith.index_cast %get3A_270 : i32 to index
        %get3A_272 = arith.constant 32 : index
        %get3A_273 = tpu.vector_load %arg9[%get3A_271, %get3A_272] {strides = array<i32>} : memref<2x256xi32, #tpu.memory_space<vmem>>, vector<1x16xi32>,
        %get3A_274 = vector.shape_cast %get3A_273 : vector<1x16xi32> to vector<16xi32>
        %max3A_275 = arith.maxsi %get3A_269, %get3A_274 : vector<16xi32>
        %get3A_276 = arith.constant 0 : i32
        %get3A_277 = arith.index_cast %get3A_276 : i32 to index
        %get3A_278 = arith.constant 32 : index
        %get3A_279 = tpu.vector_load %arg10[%get3A_277, %get3A_278] {strides = array<i32>} : memref<2x256xi32, #tpu.memory_space<vmem>>, vector<1x16xi32>,
        %get3A_280 = vector.shape_cast %get3A_279 : vector<1x16xi32> to vector<16xi32>
        %max3A_281 = arith.maxsi %max3A_275, %get3A_280 : vector<16xi32>
        %get3A_282 = arith.constant 0 : i32
        %get3A_283 = arith.index_cast %get3A_282 : i32 to index
        %get3A_284 = arith.constant 32 : index
        %get3A_285 = tpu.vector_load %arg10[%get3A_283, %get3A_284] {strides = array<i32>} : memref<2x256xi32, #tpu.memory_space<vmem>>, vector<1x16xi32>,
        %get3A_286 = vector.shape_cast %get3A_285 : vector<1x16xi32> to vector<16xi32>
        %min3A_287 = arith.minsi %max3A_275, %get3A_286 : vector<16xi32>
        %max3A_288 = arith.maxsi %min3A_264, %min3A_287 : vector<16xi32>
        %min3A_289 = arith.minsi %min3A_264, %min3A_287 : vector<16xi32>
        %add3A_290 = arith.constant 1 : i32
        %add3A_291 = vector.broadcast %add3A_290 : i32 to vector<16xi32>
        %add3A_292 = arith.addi %max3A_281, %add3A_291 : vector<16xi32>
        %mul3A_293 = arith.muli %max3A_281, %add3A_292 : vector<16xi32>
        %shift_right_arithmetic3A_294 = arith.constant 1 : i32
        %shift_right_arithmetic3A_295 = vector.broadcast %shift_right_arithmetic3A_294 : i32 to vector<16xi32>
        %shift_right_arithmetic3A_296 = arith.shrsi %mul3A_293, %shift_right_arithmetic3A_295 : vector<16xi32>
        %add3A_297 = arith.constant 2 : i32
        %add3A_298 = vector.broadcast %add3A_297 : i32 to vector<16xi32>
        %add3A_299 = arith.addi %max3A_281, %add3A_298 : vector<16xi32>
        %mul3A_300 = arith.muli %shift_right_arithmetic3A_296, %add3A_299 : vector<16xi32>
        %mul3A_301 = arith.constant -1431655765 : i32
        %mul3A_302 = vector.broadcast %mul3A_301 : i32 to vector<16xi32>
        %mul3A_303 = arith.muli %mul3A_300, %mul3A_302 : vector<16xi32>
        %add3A_304 = arith.constant 1 : i32
        %add3A_305 = vector.broadcast %add3A_304 : i32 to vector<16xi32>
        %add3A_306 = arith.addi %max3A_288, %add3A_305 : vector<16xi32>
        %mul3A_307 = arith.muli %max3A_288, %add3A_306 : vector<16xi32>
        %shift_right_arithmetic3A_308 = arith.constant 1 : i32
        %shift_right_arithmetic3A_309 = vector.broadcast %shift_right_arithmetic3A_308 : i32 to vector<16xi32>
        %shift_right_arithmetic3A_310 = arith.shrsi %mul3A_307, %shift_right_arithmetic3A_309 : vector<16xi32>
        %add3A_311 = arith.addi %mul3A_303, %shift_right_arithmetic3A_310 : vector<16xi32>
        %add3A_312 = arith.addi %add3A_311, %min3A_289 : vector<16xi32>
        %swap3A_313 = arith.constant 0 : i32
        %swap3A_314 = arith.constant 0 : i32
        %swap3A_315 = arith.index_cast %swap3A_313 : i32 to index
        %swap3A_316 = arith.index_cast %swap3A_314 : i32 to index
        %swap3A_317 = arith.constant 32 : index
        %swap3A_318 = tpu.vector_load %arg11[%swap3A_315, %swap3A_316, %swap3A_317] {strides = array<i32>} : memref<2x2x128xi32, #tpu.memory_space<vmem>>, vector<1x1x16xi32>,
        %swap3A_319 = vector.shape_cast %swap3A_318 : vector<1x1x16xi32> to vector<16xi32>
        %swap3A_320 = vector.shape_cast %add3A_312 : vector<16xi32> to vector<1x1x16xi32>
        tpu.vector_store %arg11[%swap3A_315, %swap3A_316, %swap3A_317], %swap3A_320 {strides = array<i32>} : memref<2x2x128xi32, #tpu.memory_space<vmem>>, vector<1x1x16xi32>,
        %get3A_321 = arith.constant 0 : i32
        %get3A_322 = arith.index_cast %get3A_321 : i32 to index
        %get3A_323 = arith.constant 48 : index
        %get3A_324 = tpu.vector_load %arg8[%get3A_322, %get3A_323] {strides = array<i32>} : memref<2x256xi32, #tpu.memory_space<vmem>>, vector<1x16xi32>,
        %get3A_325 = vector.shape_cast %get3A_324 : vector<1x16xi32> to vector<16xi32>
        %get3A_326 = arith.constant 0 : i32
        %get3A_327 = arith.index_cast %get3A_326 : i32 to index
        %get3A_328 = arith.constant 48 : index
        %get3A_329 = tpu.vector_load %arg9[%get3A_327, %get3A_328] {strides = array<i32>} : memref<2x256xi32, #tpu.memory_space<vmem>>, vector<1x16xi32>,
        %get3A_330 = vector.shape_cast %get3A_329 : vector<1x16xi32> to vector<16xi32>
        %min3A_331 = arith.minsi %get3A_325, %get3A_330 : vector<16xi32>
        %get3A_332 = arith.constant 0 : i32
        %get3A_333 = arith.index_cast %get3A_332 : i32 to index
        %get3A_334 = arith.constant 48 : index
        %get3A_335 = tpu.vector_load %arg8[%get3A_333, %get3A_334] {strides = array<i32>} : memref<2x256xi32, #tpu.memory_space<vmem>>, vector<1x16xi32>,
        %get3A_336 = vector.shape_cast %get3A_335 : vector<1x16xi32> to vector<16xi32>
        %get3A_337 = arith.constant 0 : i32
        %get3A_338 = arith.index_cast %get3A_337 : i32 to index
        %get3A_339 = arith.constant 48 : index
        %get3A_340 = tpu.vector_load %arg9[%get3A_338, %get3A_339] {strides = array<i32>} : memref<2x256xi32, #tpu.memory_space<vmem>>, vector<1x16xi32>,
        %get3A_341 = vector.shape_cast %get3A_340 : vector<1x16xi32> to vector<16xi32>
        %max3A_342 = arith.maxsi %get3A_336, %get3A_341 : vector<16xi32>
        %get3A_343 = arith.constant 0 : i32
        %get3A_344 = arith.index_cast %get3A_343 : i32 to index
        %get3A_345 = arith.constant 48 : index
        %get3A_346 = tpu.vector_load %arg10[%get3A_344, %get3A_345] {strides = array<i32>} : memref<2x256xi32, #tpu.memory_space<vmem>>, vector<1x16xi32>,
        %get3A_347 = vector.shape_cast %get3A_346 : vector<1x16xi32> to vector<16xi32>
        %max3A_348 = arith.maxsi %max3A_342, %get3A_347 : vector<16xi32>
        %get3A_349 = arith.constant 0 : i32
        %get3A_350 = arith.index_cast %get3A_349 : i32 to index
        %get3A_351 = arith.constant 48 : index
        %get3A_352 = tpu.vector_load %arg10[%get3A_350, %get3A_351] {strides = array<i32>} : memref<2x256xi32, #tpu.memory_space<vmem>>, vector<1x16xi32>,
        %get3A_353 = vector.shape_cast %get3A_352 : vector<1x16xi32> to vector<16xi32>
        %min3A_354 = arith.minsi %max3A_342, %get3A_353 : vector<16xi32>
        %max3A_355 = arith.maxsi %min3A_331, %min3A_354 : vector<16xi32>
        %min3A_356 = arith.minsi %min3A_331, %min3A_354 : vector<16xi32>
        %add3A_357 = arith.constant 1 : i32
        %add3A_358 = vector.broadcast %add3A_357 : i32 to vector<16xi32>
        %add3A_359 = arith.addi %max3A_348, %add3A_358 : vector<16xi32>
        %mul3A_360 = arith.muli %max3A_348, %add3A_359 : vector<16xi32>
        %shift_right_arithmetic3A_361 = arith.constant 1 : i32
        %shift_right_arithmetic3A_362 = vector.broadcast %shift_right_arithmetic3A_361 : i32 to vector<16xi32>
        %shift_right_arithmetic3A_363 = arith.shrsi %mul3A_360, %shift_right_arithmetic3A_362 : vector<16xi32>
        %add3A_364 = arith.constant 2 : i32
        %add3A_365 = vector.broadcast %add3A_364 : i32 to vector<16xi32>
        %add3A_366 = arith.addi %max3A_348, %add3A_365 : vector<16xi32>
        %mul3A_367 = arith.muli %shift_right_arithmetic3A_363, %add3A_366 : vector<16xi32>
        %mul3A_368 = arith.constant -1431655765 : i32
        %mul3A_369 = vector.broadcast %mul3A_368 : i32 to vector<16xi32>
        %mul3A_370 = arith.muli %mul3A_367, %mul3A_369 : vector<16xi32>
        %add3A_371 = arith.constant 1 : i32
        %add3A_372 = vector.broadcast %add3A_371 : i32 to vector<16xi32>
        %add3A_373 = arith.addi %max3A_355, %add3A_372 : vector<16xi32>
        %mul3A_374 = arith.muli %max3A_355, %add3A_373 : vector<16xi32>
        %shift_right_arithmetic3A_375 = arith.constant 1 : i32
        %shift_right_arithmetic3A_376 = vector.broadcast %shift_right_arithmetic3A_375 : i32 to vector<16xi32>
        %shift_right_arithmetic3A_377 = arith.shrsi %mul3A_374, %shift_right_arithmetic3A_376 : vector<16xi32>
        %add3A_378 = arith.addi %mul3A_370, %shift_right_arithmetic3A_377 : vector<16xi32>
        %add3A_379 = arith.addi %add3A_378, %min3A_356 : vector<16xi32>
        %swap3A_380 = arith.constant 0 : i32
        %swap3A_381 = arith.constant 0 : i32
        %swap3A_382 = arith.index_cast %swap3A_380 : i32 to index
        %swap3A_383 = arith.index_cast %swap3A_381 : i32 to index
        %swap3A_384 = arith.constant 48 : index
        %swap3A_385 = tpu.vector_load %arg11[%swap3A_382, %swap3A_383, %swap3A_384] {strides = array<i32>} : memref<2x2x128xi32, #tpu.memory_space<vmem>>, vector<1x1x16xi32>,
        %swap3A_386 = vector.shape_cast %swap3A_385 : vector<1x1x16xi32> to vector<16xi32>
        %swap3A_387 = vector.shape_cast %add3A_379 : vector<16xi32> to vector<1x1x16xi32>
        tpu.vector_store %arg11[%swap3A_382, %swap3A_383, %swap3A_384], %swap3A_387 {strides = array<i32>} : memref<2x2x128xi32, #tpu.memory_space<vmem>>, vector<1x1x16xi32>,
        %get3A_388 = arith.constant 0 : i32
        %get3A_389 = arith.index_cast %get3A_388 : i32 to index
        %get3A_390 = arith.constant 64 : index
        %get3A_391 = tpu.vector_load %arg8[%get3A_389, %get3A_390] {strides = array<i32>} : memref<2x256xi32, #tpu.memory_space<vmem>>, vector<1x16xi32>,
        %get3A_392 = vector.shape_cast %get3A_391 : vector<1x16xi32> to vector<16xi32>
        %get3A_393 = arith.constant 0 : i32
        %get3A_394 = arith.index_cast %get3A_393 : i32 to index
        %get3A_395 = arith.constant 64 : index
        %get3A_396 = tpu.vector_load %arg9[%get3A_394, %get3A_395] {strides = array<i32>} : memref<2x256xi32, #tpu.memory_space<vmem>>, vector<1x16xi32>,
        %get3A_397 = vector.shape_cast %get3A_396 : vector<1x16xi32> to vector<16xi32>
        %min3A_398 = arith.minsi %get3A_392, %get3A_397 : vector<16xi32>
        %get3A_399 = arith.constant 0 : i32
        %get3A_400 = arith.index_cast %get3A_399 : i32 to index
        %get3A_401 = arith.constant 64 : index
        %get3A_402 = tpu.vector_load %arg8[%get3A_400, %get3A_401] {strides = array<i32>} : memref<2x256xi32, #tpu.memory_space<vmem>>, vector<1x16xi32>,
        %get3A_403 = vector.shape_cast %get3A_402 : vector<1x16xi32> to vector<16xi32>
        %get3A_404 = arith.constant 0 : i32
        %get3A_405 = arith.index_cast %get3A_404 : i32 to index
        %get3A_406 = arith.constant 64 : index
        %get3A_407 = tpu.vector_load %arg9[%get3A_405, %get3A_406] {strides = array<i32>} : memref<2x256xi32, #tpu.memory_space<vmem>>, vector<1x16xi32>,
        %get3A_408 = vector.shape_cast %get3A_407 : vector<1x16xi32> to vector<16xi32>
        %max3A_409 = arith.maxsi %get3A_403, %get3A_408 : vector<16xi32>
        %get3A_410 = arith.constant 0 : i32
        %get3A_411 = arith.index_cast %get3A_410 : i32 to index
        %get3A_412 = arith.constant 64 : index
        %get3A_413 = tpu.vector_load %arg10[%get3A_411, %get3A_412] {strides = array<i32>} : memref<2x256xi32, #tpu.memory_space<vmem>>, vector<1x16xi32>,
        %get3A_414 = vector.shape_cast %get3A_413 : vector<1x16xi32> to vector<16xi32>
        %max3A_415 = arith.maxsi %max3A_409, %get3A_414 : vector<16xi32>
        %get3A_416 = arith.constant 0 : i32
        %get3A_417 = arith.index_cast %get3A_416 : i32 to index
        %get3A_418 = arith.constant 64 : index
        %get3A_419 = tpu.vector_load %arg10[%get3A_417, %get3A_418] {strides = array<i32>} : memref<2x256xi32, #tpu.memory_space<vmem>>, vector<1x16xi32>,
        %get3A_420 = vector.shape_cast %get3A_419 : vector<1x16xi32> to vector<16xi32>
        %min3A_421 = arith.minsi %max3A_409, %get3A_420 : vector<16xi32>
        %max3A_422 = arith.maxsi %min3A_398, %min3A_421 : vector<16xi32>
        %min3A_423 = arith.minsi %min3A_398, %min3A_421 : vector<16xi32>
        %add3A_424 = arith.constant 1 : i32
        %add3A_425 = vector.broadcast %add3A_424 : i32 to vector<16xi32>
        %add3A_426 = arith.addi %max3A_415, %add3A_425 : vector<16xi32>
        %mul3A_427 = arith.muli %max3A_415, %add3A_426 : vector<16xi32>
        %shift_right_arithmetic3A_428 = arith.constant 1 : i32
        %shift_right_arithmetic3A_429 = vector.broadcast %shift_right_arithmetic3A_428 : i32 to vector<16xi32>
        %shift_right_arithmetic3A_430 = arith.shrsi %mul3A_427, %shift_right_arithmetic3A_429 : vector<16xi32>
        %add3A_431 = arith.constant 2 : i32
        %add3A_432 = vector.broadcast %add3A_431 : i32 to vector<16xi32>
        %add3A_433 = arith.addi %max3A_415, %add3A_432 : vector<16xi32>
        %mul3A_434 = arith.muli %shift_right_arithmetic3A_430, %add3A_433 : vector<16xi32>
        %mul3A_435 = arith.constant -1431655765 : i32
        %mul3A_436 = vector.broadcast %mul3A_435 : i32 to vector<16xi32>
        %mul3A_437 = arith.muli %mul3A_434, %mul3A_436 : vector<16xi32>
        %add3A_438 = arith.constant 1 : i32
        %add3A_439 = vector.broadcast %add3A_438 : i32 to vector<16xi32>
        %add3A_440 = arith.addi %max3A_422, %add3A_439 : vector<16xi32>
        %mul3A_441 = arith.muli %max3A_422, %add3A_440 : vector<16xi32>
        %shift_right_arithmetic3A_442 = arith.constant 1 : i32
        %shift_right_arithmetic3A_443 = vector.broadcast %shift_right_arithmetic3A_442 : i32 to vector<16xi32>
        %shift_right_arithmetic3A_444 = arith.shrsi %mul3A_441, %shift_right_arithmetic3A_443 : vector<16xi32>
        %add3A_445 = arith.addi %mul3A_437, %shift_right_arithmetic3A_444 : vector<16xi32>
        %add3A_446 = arith.addi %add3A_445, %min3A_423 : vector<16xi32>
        %swap3A_447 = arith.constant 0 : i32
        %swap3A_448 = arith.constant 0 : i32
        %swap3A_449 = arith.index_cast %swap3A_447 : i32 to index
        %swap3A_450 = arith.index_cast %swap3A_448 : i32 to index
        %swap3A_451 = arith.constant 64 : index
        %swap3A_452 = tpu.vector_load %arg11[%swap3A_449, %swap3A_450, %swap3A_451] {strides = array<i32>} : memref<2x2x128xi32, #tpu.memory_space<vmem>>, vector<1x1x16xi32>,
        %swap3A_453 = vector.shape_cast %swap3A_452 : vector<1x1x16xi32> to vector<16xi32>
        %swap3A_454 = vector.shape_cast %add3A_446 : vector<16xi32> to vector<1x1x16xi32>
        tpu.vector_store %arg11[%swap3A_449, %swap3A_450, %swap3A_451], %swap3A_454 {strides = array<i32>} : memref<2x2x128xi32, #tpu.memory_space<vmem>>, vector<1x1x16xi32>,
        %get3A_455 = arith.constant 0 : i32
        %get3A_456 = arith.index_cast %get3A_455 : i32 to index
        %get3A_457 = arith.constant 80 : index
        %get3A_458 = tpu.vector_load %arg8[%get3A_456, %get3A_457] {strides = array<i32>} : memref<2x256xi32, #tpu.memory_space<vmem>>, vector<1x16xi32>,
        %get3A_459 = vector.shape_cast %get3A_458 : vector<1x16xi32> to vector<16xi32>
        %get3A_460 = arith.constant 0 : i32
        %get3A_461 = arith.index_cast %get3A_460 : i32 to index
        %get3A_462 = arith.constant 80 : index
        %get3A_463 = tpu.vector_load %arg9[%get3A_461, %get3A_462] {strides = array<i32>} : memref<2x256xi32, #tpu.memory_space<vmem>>, vector<1x16xi32>,
        %get3A_464 = vector.shape_cast %get3A_463 : vector<1x16xi32> to vector<16xi32>
        %min3A_465 = arith.minsi %get3A_459, %get3A_464 : vector<16xi32>
        %get3A_466 = arith.constant 0 : i32
        %get3A_467 = arith.index_cast %get3A_466 : i32 to index
        %get3A_468 = arith.constant 80 : index
        %get3A_469 = tpu.vector_load %arg8[%get3A_467, %get3A_468] {strides = array<i32>} : memref<2x256xi32, #tpu.memory_space<vmem>>, vector<1x16xi32>,
        %get3A_470 = vector.shape_cast %get3A_469 : vector<1x16xi32> to vector<16xi32>
        %get3A_471 = arith.constant 0 : i32
        %get3A_472 = arith.index_cast %get3A_471 : i32 to index
        %get3A_473 = arith.constant 80 : index
        %get3A_474 = tpu.vector_load %arg9[%get3A_472, %get3A_473] {strides = array<i32>} : memref<2x256xi32, #tpu.memory_space<vmem>>, vector<1x16xi32>,
        %get3A_475 = vector.shape_cast %get3A_474 : vector<1x16xi32> to vector<16xi32>
        %max3A_476 = arith.maxsi %get3A_470, %get3A_475 : vector<16xi32>
        %get3A_477 = arith.constant 0 : i32
        %get3A_478 = arith.index_cast %get3A_477 : i32 to index
        %get3A_479 = arith.constant 80 : index
        %get3A_480 = tpu.vector_load %arg10[%get3A_478, %get3A_479] {strides = array<i32>} : memref<2x256xi32, #tpu.memory_space<vmem>>, vector<1x16xi32>,
        %get3A_481 = vector.shape_cast %get3A_480 : vector<1x16xi32> to vector<16xi32>
        %max3A_482 = arith.maxsi %max3A_476, %get3A_481 : vector<16xi32>
        %get3A_483 = arith.constant 0 : i32
        %get3A_484 = arith.index_cast %get3A_483 : i32 to index
        %get3A_485 = arith.constant 80 : index
        %get3A_486 = tpu.vector_load %arg10[%get3A_484, %get3A_485] {strides = array<i32>} : memref<2x256xi32, #tpu.memory_space<vmem>>, vector<1x16xi32>,
        %get3A_487 = vector.shape_cast %get3A_486 : vector<1x16xi32> to vector<16xi32>
        %min3A_488 = arith.minsi %max3A_476, %get3A_487 : vector<16xi32>
        %max3A_489 = arith.maxsi %min3A_465, %min3A_488 : vector<16xi32>
        %min3A_490 = arith.minsi %min3A_465, %min3A_488 : vector<16xi32>
        %add3A_491 = arith.constant 1 : i32
        %add3A_492 = vector.broadcast %add3A_491 : i32 to vector<16xi32>
        %add3A_493 = arith.addi %max3A_482, %add3A_492 : vector<16xi32>
        %mul3A_494 = arith.muli %max3A_482, %add3A_493 : vector<16xi32>
        %shift_right_arithmetic3A_495 = arith.constant 1 : i32
        %shift_right_arithmetic3A_496 = vector.broadcast %shift_right_arithmetic3A_495 : i32 to vector<16xi32>
        %shift_right_arithmetic3A_497 = arith.shrsi %mul3A_494, %shift_right_arithmetic3A_496 : vector<16xi32>
        %add3A_498 = arith.constant 2 : i32
        %add3A_499 = vector.broadcast %add3A_498 : i32 to vector<16xi32>
        %add3A_500 = arith.addi %max3A_482, %add3A_499 : vector<16xi32>
        %mul3A_501 = arith.muli %shift_right_arithmetic3A_497, %add3A_500 : vector<16xi32>
        %mul3A_502 = arith.constant -1431655765 : i32
        %mul3A_503 = vector.broadcast %mul3A_502 : i32 to vector<16xi32>
        %mul3A_504 = arith.muli %mul3A_501, %mul3A_503 : vector<16xi32>
        %add3A_505 = arith.constant 1 : i32
        %add3A_506 = vector.broadcast %add3A_505 : i32 to vector<16xi32>
        %add3A_507 = arith.addi %max3A_489, %add3A_506 : vector<16xi32>
        %mul3A_508 = arith.muli %max3A_489, %add3A_507 : vector<16xi32>
        %shift_right_arithmetic3A_509 = arith.constant 1 : i32
        %shift_right_arithmetic3A_510 = vector.broadcast %shift_right_arithmetic3A_509 : i32 to vector<16xi32>
        %shift_right_arithmetic3A_511 = arith.shrsi %mul3A_508, %shift_right_arithmetic3A_510 : vector<16xi32>
        %add3A_512 = arith.addi %mul3A_504, %shift_right_arithmetic3A_511 : vector<16xi32>
        %add3A_513 = arith.addi %add3A_512, %min3A_490 : vector<16xi32>
        %swap3A_514 = arith.constant 0 : i32
        %swap3A_515 = arith.constant 0 : i32
        %swap3A_516 = arith.index_cast %swap3A_514 : i32 to index
        %swap3A_517 = arith.index_cast %swap3A_515 : i32 to index
        %swap3A_518 = arith.constant 80 : index
        %swap3A_519 = tpu.vector_load %arg11[%swap3A_516, %swap3A_517, %swap3A_518] {strides = array<i32>} : memref<2x2x128xi32, #tpu.memory_space<vmem>>, vector<1x1x16xi32>,
        %swap3A_520 = vector.shape_cast %swap3A_519 : vector<1x1x16xi32> to vector<16xi32>
        %swap3A_521 = vector.shape_cast %add3A_513 : vector<16xi32> to vector<1x1x16xi32>
        tpu.vector_store %arg11[%swap3A_516, %swap3A_517, %swap3A_518], %swap3A_521 {strides = array<i32>} : memref<2x2x128xi32, #tpu.memory_space<vmem>>, vector<1x1x16xi32>,
        %get3A_522 = arith.constant 0 : i32
        %get3A_523 = arith.index_cast %get3A_522 : i32 to index
        %get3A_524 = arith.constant 96 : index
        %get3A_525 = tpu.vector_load %arg8[%get3A_523, %get3A_524] {strides = array<i32>} : memref<2x256xi32, #tpu.memory_space<vmem>>, vector<1x16xi32>,
        %get3A_526 = vector.shape_cast %get3A_525 : vector<1x16xi32> to vector<16xi32>
        %get3A_527 = arith.constant 0 : i32
        %get3A_528 = arith.index_cast %get3A_527 : i32 to index
        %get3A_529 = arith.constant 96 : index
        %get3A_530 = tpu.vector_load %arg9[%get3A_528, %get3A_529] {strides = array<i32>} : memref<2x256xi32, #tpu.memory_space<vmem>>, vector<1x16xi32>,
        %get3A_531 = vector.shape_cast %get3A_530 : vector<1x16xi32> to vector<16xi32>
        %min3A_532 = arith.minsi %get3A_526, %get3A_531 : vector<16xi32>
        %get3A_533 = arith.constant 0 : i32
        %get3A_534 = arith.index_cast %get3A_533 : i32 to index
        %get3A_535 = arith.constant 96 : index
        %get3A_536 = tpu.vector_load %arg8[%get3A_534, %get3A_535] {strides = array<i32>} : memref<2x256xi32, #tpu.memory_space<vmem>>, vector<1x16xi32>,
        %get3A_537 = vector.shape_cast %get3A_536 : vector<1x16xi32> to vector<16xi32>
        %get3A_538 = arith.constant 0 : i32
        %get3A_539 = arith.index_cast %get3A_538 : i32 to index
        %get3A_540 = arith.constant 96 : index
        %get3A_541 = tpu.vector_load %arg9[%get3A_539, %get3A_540] {strides = array<i32>} : memref<2x256xi32, #tpu.memory_space<vmem>>, vector<1x16xi32>,
        %get3A_542 = vector.shape_cast %get3A_541 : vector<1x16xi32> to vector<16xi32>
        %max3A_543 = arith.maxsi %get3A_537, %get3A_542 : vector<16xi32>
        %get3A_544 = arith.constant 0 : i32
        %get3A_545 = arith.index_cast %get3A_544 : i32 to index
        %get3A_546 = arith.constant 96 : index
        %get3A_547 = tpu.vector_load %arg10[%get3A_545, %get3A_546] {strides = array<i32>} : memref<2x256xi32, #tpu.memory_space<vmem>>, vector<1x16xi32>,
        %get3A_548 = vector.shape_cast %get3A_547 : vector<1x16xi32> to vector<16xi32>
        %max3A_549 = arith.maxsi %max3A_543, %get3A_548 : vector<16xi32>
        %get3A_550 = arith.constant 0 : i32
        %get3A_551 = arith.index_cast %get3A_550 : i32 to index
        %get3A_552 = arith.constant 96 : index
        %get3A_553 = tpu.vector_load %arg10[%get3A_551, %get3A_552] {strides = array<i32>} : memref<2x256xi32, #tpu.memory_space<vmem>>, vector<1x16xi32>,
        %get3A_554 = vector.shape_cast %get3A_553 : vector<1x16xi32> to vector<16xi32>
        %min3A_555 = arith.minsi %max3A_543, %get3A_554 : vector<16xi32>
        %max3A_556 = arith.maxsi %min3A_532, %min3A_555 : vector<16xi32>
        %min3A_557 = arith.minsi %min3A_532, %min3A_555 : vector<16xi32>
        %add3A_558 = arith.constant 1 : i32
        %add3A_559 = vector.broadcast %add3A_558 : i32 to vector<16xi32>
        %add3A_560 = arith.addi %max3A_549, %add3A_559 : vector<16xi32>
        %mul3A_561 = arith.muli %max3A_549, %add3A_560 : vector<16xi32>
        %shift_right_arithmetic3A_562 = arith.constant 1 : i32
        %shift_right_arithmetic3A_563 = vector.broadcast %shift_right_arithmetic3A_562 : i32 to vector<16xi32>
        %shift_right_arithmetic3A_564 = arith.shrsi %mul3A_561, %shift_right_arithmetic3A_563 : vector<16xi32>
        %add3A_565 = arith.constant 2 : i32
        %add3A_566 = vector.broadcast %add3A_565 : i32 to vector<16xi32>
        %add3A_567 = arith.addi %max3A_549, %add3A_566 : vector<16xi32>
        %mul3A_568 = arith.muli %shift_right_arithmetic3A_564, %add3A_567 : vector<16xi32>
        %mul3A_569 = arith.constant -1431655765 : i32
        %mul3A_570 = vector.broadcast %mul3A_569 : i32 to vector<16xi32>
        %mul3A_571 = arith.muli %mul3A_568, %mul3A_570 : vector<16xi32>
        %add3A_572 = arith.constant 1 : i32
        %add3A_573 = vector.broadcast %add3A_572 : i32 to vector<16xi32>
        %add3A_574 = arith.addi %max3A_556, %add3A_573 : vector<16xi32>
        %mul3A_575 = arith.muli %max3A_556, %add3A_574 : vector<16xi32>
        %shift_right_arithmetic3A_576 = arith.constant 1 : i32
        %shift_right_arithmetic3A_577 = vector.broadcast %shift_right_arithmetic3A_576 : i32 to vector<16xi32>
        %shift_right_arithmetic3A_578 = arith.shrsi %mul3A_575, %shift_right_arithmetic3A_577 : vector<16xi32>
        %add3A_579 = arith.addi %mul3A_571, %shift_right_arithmetic3A_578 : vector<16xi32>
        %add3A_580 = arith.addi %add3A_579, %min3A_557 : vector<16xi32>
        %swap3A_581 = arith.constant 0 : i32
        %swap3A_582 = arith.constant 0 : i32
        %swap3A_583 = arith.index_cast %swap3A_581 : i32 to index
        %swap3A_584 = arith.index_cast %swap3A_582 : i32 to index
        %swap3A_585 = arith.constant 96 : index
        %swap3A_586 = tpu.vector_load %arg11[%swap3A_583, %swap3A_584, %swap3A_585] {strides = array<i32>} : memref<2x2x128xi32, #tpu.memory_space<vmem>>, vector<1x1x16xi32>,
        %swap3A_587 = vector.shape_cast %swap3A_586 : vector<1x1x16xi32> to vector<16xi32>
        %swap3A_588 = vector.shape_cast %add3A_580 : vector<16xi32> to vector<1x1x16xi32>
        tpu.vector_store %arg11[%swap3A_583, %swap3A_584, %swap3A_585], %swap3A_588 {strides = array<i32>} : memref<2x2x128xi32, #tpu.memory_space<vmem>>, vector<1x1x16xi32>,
        %get3A_589 = arith.constant 0 : i32
        %get3A_590 = arith.index_cast %get3A_589 : i32 to index
        %get3A_591 = arith.constant 112 : index
        %get3A_592 = tpu.vector_load %arg8[%get3A_590, %get3A_591] {strides = array<i32>} : memref<2x256xi32, #tpu.memory_space<vmem>>, vector<1x16xi32>,
        %get3A_593 = vector.shape_cast %get3A_592 : vector<1x16xi32> to vector<16xi32>
        %get3A_594 = arith.constant 0 : i32
        %get3A_595 = arith.index_cast %get3A_594 : i32 to index
        %get3A_596 = arith.constant 112 : index
        %get3A_597 = tpu.vector_load %arg9[%get3A_595, %get3A_596] {strides = array<i32>} : memref<2x256xi32, #tpu.memory_space<vmem>>, vector<1x16xi32>,
        %get3A_598 = vector.shape_cast %get3A_597 : vector<1x16xi32> to vector<16xi32>
        %min3A_599 = arith.minsi %get3A_593, %get3A_598 : vector<16xi32>
        %get3A_600 = arith.constant 0 : i32
        %get3A_601 = arith.index_cast %get3A_600 : i32 to index
        %get3A_602 = arith.constant 112 : index
        %get3A_603 = tpu.vector_load %arg8[%get3A_601, %get3A_602] {strides = array<i32>} : memref<2x256xi32, #tpu.memory_space<vmem>>, vector<1x16xi32>,
        %get3A_604 = vector.shape_cast %get3A_603 : vector<1x16xi32> to vector<16xi32>
        %get3A_605 = arith.constant 0 : i32
        %get3A_606 = arith.index_cast %get3A_605 : i32 to index
        %get3A_607 = arith.constant 112 : index
        %get3A_608 = tpu.vector_load %arg9[%get3A_606, %get3A_607] {strides = array<i32>} : memref<2x256xi32, #tpu.memory_space<vmem>>, vector<1x16xi32>,
        %get3A_609 = vector.shape_cast %get3A_608 : vector<1x16xi32> to vector<16xi32>
        %max3A_610 = arith.maxsi %get3A_604, %get3A_609 : vector<16xi32>
        %get3A_611 = arith.constant 0 : i32
        %get3A_612 = arith.index_cast %get3A_611 : i32 to index
        %get3A_613 = arith.constant 112 : index
        %get3A_614 = tpu.vector_load %arg10[%get3A_612, %get3A_613] {strides = array<i32>} : memref<2x256xi32, #tpu.memory_space<vmem>>, vector<1x16xi32>,
        %get3A_615 = vector.shape_cast %get3A_614 : vector<1x16xi32> to vector<16xi32>
        %max3A_616 = arith.maxsi %max3A_610, %get3A_615 : vector<16xi32>
        %get3A_617 = arith.constant 0 : i32
        %get3A_618 = arith.index_cast %get3A_617 : i32 to index
        %get3A_619 = arith.constant 112 : index
        %get3A_620 = tpu.vector_load %arg10[%get3A_618, %get3A_619] {strides = array<i32>} : memref<2x256xi32, #tpu.memory_space<vmem>>, vector<1x16xi32>,
        %get3A_621 = vector.shape_cast %get3A_620 : vector<1x16xi32> to vector<16xi32>
        %min3A_622 = arith.minsi %max3A_610, %get3A_621 : vector<16xi32>
        %max3A_623 = arith.maxsi %min3A_599, %min3A_622 : vector<16xi32>
        %min3A_624 = arith.minsi %min3A_599, %min3A_622 : vector<16xi32>
        %add3A_625 = arith.constant 1 : i32
        %add3A_626 = vector.broadcast %add3A_625 : i32 to vector<16xi32>
        %add3A_627 = arith.addi %max3A_616, %add3A_626 : vector<16xi32>
        %mul3A_628 = arith.muli %max3A_616, %add3A_627 : vector<16xi32>
        %shift_right_arithmetic3A_629 = arith.constant 1 : i32
        %shift_right_arithmetic3A_630 = vector.broadcast %shift_right_arithmetic3A_629 : i32 to vector<16xi32>
        %shift_right_arithmetic3A_631 = arith.shrsi %mul3A_628, %shift_right_arithmetic3A_630 : vector<16xi32>
        %add3A_632 = arith.constant 2 : i32
        %add3A_633 = vector.broadcast %add3A_632 : i32 to vector<16xi32>
        %add3A_634 = arith.addi %max3A_616, %add3A_633 : vector<16xi32>
        %mul3A_635 = arith.muli %shift_right_arithmetic3A_631, %add3A_634 : vector<16xi32>
        %mul3A_636 = arith.constant -1431655765 : i32
        %mul3A_637 = vector.broadcast %mul3A_636 : i32 to vector<16xi32>
        %mul3A_638 = arith.muli %mul3A_635, %mul3A_637 : vector<16xi32>
        %add3A_639 = arith.constant 1 : i32
        %add3A_640 = vector.broadcast %add3A_639 : i32 to vector<16xi32>
        %add3A_641 = arith.addi %max3A_623, %add3A_640 : vector<16xi32>
        %mul3A_642 = arith.muli %max3A_623, %add3A_641 : vector<16xi32>
        %shift_right_arithmetic3A_643 = arith.constant 1 : i32
        %shift_right_arithmetic3A_644 = vector.broadcast %shift_right_arithmetic3A_643 : i32 to vector<16xi32>
        %shift_right_arithmetic3A_645 = arith.shrsi %mul3A_642, %shift_right_arithmetic3A_644 : vector<16xi32>
        %add3A_646 = arith.addi %mul3A_638, %shift_right_arithmetic3A_645 : vector<16xi32>
        %add3A_647 = arith.addi %add3A_646, %min3A_624 : vector<16xi32>
        %swap3A_648 = arith.constant 0 : i32
        %swap3A_649 = arith.constant 0 : i32
        %swap3A_650 = arith.index_cast %swap3A_648 : i32 to index
        %swap3A_651 = arith.index_cast %swap3A_649 : i32 to index
        %swap3A_652 = arith.constant 112 : index
        %swap3A_653 = tpu.vector_load %arg11[%swap3A_650, %swap3A_651, %swap3A_652] {strides = array<i32>} : memref<2x2x128xi32, #tpu.memory_space<vmem>>, vector<1x1x16xi32>,
        %swap3A_654 = vector.shape_cast %swap3A_653 : vector<1x1x16xi32> to vector<16xi32>
        %swap3A_655 = vector.shape_cast %add3A_647 : vector<16xi32> to vector<1x1x16xi32>
        tpu.vector_store %arg11[%swap3A_650, %swap3A_651, %swap3A_652], %swap3A_655 {strides = array<i32>} : memref<2x2x128xi32, #tpu.memory_space<vmem>>, vector<1x1x16xi32>,
        %get3A_656 = arith.constant 0 : i32
        %get3A_657 = arith.index_cast %get3A_656 : i32 to index
        %get3A_658 = arith.constant 128 : index
        %get3A_659 = tpu.vector_load %arg8[%get3A_657, %get3A_658] {strides = array<i32>} : memref<2x256xi32, #tpu.memory_space<vmem>>, vector<1x16xi32>,
        %get3A_660 = vector.shape_cast %get3A_659 : vector<1x16xi32> to vector<16xi32>
        %get3A_661 = arith.constant 0 : i32
        %get3A_662 = arith.index_cast %get3A_661 : i32 to index
        %get3A_663 = arith.constant 128 : index
        %get3A_664 = tpu.vector_load %arg9[%get3A_662, %get3A_663] {strides = array<i32>} : memref<2x256xi32, #tpu.memory_space<vmem>>, vector<1x16xi32>,
        %get3A_665 = vector.shape_cast %get3A_664 : vector<1x16xi32> to vector<16xi32>
        %min3A_666 = arith.minsi %get3A_660, %get3A_665 : vector<16xi32>
        %get3A_667 = arith.constant 0 : i32
        %get3A_668 = arith.index_cast %get3A_667 : i32 to index
        %get3A_669 = arith.constant 128 : index
        %get3A_670 = tpu.vector_load %arg8[%get3A_668, %get3A_669] {strides = array<i32>} : memref<2x256xi32, #tpu.memory_space<vmem>>, vector<1x16xi32>,
        %get3A_671 = vector.shape_cast %get3A_670 : vector<1x16xi32> to vector<16xi32>
        %get3A_672 = arith.constant 0 : i32
        %get3A_673 = arith.index_cast %get3A_672 : i32 to index
        %get3A_674 = arith.constant 128 : index
        %get3A_675 = tpu.vector_load %arg9[%get3A_673, %get3A_674] {strides = array<i32>} : memref<2x256xi32, #tpu.memory_space<vmem>>, vector<1x16xi32>,
        %get3A_676 = vector.shape_cast %get3A_675 : vector<1x16xi32> to vector<16xi32>
        %max3A_677 = arith.maxsi %get3A_671, %get3A_676 : vector<16xi32>
        %get3A_678 = arith.constant 0 : i32
        %get3A_679 = arith.index_cast %get3A_678 : i32 to index
        %get3A_680 = arith.constant 128 : index
        %get3A_681 = tpu.vector_load %arg10[%get3A_679, %get3A_680] {strides = array<i32>} : memref<2x256xi32, #tpu.memory_space<vmem>>, vector<1x16xi32>,
        %get3A_682 = vector.shape_cast %get3A_681 : vector<1x16xi32> to vector<16xi32>
        %max3A_683 = arith.maxsi %max3A_677, %get3A_682 : vector<16xi32>
        %get3A_684 = arith.constant 0 : i32
        %get3A_685 = arith.index_cast %get3A_684 : i32 to index
        %get3A_686 = arith.constant 128 : index
        %get3A_687 = tpu.vector_load %arg10[%get3A_685, %get3A_686] {strides = array<i32>} : memref<2x256xi32, #tpu.memory_space<vmem>>, vector<1x16xi32>,
        %get3A_688 = vector.shape_cast %get3A_687 : vector<1x16xi32> to vector<16xi32>
        %min3A_689 = arith.minsi %max3A_677, %get3A_688 : vector<16xi32>
        %max3A_690 = arith.maxsi %min3A_666, %min3A_689 : vector<16xi32>
        %min3A_691 = arith.minsi %min3A_666, %min3A_689 : vector<16xi32>
        %add3A_692 = arith.constant 1 : i32
        %add3A_693 = vector.broadcast %add3A_692 : i32 to vector<16xi32>
        %add3A_694 = arith.addi %max3A_683, %add3A_693 : vector<16xi32>
        %mul3A_695 = arith.muli %max3A_683, %add3A_694 : vector<16xi32>
        %shift_right_arithmetic3A_696 = arith.constant 1 : i32
        %shift_right_arithmetic3A_697 = vector.broadcast %shift_right_arithmetic3A_696 : i32 to vector<16xi32>
        %shift_right_arithmetic3A_698 = arith.shrsi %mul3A_695, %shift_right_arithmetic3A_697 : vector<16xi32>
        %add3A_699 = arith.constant 2 : i32
        %add3A_700 = vector.broadcast %add3A_699 : i32 to vector<16xi32>
        %add3A_701 = arith.addi %max3A_683, %add3A_700 : vector<16xi32>
        %mul3A_702 = arith.muli %shift_right_arithmetic3A_698, %add3A_701 : vector<16xi32>
        %mul3A_703 = arith.constant -1431655765 : i32
        %mul3A_704 = vector.broadcast %mul3A_703 : i32 to vector<16xi32>
        %mul3A_705 = arith.muli %mul3A_702, %mul3A_704 : vector<16xi32>
        %add3A_706 = arith.constant 1 : i32
        %add3A_707 = vector.broadcast %add3A_706 : i32 to vector<16xi32>
        %add3A_708 = arith.addi %max3A_690, %add3A_707 : vector<16xi32>
        %mul3A_709 = arith.muli %max3A_690, %add3A_708 : vector<16xi32>
        %shift_right_arithmetic3A_710 = arith.constant 1 : i32
        %shift_right_arithmetic3A_711 = vector.broadcast %shift_right_arithmetic3A_710 : i32 to vector<16xi32>
        %shift_right_arithmetic3A_712 = arith.shrsi %mul3A_709, %shift_right_arithmetic3A_711 : vector<16xi32>
        %add3A_713 = arith.addi %mul3A_705, %shift_right_arithmetic3A_712 : vector<16xi32>
        %add3A_714 = arith.addi %add3A_713, %min3A_691 : vector<16xi32>
        %swap3A_715 = arith.constant 0 : i32
        %swap3A_716 = arith.constant 1 : i32
        %swap3A_717 = arith.index_cast %swap3A_715 : i32 to index
        %swap3A_718 = arith.index_cast %swap3A_716 : i32 to index
        %swap3A_719 = arith.constant 0 : index
        %swap3A_720 = tpu.vector_load %arg11[%swap3A_717, %swap3A_718, %swap3A_719] {strides = array<i32>} : memref<2x2x128xi32, #tpu.memory_space<vmem>>, vector<1x1x16xi32>,
        %swap3A_721 = vector.shape_cast %swap3A_720 : vector<1x1x16xi32> to vector<16xi32>
        %swap3A_722 = vector.shape_cast %add3A_714 : vector<16xi32> to vector<1x1x16xi32>
        tpu.vector_store %arg11[%swap3A_717, %swap3A_718, %swap3A_719], %swap3A_722 {strides = array<i32>} : memref<2x2x128xi32, #tpu.memory_space<vmem>>, vector<1x1x16xi32>,
        %get3A_723 = arith.constant 0 : i32
        %get3A_724 = arith.index_cast %get3A_723 : i32 to index
        %get3A_725 = arith.constant 144 : index
        %get3A_726 = tpu.vector_load %arg8[%get3A_724, %get3A_725] {strides = array<i32>} : memref<2x256xi32, #tpu.memory_space<vmem>>, vector<1x16xi32>,
        %get3A_727 = vector.shape_cast %get3A_726 : vector<1x16xi32> to vector<16xi32>
        %get3A_728 = arith.constant 0 : i32
        %get3A_729 = arith.index_cast %get3A_728 : i32 to index
        %get3A_730 = arith.constant 144 : index
        %get3A_731 = tpu.vector_load %arg9[%get3A_729, %get3A_730] {strides = array<i32>} : memref<2x256xi32, #tpu.memory_space<vmem>>, vector<1x16xi32>,
        %get3A_732 = vector.shape_cast %get3A_731 : vector<1x16xi32> to vector<16xi32>
        %min3A_733 = arith.minsi %get3A_727, %get3A_732 : vector<16xi32>
        %get3A_734 = arith.constant 0 : i32
        %get3A_735 = arith.index_cast %get3A_734 : i32 to index
        %get3A_736 = arith.constant 144 : index
        %get3A_737 = tpu.vector_load %arg8[%get3A_735, %get3A_736] {strides = array<i32>} : memref<2x256xi32, #tpu.memory_space<vmem>>, vector<1x16xi32>,
        %get3A_738 = vector.shape_cast %get3A_737 : vector<1x16xi32> to vector<16xi32>
        %get3A_739 = arith.constant 0 : i32
        %get3A_740 = arith.index_cast %get3A_739 : i32 to index
        %get3A_741 = arith.constant 144 : index
        %get3A_742 = tpu.vector_load %arg9[%get3A_740, %get3A_741] {strides = array<i32>} : memref<2x256xi32, #tpu.memory_space<vmem>>, vector<1x16xi32>,
        %get3A_743 = vector.shape_cast %get3A_742 : vector<1x16xi32> to vector<16xi32>
        %max3A_744 = arith.maxsi %get3A_738, %get3A_743 : vector<16xi32>
        %get3A_745 = arith.constant 0 : i32
        %get3A_746 = arith.index_cast %get3A_745 : i32 to index
        %get3A_747 = arith.constant 144 : index
        %get3A_748 = tpu.vector_load %arg10[%get3A_746, %get3A_747] {strides = array<i32>} : memref<2x256xi32, #tpu.memory_space<vmem>>, vector<1x16xi32>,
        %get3A_749 = vector.shape_cast %get3A_748 : vector<1x16xi32> to vector<16xi32>
        %max3A_750 = arith.maxsi %max3A_744, %get3A_749 : vector<16xi32>
        %get3A_751 = arith.constant 0 : i32
        %get3A_752 = arith.index_cast %get3A_751 : i32 to index
        %get3A_753 = arith.constant 144 : index
        %get3A_754 = tpu.vector_load %arg10[%get3A_752, %get3A_753] {strides = array<i32>} : memref<2x256xi32, #tpu.memory_space<vmem>>, vector<1x16xi32>,
        %get3A_755 = vector.shape_cast %get3A_754 : vector<1x16xi32> to vector<16xi32>
        %min3A_756 = arith.minsi %max3A_744, %get3A_755 : vector<16xi32>
        %max3A_757 = arith.maxsi %min3A_733, %min3A_756 : vector<16xi32>
        %min3A_758 = arith.minsi %min3A_733, %min3A_756 : vector<16xi32>
        %add3A_759 = arith.constant 1 : i32
        %add3A_760 = vector.broadcast %add3A_759 : i32 to vector<16xi32>
        %add3A_761 = arith.addi %max3A_750, %add3A_760 : vector<16xi32>
        %mul3A_762 = arith.muli %max3A_750, %add3A_761 : vector<16xi32>
        %shift_right_arithmetic3A_763 = arith.constant 1 : i32
        %shift_right_arithmetic3A_764 = vector.broadcast %shift_right_arithmetic3A_763 : i32 to vector<16xi32>
        %shift_right_arithmetic3A_765 = arith.shrsi %mul3A_762, %shift_right_arithmetic3A_764 : vector<16xi32>
        %add3A_766 = arith.constant 2 : i32
        %add3A_767 = vector.broadcast %add3A_766 : i32 to vector<16xi32>
        %add3A_768 = arith.addi %max3A_750, %add3A_767 : vector<16xi32>
        %mul3A_769 = arith.muli %shift_right_arithmetic3A_765, %add3A_768 : vector<16xi32>
        %mul3A_770 = arith.constant -1431655765 : i32
        %mul3A_771 = vector.broadcast %mul3A_770 : i32 to vector<16xi32>
        %mul3A_772 = arith.muli %mul3A_769, %mul3A_771 : vector<16xi32>
        %add3A_773 = arith.constant 1 : i32
        %add3A_774 = vector.broadcast %add3A_773 : i32 to vector<16xi32>
        %add3A_775 = arith.addi %max3A_757, %add3A_774 : vector<16xi32>
        %mul3A_776 = arith.muli %max3A_757, %add3A_775 : vector<16xi32>
        %shift_right_arithmetic3A_777 = arith.constant 1 : i32
        %shift_right_arithmetic3A_778 = vector.broadcast %shift_right_arithmetic3A_777 : i32 to vector<16xi32>
        %shift_right_arithmetic3A_779 = arith.shrsi %mul3A_776, %shift_right_arithmetic3A_778 : vector<16xi32>
        %add3A_780 = arith.addi %mul3A_772, %shift_right_arithmetic3A_779 : vector<16xi32>
        %add3A_781 = arith.addi %add3A_780, %min3A_758 : vector<16xi32>
        %swap3A_782 = arith.constant 0 : i32
        %swap3A_783 = arith.constant 1 : i32
        %swap3A_784 = arith.index_cast %swap3A_782 : i32 to index
        %swap3A_785 = arith.index_cast %swap3A_783 : i32 to index
        %swap3A_786 = arith.constant 16 : index
        %swap3A_787 = tpu.vector_load %arg11[%swap3A_784, %swap3A_785, %swap3A_786] {strides = array<i32>} : memref<2x2x128xi32, #tpu.memory_space<vmem>>, vector<1x1x16xi32>,
        %swap3A_788 = vector.shape_cast %swap3A_787 : vector<1x1x16xi32> to vector<16xi32>
        %swap3A_789 = vector.shape_cast %add3A_781 : vector<16xi32> to vector<1x1x16xi32>
        tpu.vector_store %arg11[%swap3A_784, %swap3A_785, %swap3A_786], %swap3A_789 {strides = array<i32>} : memref<2x2x128xi32, #tpu.memory_space<vmem>>, vector<1x1x16xi32>,
        %get3A_790 = arith.constant 0 : i32
        %get3A_791 = arith.index_cast %get3A_790 : i32 to index
        %get3A_792 = arith.constant 160 : index
        %get3A_793 = tpu.vector_load %arg8[%get3A_791, %get3A_792] {strides = array<i32>} : memref<2x256xi32, #tpu.memory_space<vmem>>, vector<1x16xi32>,
        %get3A_794 = vector.shape_cast %get3A_793 : vector<1x16xi32> to vector<16xi32>
        %get3A_795 = arith.constant 0 : i32
        %get3A_796 = arith.index_cast %get3A_795 : i32 to index
        %get3A_797 = arith.constant 160 : index
        %get3A_798 = tpu.vector_load %arg9[%get3A_796, %get3A_797] {strides = array<i32>} : memref<2x256xi32, #tpu.memory_space<vmem>>, vector<1x16xi32>,
        %get3A_799 = vector.shape_cast %get3A_798 : vector<1x16xi32> to vector<16xi32>
        %min3A_800 = arith.minsi %get3A_794, %get3A_799 : vector<16xi32>
        %get3A_801 = arith.constant 0 : i32
        %get3A_802 = arith.index_cast %get3A_801 : i32 to index
        %get3A_803 = arith.constant 160 : index
        %get3A_804 = tpu.vector_load %arg8[%get3A_802, %get3A_803] {strides = array<i32>} : memref<2x256xi32, #tpu.memory_space<vmem>>, vector<1x16xi32>,
        %get3A_805 = vector.shape_cast %get3A_804 : vector<1x16xi32> to vector<16xi32>
        %get3A_806 = arith.constant 0 : i32
        %get3A_807 = arith.index_cast %get3A_806 : i32 to index
        %get3A_808 = arith.constant 160 : index
        %get3A_809 = tpu.vector_load %arg9[%get3A_807, %get3A_808] {strides = array<i32>} : memref<2x256xi32, #tpu.memory_space<vmem>>, vector<1x16xi32>,
        %get3A_810 = vector.shape_cast %get3A_809 : vector<1x16xi32> to vector<16xi32>
        %max3A_811 = arith.maxsi %get3A_805, %get3A_810 : vector<16xi32>
        %get3A_812 = arith.constant 0 : i32
        %get3A_813 = arith.index_cast %get3A_812 : i32 to index
        %get3A_814 = arith.constant 160 : index
        %get3A_815 = tpu.vector_load %arg10[%get3A_813, %get3A_814] {strides = array<i32>} : memref<2x256xi32, #tpu.memory_space<vmem>>, vector<1x16xi32>,
        %get3A_816 = vector.shape_cast %get3A_815 : vector<1x16xi32> to vector<16xi32>
        %max3A_817 = arith.maxsi %max3A_811, %get3A_816 : vector<16xi32>
        %get3A_818 = arith.constant 0 : i32
        %get3A_819 = arith.index_cast %get3A_818 : i32 to index
        %get3A_820 = arith.constant 160 : index
        %get3A_821 = tpu.vector_load %arg10[%get3A_819, %get3A_820] {strides = array<i32>} : memref<2x256xi32, #tpu.memory_space<vmem>>, vector<1x16xi32>,
        %get3A_822 = vector.shape_cast %get3A_821 : vector<1x16xi32> to vector<16xi32>
        %min3A_823 = arith.minsi %max3A_811, %get3A_822 : vector<16xi32>
        %max3A_824 = arith.maxsi %min3A_800, %min3A_823 : vector<16xi32>
        %min3A_825 = arith.minsi %min3A_800, %min3A_823 : vector<16xi32>
        %add3A_826 = arith.constant 1 : i32
        %add3A_827 = vector.broadcast %add3A_826 : i32 to vector<16xi32>
        %add3A_828 = arith.addi %max3A_817, %add3A_827 : vector<16xi32>
        %mul3A_829 = arith.muli %max3A_817, %add3A_828 : vector<16xi32>
        %shift_right_arithmetic3A_830 = arith.constant 1 : i32
        %shift_right_arithmetic3A_831 = vector.broadcast %shift_right_arithmetic3A_830 : i32 to vector<16xi32>
        %shift_right_arithmetic3A_832 = arith.shrsi %mul3A_829, %shift_right_arithmetic3A_831 : vector<16xi32>
        %add3A_833 = arith.constant 2 : i32
        %add3A_834 = vector.broadcast %add3A_833 : i32 to vector<16xi32>
        %add3A_835 = arith.addi %max3A_817, %add3A_834 : vector<16xi32>
        %mul3A_836 = arith.muli %shift_right_arithmetic3A_832, %add3A_835 : vector<16xi32>
        %mul3A_837 = arith.constant -1431655765 : i32
        %mul3A_838 = vector.broadcast %mul3A_837 : i32 to vector<16xi32>
        %mul3A_839 = arith.muli %mul3A_836, %mul3A_838 : vector<16xi32>
        %add3A_840 = arith.constant 1 : i32
        %add3A_841 = vector.broadcast %add3A_840 : i32 to vector<16xi32>
        %add3A_842 = arith.addi %max3A_824, %add3A_841 : vector<16xi32>
        %mul3A_843 = arith.muli %max3A_824, %add3A_842 : vector<16xi32>
        %shift_right_arithmetic3A_844 = arith.constant 1 : i32
        %shift_right_arithmetic3A_845 = vector.broadcast %shift_right_arithmetic3A_844 : i32 to vector<16xi32>
        %shift_right_arithmetic3A_846 = arith.shrsi %mul3A_843, %shift_right_arithmetic3A_845 : vector<16xi32>
        %add3A_847 = arith.addi %mul3A_839, %shift_right_arithmetic3A_846 : vector<16xi32>
        %add3A_848 = arith.addi %add3A_847, %min3A_825 : vector<16xi32>
        %swap3A_849 = arith.constant 0 : i32
        %swap3A_850 = arith.constant 1 : i32
        %swap3A_851 = arith.index_cast %swap3A_849 : i32 to index
        %swap3A_852 = arith.index_cast %swap3A_850 : i32 to index
        %swap3A_853 = arith.constant 32 : index
        %swap3A_854 = tpu.vector_load %arg11[%swap3A_851, %swap3A_852, %swap3A_853] {strides = array<i32>} : memref<2x2x128xi32, #tpu.memory_space<vmem>>, vector<1x1x16xi32>,
        %swap3A_855 = vector.shape_cast %swap3A_854 : vector<1x1x16xi32> to vector<16xi32>
        %swap3A_856 = vector.shape_cast %add3A_848 : vector<16xi32> to vector<1x1x16xi32>
        tpu.vector_store %arg11[%swap3A_851, %swap3A_852, %swap3A_853], %swap3A_856 {strides = array<i32>} : memref<2x2x128xi32, #tpu.memory_space<vmem>>, vector<1x1x16xi32>,
        %get3A_857 = arith.constant 0 : i32
        %get3A_858 = arith.index_cast %get3A_857 : i32 to index
        %get3A_859 = arith.constant 176 : index
        %get3A_860 = tpu.vector_load %arg8[%get3A_858, %get3A_859] {strides = array<i32>} : memref<2x256xi32, #tpu.memory_space<vmem>>, vector<1x16xi32>,
        %get3A_861 = vector.shape_cast %get3A_860 : vector<1x16xi32> to vector<16xi32>
        %get3A_862 = arith.constant 0 : i32
        %get3A_863 = arith.index_cast %get3A_862 : i32 to index
        %get3A_864 = arith.constant 176 : index
        %get3A_865 = tpu.vector_load %arg9[%get3A_863, %get3A_864] {strides = array<i32>} : memref<2x256xi32, #tpu.memory_space<vmem>>, vector<1x16xi32>,
        %get3A_866 = vector.shape_cast %get3A_865 : vector<1x16xi32> to vector<16xi32>
        %min3A_867 = arith.minsi %get3A_861, %get3A_866 : vector<16xi32>
        %get3A_868 = arith.constant 0 : i32
        %get3A_869 = arith.index_cast %get3A_868 : i32 to index
        %get3A_870 = arith.constant 176 : index
        %get3A_871 = tpu.vector_load %arg8[%get3A_869, %get3A_870] {strides = array<i32>} : memref<2x256xi32, #tpu.memory_space<vmem>>, vector<1x16xi32>,
        %get3A_872 = vector.shape_cast %get3A_871 : vector<1x16xi32> to vector<16xi32>
        %get3A_873 = arith.constant 0 : i32
        %get3A_874 = arith.index_cast %get3A_873 : i32 to index
        %get3A_875 = arith.constant 176 : index
        %get3A_876 = tpu.vector_load %arg9[%get3A_874, %get3A_875] {strides = array<i32>} : memref<2x256xi32, #tpu.memory_space<vmem>>, vector<1x16xi32>,
        %get3A_877 = vector.shape_cast %get3A_876 : vector<1x16xi32> to vector<16xi32>
        %max3A_878 = arith.maxsi %get3A_872, %get3A_877 : vector<16xi32>
        %get3A_879 = arith.constant 0 : i32
        %get3A_880 = arith.index_cast %get3A_879 : i32 to index
        %get3A_881 = arith.constant 176 : index
        %get3A_882 = tpu.vector_load %arg10[%get3A_880, %get3A_881] {strides = array<i32>} : memref<2x256xi32, #tpu.memory_space<vmem>>, vector<1x16xi32>,
        %get3A_883 = vector.shape_cast %get3A_882 : vector<1x16xi32> to vector<16xi32>
        %max3A_884 = arith.maxsi %max3A_878, %get3A_883 : vector<16xi32>
        %get3A_885 = arith.constant 0 : i32
        %get3A_886 = arith.index_cast %get3A_885 : i32 to index
        %get3A_887 = arith.constant 176 : index
        %get3A_888 = tpu.vector_load %arg10[%get3A_886, %get3A_887] {strides = array<i32>} : memref<2x256xi32, #tpu.memory_space<vmem>>, vector<1x16xi32>,
        %get3A_889 = vector.shape_cast %get3A_888 : vector<1x16xi32> to vector<16xi32>
        %min3A_890 = arith.minsi %max3A_878, %get3A_889 : vector<16xi32>
        %max3A_891 = arith.maxsi %min3A_867, %min3A_890 : vector<16xi32>
        %min3A_892 = arith.minsi %min3A_867, %min3A_890 : vector<16xi32>
        %add3A_893 = arith.constant 1 : i32
        %add3A_894 = vector.broadcast %add3A_893 : i32 to vector<16xi32>
        %add3A_895 = arith.addi %max3A_884, %add3A_894 : vector<16xi32>
        %mul3A_896 = arith.muli %max3A_884, %add3A_895 : vector<16xi32>
        %shift_right_arithmetic3A_897 = arith.constant 1 : i32
        %shift_right_arithmetic3A_898 = vector.broadcast %shift_right_arithmetic3A_897 : i32 to vector<16xi32>
        %shift_right_arithmetic3A_899 = arith.shrsi %mul3A_896, %shift_right_arithmetic3A_898 : vector<16xi32>
        %add3A_900 = arith.constant 2 : i32
        %add3A_901 = vector.broadcast %add3A_900 : i32 to vector<16xi32>
        %add3A_902 = arith.addi %max3A_884, %add3A_901 : vector<16xi32>
        %mul3A_903 = arith.muli %shift_right_arithmetic3A_899, %add3A_902 : vector<16xi32>
        %mul3A_904 = arith.constant -1431655765 : i32
        %mul3A_905 = vector.broadcast %mul3A_904 : i32 to vector<16xi32>
        %mul3A_906 = arith.muli %mul3A_903, %mul3A_905 : vector<16xi32>
        %add3A_907 = arith.constant 1 : i32
        %add3A_908 = vector.broadcast %add3A_907 : i32 to vector<16xi32>
        %add3A_909 = arith.addi %max3A_891, %add3A_908 : vector<16xi32>
        %mul3A_910 = arith.muli %max3A_891, %add3A_909 : vector<16xi32>
        %shift_right_arithmetic3A_911 = arith.constant 1 : i32
        %shift_right_arithmetic3A_912 = vector.broadcast %shift_right_arithmetic3A_911 : i32 to vector<16xi32>
        %shift_right_arithmetic3A_913 = arith.shrsi %mul3A_910, %shift_right_arithmetic3A_912 : vector<16xi32>
        %add3A_914 = arith.addi %mul3A_906, %shift_right_arithmetic3A_913 : vector<16xi32>
        %add3A_915 = arith.addi %add3A_914, %min3A_892 : vector<16xi32>
        %swap3A_916 = arith.constant 0 : i32
        %swap3A_917 = arith.constant 1 : i32
        %swap3A_918 = arith.index_cast %swap3A_916 : i32 to index
        %swap3A_919 = arith.index_cast %swap3A_917 : i32 to index
        %swap3A_920 = arith.constant 48 : index
        %swap3A_921 = tpu.vector_load %arg11[%swap3A_918, %swap3A_919, %swap3A_920] {strides = array<i32>} : memref<2x2x128xi32, #tpu.memory_space<vmem>>, vector<1x1x16xi32>,
        %swap3A_922 = vector.shape_cast %swap3A_921 : vector<1x1x16xi32> to vector<16xi32>
        %swap3A_923 = vector.shape_cast %add3A_915 : vector<16xi32> to vector<1x1x16xi32>
        tpu.vector_store %arg11[%swap3A_918, %swap3A_919, %swap3A_920], %swap3A_923 {strides = array<i32>} : memref<2x2x128xi32, #tpu.memory_space<vmem>>, vector<1x1x16xi32>,
        %get3A_924 = arith.constant 0 : i32
        %get3A_925 = arith.index_cast %get3A_924 : i32 to index
        %get3A_926 = arith.constant 192 : index
        %get3A_927 = tpu.vector_load %arg8[%get3A_925, %get3A_926] {strides = array<i32>} : memref<2x256xi32, #tpu.memory_space<vmem>>, vector<1x16xi32>,
        %get3A_928 = vector.shape_cast %get3A_927 : vector<1x16xi32> to vector<16xi32>
        %get3A_929 = arith.constant 0 : i32
        %get3A_930 = arith.index_cast %get3A_929 : i32 to index
        %get3A_931 = arith.constant 192 : index
        %get3A_932 = tpu.vector_load %arg9[%get3A_930, %get3A_931] {strides = array<i32>} : memref<2x256xi32, #tpu.memory_space<vmem>>, vector<1x16xi32>,
        %get3A_933 = vector.shape_cast %get3A_932 : vector<1x16xi32> to vector<16xi32>
        %min3A_934 = arith.minsi %get3A_928, %get3A_933 : vector<16xi32>
        %get3A_935 = arith.constant 0 : i32
        %get3A_936 = arith.index_cast %get3A_935 : i32 to index
        %get3A_937 = arith.constant 192 : index
        %get3A_938 = tpu.vector_load %arg8[%get3A_936, %get3A_937] {strides = array<i32>} : memref<2x256xi32, #tpu.memory_space<vmem>>, vector<1x16xi32>,
        %get3A_939 = vector.shape_cast %get3A_938 : vector<1x16xi32> to vector<16xi32>
        %get3A_940 = arith.constant 0 : i32
        %get3A_941 = arith.index_cast %get3A_940 : i32 to index
        %get3A_942 = arith.constant 192 : index
        %get3A_943 = tpu.vector_load %arg9[%get3A_941, %get3A_942] {strides = array<i32>} : memref<2x256xi32, #tpu.memory_space<vmem>>, vector<1x16xi32>,
        %get3A_944 = vector.shape_cast %get3A_943 : vector<1x16xi32> to vector<16xi32>
        %max3A_945 = arith.maxsi %get3A_939, %get3A_944 : vector<16xi32>
        %get3A_946 = arith.constant 0 : i32
        %get3A_947 = arith.index_cast %get3A_946 : i32 to index
        %get3A_948 = arith.constant 192 : index
        %get3A_949 = tpu.vector_load %arg10[%get3A_947, %get3A_948] {strides = array<i32>} : memref<2x256xi32, #tpu.memory_space<vmem>>, vector<1x16xi32>,
        %get3A_950 = vector.shape_cast %get3A_949 : vector<1x16xi32> to vector<16xi32>
        %max3A_951 = arith.maxsi %max3A_945, %get3A_950 : vector<16xi32>
        %get3A_952 = arith.constant 0 : i32
        %get3A_953 = arith.index_cast %get3A_952 : i32 to index
        %get3A_954 = arith.constant 192 : index
        %get3A_955 = tpu.vector_load %arg10[%get3A_953, %get3A_954] {strides = array<i32>} : memref<2x256xi32, #tpu.memory_space<vmem>>, vector<1x16xi32>,
        %get3A_956 = vector.shape_cast %get3A_955 : vector<1x16xi32> to vector<16xi32>
        %min3A_957 = arith.minsi %max3A_945, %get3A_956 : vector<16xi32>
        %max3A_958 = arith.maxsi %min3A_934, %min3A_957 : vector<16xi32>
        %min3A_959 = arith.minsi %min3A_934, %min3A_957 : vector<16xi32>
        %add3A_960 = arith.constant 1 : i32
        %add3A_961 = vector.broadcast %add3A_960 : i32 to vector<16xi32>
        %add3A_962 = arith.addi %max3A_951, %add3A_961 : vector<16xi32>
        %mul3A_963 = arith.muli %max3A_951, %add3A_962 : vector<16xi32>
        %shift_right_arithmetic3A_964 = arith.constant 1 : i32
        %shift_right_arithmetic3A_965 = vector.broadcast %shift_right_arithmetic3A_964 : i32 to vector<16xi32>
        %shift_right_arithmetic3A_966 = arith.shrsi %mul3A_963, %shift_right_arithmetic3A_965 : vector<16xi32>
        %add3A_967 = arith.constant 2 : i32
        %add3A_968 = vector.broadcast %add3A_967 : i32 to vector<16xi32>
        %add3A_969 = arith.addi %max3A_951, %add3A_968 : vector<16xi32>
        %mul3A_970 = arith.muli %shift_right_arithmetic3A_966, %add3A_969 : vector<16xi32>
        %mul3A_971 = arith.constant -1431655765 : i32
        %mul3A_972 = vector.broadcast %mul3A_971 : i32 to vector<16xi32>
        %mul3A_973 = arith.muli %mul3A_970, %mul3A_972 : vector<16xi32>
        %add3A_974 = arith.constant 1 : i32
        %add3A_975 = vector.broadcast %add3A_974 : i32 to vector<16xi32>
        %add3A_976 = arith.addi %max3A_958, %add3A_975 : vector<16xi32>
        %mul3A_977 = arith.muli %max3A_958, %add3A_976 : vector<16xi32>
        %shift_right_arithmetic3A_978 = arith.constant 1 : i32
        %shift_right_arithmetic3A_979 = vector.broadcast %shift_right_arithmetic3A_978 : i32 to vector<16xi32>
        %shift_right_arithmetic3A_980 = arith.shrsi %mul3A_977, %shift_right_arithmetic3A_979 : vector<16xi32>
        %add3A_981 = arith.addi %mul3A_973, %shift_right_arithmetic3A_980 : vector<16xi32>
        %add3A_982 = arith.addi %add3A_981, %min3A_959 : vector<16xi32>
        %swap3A_983 = arith.constant 0 : i32
        %swap3A_984 = arith.constant 1 : i32
        %swap3A_985 = arith.index_cast %swap3A_983 : i32 to index
        %swap3A_986 = arith.index_cast %swap3A_984 : i32 to index
        %swap3A_987 = arith.constant 64 : index
        %swap3A_988 = tpu.vector_load %arg11[%swap3A_985, %swap3A_986, %swap3A_987] {strides = array<i32>} : memref<2x2x128xi32, #tpu.memory_space<vmem>>, vector<1x1x16xi32>,
        %swap3A_989 = vector.shape_cast %swap3A_988 : vector<1x1x16xi32> to vector<16xi32>
        %swap3A_990 = vector.shape_cast %add3A_982 : vector<16xi32> to vector<1x1x16xi32>
        tpu.vector_store %arg11[%swap3A_985, %swap3A_986, %swap3A_987], %swap3A_990 {strides = array<i32>} : memref<2x2x128xi32, #tpu.memory_space<vmem>>, vector<1x1x16xi32>,
        %get3A_991 = arith.constant 0 : i32
        %get3A_992 = arith.index_cast %get3A_991 : i32 to index
        %get3A_993 = arith.constant 208 : index
        %get3A_994 = tpu.vector_load %arg8[%get3A_992, %get3A_993] {strides = array<i32>} : memref<2x256xi32, #tpu.memory_space<vmem>>, vector<1x16xi32>,
        %get3A_995 = vector.shape_cast %get3A_994 : vector<1x16xi32> to vector<16xi32>
        %get3A_996 = arith.constant 0 : i32
        %get3A_997 = arith.index_cast %get3A_996 : i32 to index
        %get3A_998 = arith.constant 208 : index
        %get3A_999 = tpu.vector_load %arg9[%get3A_997, %get3A_998] {strides = array<i32>} : memref<2x256xi32, #tpu.memory_space<vmem>>, vector<1x16xi32>,
        %get3A_1000 = vector.shape_cast %get3A_999 : vector<1x16xi32> to vector<16xi32>
        %min3A_1001 = arith.minsi %get3A_995, %get3A_1000 : vector<16xi32>
        %get3A_1002 = arith.constant 0 : i32
        %get3A_1003 = arith.index_cast %get3A_1002 : i32 to index
        %get3A_1004 = arith.constant 208 : index
        %get3A_1005 = tpu.vector_load %arg8[%get3A_1003, %get3A_1004] {strides = array<i32>} : memref<2x256xi32, #tpu.memory_space<vmem>>, vector<1x16xi32>,
        %get3A_1006 = vector.shape_cast %get3A_1005 : vector<1x16xi32> to vector<16xi32>
        %get3A_1007 = arith.constant 0 : i32
        %get3A_1008 = arith.index_cast %get3A_1007 : i32 to index
        %get3A_1009 = arith.constant 208 : index
        %get3A_1010 = tpu.vector_load %arg9[%get3A_1008, %get3A_1009] {strides = array<i32>} : memref<2x256xi32, #tpu.memory_space<vmem>>, vector<1x16xi32>,
        %get3A_1011 = vector.shape_cast %get3A_1010 : vector<1x16xi32> to vector<16xi32>
        %max3A_1012 = arith.maxsi %get3A_1006, %get3A_1011 : vector<16xi32>
        %get3A_1013 = arith.constant 0 : i32
        %get3A_1014 = arith.index_cast %get3A_1013 : i32 to index
        %get3A_1015 = arith.constant 208 : index
        %get3A_1016 = tpu.vector_load %arg10[%get3A_1014, %get3A_1015] {strides = array<i32>} : memref<2x256xi32, #tpu.memory_space<vmem>>, vector<1x16xi32>,
        %get3A_1017 = vector.shape_cast %get3A_1016 : vector<1x16xi32> to vector<16xi32>
        %max3A_1018 = arith.maxsi %max3A_1012, %get3A_1017 : vector<16xi32>
        %get3A_1019 = arith.constant 0 : i32
        %get3A_1020 = arith.index_cast %get3A_1019 : i32 to index
        %get3A_1021 = arith.constant 208 : index
        %get3A_1022 = tpu.vector_load %arg10[%get3A_1020, %get3A_1021] {strides = array<i32>} : memref<2x256xi32, #tpu.memory_space<vmem>>, vector<1x16xi32>,
        %get3A_1023 = vector.shape_cast %get3A_1022 : vector<1x16xi32> to vector<16xi32>
        %min3A_1024 = arith.minsi %max3A_1012, %get3A_1023 : vector<16xi32>
        %max3A_1025 = arith.maxsi %min3A_1001, %min3A_1024 : vector<16xi32>
        %min3A_1026 = arith.minsi %min3A_1001, %min3A_1024 : vector<16xi32>
        %add3A_1027 = arith.constant 1 : i32
        %add3A_1028 = vector.broadcast %add3A_1027 : i32 to vector<16xi32>
        %add3A_1029 = arith.addi %max3A_1018, %add3A_1028 : vector<16xi32>
        %mul3A_1030 = arith.muli %max3A_1018, %add3A_1029 : vector<16xi32>
        %shift_right_arithmetic3A_1031 = arith.constant 1 : i32
        %shift_right_arithmetic3A_1032 = vector.broadcast %shift_right_arithmetic3A_1031 : i32 to vector<16xi32>
        %shift_right_arithmetic3A_1033 = arith.shrsi %mul3A_1030, %shift_right_arithmetic3A_1032 : vector<16xi32>
        %add3A_1034 = arith.constant 2 : i32
        %add3A_1035 = vector.broadcast %add3A_1034 : i32 to vector<16xi32>
        %add3A_1036 = arith.addi %max3A_1018, %add3A_1035 : vector<16xi32>
        %mul3A_1037 = arith.muli %shift_right_arithmetic3A_1033, %add3A_1036 : vector<16xi32>
        %mul3A_1038 = arith.constant -1431655765 : i32
        %mul3A_1039 = vector.broadcast %mul3A_1038 : i32 to vector<16xi32>
        %mul3A_1040 = arith.muli %mul3A_1037, %mul3A_1039 : vector<16xi32>
        %add3A_1041 = arith.constant 1 : i32
        %add3A_1042 = vector.broadcast %add3A_1041 : i32 to vector<16xi32>
        %add3A_1043 = arith.addi %max3A_1025, %add3A_1042 : vector<16xi32>
        %mul3A_1044 = arith.muli %max3A_1025, %add3A_1043 : vector<16xi32>
        %shift_right_arithmetic3A_1045 = arith.constant 1 : i32
        %shift_right_arithmetic3A_1046 = vector.broadcast %shift_right_arithmetic3A_1045 : i32 to vector<16xi32>
        %shift_right_arithmetic3A_1047 = arith.shrsi %mul3A_1044, %shift_right_arithmetic3A_1046 : vector<16xi32>
        %add3A_1048 = arith.addi %mul3A_1040, %shift_right_arithmetic3A_1047 : vector<16xi32>
        %add3A_1049 = arith.addi %add3A_1048, %min3A_1026 : vector<16xi32>
        %swap3A_1050 = arith.constant 0 : i32
        %swap3A_1051 = arith.constant 1 : i32
        %swap3A_1052 = arith.index_cast %swap3A_1050 : i32 to index
        %swap3A_1053 = arith.index_cast %swap3A_1051 : i32 to index
        %swap3A_1054 = arith.constant 80 : index
        %swap3A_1055 = tpu.vector_load %arg11[%swap3A_1052, %swap3A_1053, %swap3A_1054] {strides = array<i32>} : memref<2x2x128xi32, #tpu.memory_space<vmem>>, vector<1x1x16xi32>,
        %swap3A_1056 = vector.shape_cast %swap3A_1055 : vector<1x1x16xi32> to vector<16xi32>
        %swap3A_1057 = vector.shape_cast %add3A_1049 : vector<16xi32> to vector<1x1x16xi32>
        tpu.vector_store %arg11[%swap3A_1052, %swap3A_1053, %swap3A_1054], %swap3A_1057 {strides = array<i32>} : memref<2x2x128xi32, #tpu.memory_space<vmem>>, vector<1x1x16xi32>,
        %get3A_1058 = arith.constant 0 : i32
        %get3A_1059 = arith.index_cast %get3A_1058 : i32 to index
        %get3A_1060 = arith.constant 224 : index
        %get3A_1061 = tpu.vector_load %arg8[%get3A_1059, %get3A_1060] {strides = array<i32>} : memref<2x256xi32, #tpu.memory_space<vmem>>, vector<1x16xi32>,
        %get3A_1062 = vector.shape_cast %get3A_1061 : vector<1x16xi32> to vector<16xi32>
        %get3A_1063 = arith.constant 0 : i32
        %get3A_1064 = arith.index_cast %get3A_1063 : i32 to index
        %get3A_1065 = arith.constant 224 : index
        %get3A_1066 = tpu.vector_load %arg9[%get3A_1064, %get3A_1065] {strides = array<i32>} : memref<2x256xi32, #tpu.memory_space<vmem>>, vector<1x16xi32>,
        %get3A_1067 = vector.shape_cast %get3A_1066 : vector<1x16xi32> to vector<16xi32>
        %min3A_1068 = arith.minsi %get3A_1062, %get3A_1067 : vector<16xi32>
        %get3A_1069 = arith.constant 0 : i32
        %get3A_1070 = arith.index_cast %get3A_1069 : i32 to index
        %get3A_1071 = arith.constant 224 : index
        %get3A_1072 = tpu.vector_load %arg8[%get3A_1070, %get3A_1071] {strides = array<i32>} : memref<2x256xi32, #tpu.memory_space<vmem>>, vector<1x16xi32>,
        %get3A_1073 = vector.shape_cast %get3A_1072 : vector<1x16xi32> to vector<16xi32>
        %get3A_1074 = arith.constant 0 : i32
        %get3A_1075 = arith.index_cast %get3A_1074 : i32 to index
        %get3A_1076 = arith.constant 224 : index
        %get3A_1077 = tpu.vector_load %arg9[%get3A_1075, %get3A_1076] {strides = array<i32>} : memref<2x256xi32, #tpu.memory_space<vmem>>, vector<1x16xi32>,
        %get3A_1078 = vector.shape_cast %get3A_1077 : vector<1x16xi32> to vector<16xi32>
        %max3A_1079 = arith.maxsi %get3A_1073, %get3A_1078 : vector<16xi32>
        %get3A_1080 = arith.constant 0 : i32
        %get3A_1081 = arith.index_cast %get3A_1080 : i32 to index
        %get3A_1082 = arith.constant 224 : index
        %get3A_1083 = tpu.vector_load %arg10[%get3A_1081, %get3A_1082] {strides = array<i32>} : memref<2x256xi32, #tpu.memory_space<vmem>>, vector<1x16xi32>,
        %get3A_1084 = vector.shape_cast %get3A_1083 : vector<1x16xi32> to vector<16xi32>
        %max3A_1085 = arith.maxsi %max3A_1079, %get3A_1084 : vector<16xi32>
        %get3A_1086 = arith.constant 0 : i32
        %get3A_1087 = arith.index_cast %get3A_1086 : i32 to index
        %get3A_1088 = arith.constant 224 : index
        %get3A_1089 = tpu.vector_load %arg10[%get3A_1087, %get3A_1088] {strides = array<i32>} : memref<2x256xi32, #tpu.memory_space<vmem>>, vector<1x16xi32>,
        %get3A_1090 = vector.shape_cast %get3A_1089 : vector<1x16xi32> to vector<16xi32>
        %min3A_1091 = arith.minsi %max3A_1079, %get3A_1090 : vector<16xi32>
        %max3A_1092 = arith.maxsi %min3A_1068, %min3A_1091 : vector<16xi32>
        %min3A_1093 = arith.minsi %min3A_1068, %min3A_1091 : vector<16xi32>
        %add3A_1094 = arith.constant 1 : i32
        %add3A_1095 = vector.broadcast %add3A_1094 : i32 to vector<16xi32>
        %add3A_1096 = arith.addi %max3A_1085, %add3A_1095 : vector<16xi32>
        %mul3A_1097 = arith.muli %max3A_1085, %add3A_1096 : vector<16xi32>
        %shift_right_arithmetic3A_1098 = arith.constant 1 : i32
        %shift_right_arithmetic3A_1099 = vector.broadcast %shift_right_arithmetic3A_1098 : i32 to vector<16xi32>
        %shift_right_arithmetic3A_1100 = arith.shrsi %mul3A_1097, %shift_right_arithmetic3A_1099 : vector<16xi32>
        %add3A_1101 = arith.constant 2 : i32
        %add3A_1102 = vector.broadcast %add3A_1101 : i32 to vector<16xi32>
        %add3A_1103 = arith.addi %max3A_1085, %add3A_1102 : vector<16xi32>
        %mul3A_1104 = arith.muli %shift_right_arithmetic3A_1100, %add3A_1103 : vector<16xi32>
        %mul3A_1105 = arith.constant -1431655765 : i32
        %mul3A_1106 = vector.broadcast %mul3A_1105 : i32 to vector<16xi32>
        %mul3A_1107 = arith.muli %mul3A_1104, %mul3A_1106 : vector<16xi32>
        %add3A_1108 = arith.constant 1 : i32
        %add3A_1109 = vector.broadcast %add3A_1108 : i32 to vector<16xi32>
        %add3A_1110 = arith.addi %max3A_1092, %add3A_1109 : vector<16xi32>
        %mul3A_1111 = arith.muli %max3A_1092, %add3A_1110 : vector<16xi32>
        %shift_right_arithmetic3A_1112 = arith.constant 1 : i32
        %shift_right_arithmetic3A_1113 = vector.broadcast %shift_right_arithmetic3A_1112 : i32 to vector<16xi32>
        %shift_right_arithmetic3A_1114 = arith.shrsi %mul3A_1111, %shift_right_arithmetic3A_1113 : vector<16xi32>
        %add3A_1115 = arith.addi %mul3A_1107, %shift_right_arithmetic3A_1114 : vector<16xi32>
        %add3A_1116 = arith.addi %add3A_1115, %min3A_1093 : vector<16xi32>
        %swap3A_1117 = arith.constant 0 : i32
        %swap3A_1118 = arith.constant 1 : i32
        %swap3A_1119 = arith.index_cast %swap3A_1117 : i32 to index
        %swap3A_1120 = arith.index_cast %swap3A_1118 : i32 to index
        %swap3A_1121 = arith.constant 96 : index
        %swap3A_1122 = tpu.vector_load %arg11[%swap3A_1119, %swap3A_1120, %swap3A_1121] {strides = array<i32>} : memref<2x2x128xi32, #tpu.memory_space<vmem>>, vector<1x1x16xi32>,
        %swap3A_1123 = vector.shape_cast %swap3A_1122 : vector<1x1x16xi32> to vector<16xi32>
        %swap3A_1124 = vector.shape_cast %add3A_1116 : vector<16xi32> to vector<1x1x16xi32>
        tpu.vector_store %arg11[%swap3A_1119, %swap3A_1120, %swap3A_1121], %swap3A_1124 {strides = array<i32>} : memref<2x2x128xi32, #tpu.memory_space<vmem>>, vector<1x1x16xi32>,
        %get3A_1125 = arith.constant 0 : i32
        %get3A_1126 = arith.index_cast %get3A_1125 : i32 to index
        %get3A_1127 = arith.constant 240 : index
        %get3A_1128 = tpu.vector_load %arg8[%get3A_1126, %get3A_1127] {strides = array<i32>} : memref<2x256xi32, #tpu.memory_space<vmem>>, vector<1x16xi32>,
        %get3A_1129 = vector.shape_cast %get3A_1128 : vector<1x16xi32> to vector<16xi32>
        %get3A_1130 = arith.constant 0 : i32
        %get3A_1131 = arith.index_cast %get3A_1130 : i32 to index
        %get3A_1132 = arith.constant 240 : index
        %get3A_1133 = tpu.vector_load %arg9[%get3A_1131, %get3A_1132] {strides = array<i32>} : memref<2x256xi32, #tpu.memory_space<vmem>>, vector<1x16xi32>,
        %get3A_1134 = vector.shape_cast %get3A_1133 : vector<1x16xi32> to vector<16xi32>
        %min3A_1135 = arith.minsi %get3A_1129, %get3A_1134 : vector<16xi32>
        %get3A_1136 = arith.constant 0 : i32
        %get3A_1137 = arith.index_cast %get3A_1136 : i32 to index
        %get3A_1138 = arith.constant 240 : index
        %get3A_1139 = tpu.vector_load %arg8[%get3A_1137, %get3A_1138] {strides = array<i32>} : memref<2x256xi32, #tpu.memory_space<vmem>>, vector<1x16xi32>,
        %get3A_1140 = vector.shape_cast %get3A_1139 : vector<1x16xi32> to vector<16xi32>
        %get3A_1141 = arith.constant 0 : i32
        %get3A_1142 = arith.index_cast %get3A_1141 : i32 to index
        %get3A_1143 = arith.constant 240 : index
        %get3A_1144 = tpu.vector_load %arg9[%get3A_1142, %get3A_1143] {strides = array<i32>} : memref<2x256xi32, #tpu.memory_space<vmem>>, vector<1x16xi32>,
        %get3A_1145 = vector.shape_cast %get3A_1144 : vector<1x16xi32> to vector<16xi32>
        %max3A_1146 = arith.maxsi %get3A_1140, %get3A_1145 : vector<16xi32>
        %get3A_1147 = arith.constant 0 : i32
        %get3A_1148 = arith.index_cast %get3A_1147 : i32 to index
        %get3A_1149 = arith.constant 240 : index
        %get3A_1150 = tpu.vector_load %arg10[%get3A_1148, %get3A_1149] {strides = array<i32>} : memref<2x256xi32, #tpu.memory_space<vmem>>, vector<1x16xi32>,
        %get3A_1151 = vector.shape_cast %get3A_1150 : vector<1x16xi32> to vector<16xi32>
        %max3A_1152 = arith.maxsi %max3A_1146, %get3A_1151 : vector<16xi32>
        %get3A_1153 = arith.constant 0 : i32
        %get3A_1154 = arith.index_cast %get3A_1153 : i32 to index
        %get3A_1155 = arith.constant 240 : index
        %get3A_1156 = tpu.vector_load %arg10[%get3A_1154, %get3A_1155] {strides = array<i32>} : memref<2x256xi32, #tpu.memory_space<vmem>>, vector<1x16xi32>,
        %get3A_1157 = vector.shape_cast %get3A_1156 : vector<1x16xi32> to vector<16xi32>
        %min3A_1158 = arith.minsi %max3A_1146, %get3A_1157 : vector<16xi32>
        %max3A_1159 = arith.maxsi %min3A_1135, %min3A_1158 : vector<16xi32>
        %min3A_1160 = arith.minsi %min3A_1135, %min3A_1158 : vector<16xi32>
        %add3A_1161 = arith.constant 1 : i32
        %add3A_1162 = vector.broadcast %add3A_1161 : i32 to vector<16xi32>
        %add3A_1163 = arith.addi %max3A_1152, %add3A_1162 : vector<16xi32>
        %mul3A_1164 = arith.muli %max3A_1152, %add3A_1163 : vector<16xi32>
        %shift_right_arithmetic3A_1165 = arith.constant 1 : i32
        %shift_right_arithmetic3A_1166 = vector.broadcast %shift_right_arithmetic3A_1165 : i32 to vector<16xi32>
        %shift_right_arithmetic3A_1167 = arith.shrsi %mul3A_1164, %shift_right_arithmetic3A_1166 : vector<16xi32>
        %add3A_1168 = arith.constant 2 : i32
        %add3A_1169 = vector.broadcast %add3A_1168 : i32 to vector<16xi32>
        %add3A_1170 = arith.addi %max3A_1152, %add3A_1169 : vector<16xi32>
        %mul3A_1171 = arith.muli %shift_right_arithmetic3A_1167, %add3A_1170 : vector<16xi32>
        %mul3A_1172 = arith.constant -1431655765 : i32
        %mul3A_1173 = vector.broadcast %mul3A_1172 : i32 to vector<16xi32>
        %mul3A_1174 = arith.muli %mul3A_1171, %mul3A_1173 : vector<16xi32>
        %add3A_1175 = arith.constant 1 : i32
        %add3A_1176 = vector.broadcast %add3A_1175 : i32 to vector<16xi32>
        %add3A_1177 = arith.addi %max3A_1159, %add3A_1176 : vector<16xi32>
        %mul3A_1178 = arith.muli %max3A_1159, %add3A_1177 : vector<16xi32>
        %shift_right_arithmetic3A_1179 = arith.constant 1 : i32
        %shift_right_arithmetic3A_1180 = vector.broadcast %shift_right_arithmetic3A_1179 : i32 to vector<16xi32>
        %shift_right_arithmetic3A_1181 = arith.shrsi %mul3A_1178, %shift_right_arithmetic3A_1180 : vector<16xi32>
        %add3A_1182 = arith.addi %mul3A_1174, %shift_right_arithmetic3A_1181 : vector<16xi32>
        %add3A_1183 = arith.addi %add3A_1182, %min3A_1160 : vector<16xi32>
        %swap3A_1184 = arith.constant 0 : i32
        %swap3A_1185 = arith.constant 1 : i32
        %swap3A_1186 = arith.index_cast %swap3A_1184 : i32 to index
        %swap3A_1187 = arith.index_cast %swap3A_1185 : i32 to index
        %swap3A_1188 = arith.constant 112 : index
        %swap3A_1189 = tpu.vector_load %arg11[%swap3A_1186, %swap3A_1187, %swap3A_1188] {strides = array<i32>} : memref<2x2x128xi32, #tpu.memory_space<vmem>>, vector<1x1x16xi32>,
        %swap3A_1190 = vector.shape_cast %swap3A_1189 : vector<1x1x16xi32> to vector<16xi32>
        %swap3A_1191 = vector.shape_cast %add3A_1183 : vector<16xi32> to vector<1x1x16xi32>
        tpu.vector_store %arg11[%swap3A_1186, %swap3A_1187, %swap3A_1188], %swap3A_1191 {strides = array<i32>} : memref<2x2x128xi32, #tpu.memory_space<vmem>>, vector<1x1x16xi32>,
        %dma_start3A = arith.constant 0 : i32
        %dma_start3A_1192 = arith.constant 0 : i32
        %dma_start3A_1193 = arith.constant 0 : i32
        %dma_start3A_1194 = arith.constant 0 : i32
        %dma_start3A_1195 = arith.constant 0 : i32
        %dma_start3A_1196 = tpu.memref_slice %arg12[%dma_start3A_1193, %dma_start3A_1194, %dma_start3A_1195] : memref<2x256x128xf32, #tpu.memory_space<vmem>> -> memref<1x128x128xf32, #tpu.memory_space<vmem>>
        %dma_start3A_1197 = tpu.memref_squeeze %dma_start3A_1196 : memref<1x128x128xf32, #tpu.memory_space<vmem>> -> memref<128x128xf32, #tpu.memory_space<vmem>>
        %dma_start3A_1198 = arith.constant 0 : i32
        %dma_start3A_1199 = tpu.memref_slice %arg11[%dma_start3A, %dma_start3A_1192, %dma_start3A_1198] : memref<2x2x128xi32, #tpu.memory_space<vmem>> -> memref<1x1x128xi32, #tpu.memory_space<vmem>>
        %dma_start3A_1200 = tpu.memref_squeeze %dma_start3A_1199 : memref<1x1x128xi32, #tpu.memory_space<vmem>> -> memref<128xi32, #tpu.memory_space<vmem>>
        %dma_start3A_1201 = arith.constant 0 : i32
        %dma_start3A_1202 = arith.constant 0 : i32
        %dma_start3A_1203 = tpu.memref_slice %arg7[%dma_start3A_1201, %dma_start3A_1202] : memref<5632x128xf32, #tpu.memory_space<vmem_shared>> -> memref<5632x128xf32, #tpu.memory_space<vmem_shared>>
        tpu.enqueue_indirect_dma source(%dma_start3A_1203 : memref<5632x128xf32, #tpu.memory_space<vmem_shared>>) target(%dma_start3A_1197 : memref<128x128xf32, #tpu.memory_space<vmem>>) offsets(%dma_start3A_1200 : memref<128xi32, #tpu.memory_space<vmem>>) semaphore(%arg15 : memref<!tpu.dma_semaphore, #tpu.memory_space<semaphore_mem>>)
        %dma_start3A_1204 = arith.constant 0 : i32
        %dma_start3A_1205 = arith.constant 1 : i32
        %dma_start3A_1206 = arith.constant 0 : i32
        %dma_start3A_1207 = arith.constant 128 : i32
        %dma_start3A_1208 = arith.constant 0 : i32
        %dma_start3A_1209 = tpu.memref_slice %arg12[%dma_start3A_1206, %dma_start3A_1207, %dma_start3A_1208] : memref<2x256x128xf32, #tpu.memory_space<vmem>> -> memref<1x128x128xf32, #tpu.memory_space<vmem>>
        %dma_start3A_1210 = tpu.memref_squeeze %dma_start3A_1209 : memref<1x128x128xf32, #tpu.memory_space<vmem>> -> memref<128x128xf32, #tpu.memory_space<vmem>>
        %dma_start3A_1211 = arith.constant 0 : i32
        %dma_start3A_1212 = tpu.memref_slice %arg11[%dma_start3A_1204, %dma_start3A_1205, %dma_start3A_1211] : memref<2x2x128xi32, #tpu.memory_space<vmem>> -> memref<1x1x128xi32, #tpu.memory_space<vmem>>
        %dma_start3A_1213 = tpu.memref_squeeze %dma_start3A_1212 : memref<1x1x128xi32, #tpu.memory_space<vmem>> -> memref<128xi32, #tpu.memory_space<vmem>>
        %dma_start3A_1214 = arith.constant 0 : i32
        %dma_start3A_1215 = arith.constant 0 : i32
        %dma_start3A_1216 = tpu.memref_slice %arg7[%dma_start3A_1214, %dma_start3A_1215] : memref<5632x128xf32, #tpu.memory_space<vmem_shared>> -> memref<5632x128xf32, #tpu.memory_space<vmem_shared>>
        tpu.enqueue_indirect_dma source(%dma_start3A_1216 : memref<5632x128xf32, #tpu.memory_space<vmem_shared>>) target(%dma_start3A_1210 : memref<128x128xf32, #tpu.memory_space<vmem>>) offsets(%dma_start3A_1213 : memref<128xi32, #tpu.memory_space<vmem>>) semaphore(%arg15 : memref<!tpu.dma_semaphore, #tpu.memory_space<semaphore_mem>>)
      } else {
      }
      %mul3A_57 = arith.constant 2 : i32
      %mul3A_58 = arith.muli %scan3A_20, %mul3A_57 : i32
      %add3A_59 = arith.constant 1 : i32
      %add3A_60 = arith.addi %mul3A_58, %add3A_59 : i32
      %mul3A_61 = arith.constant 32 : i32
      %mul3A_62 = arith.muli %add3A_60, %mul3A_61 : i32
      %add3A_63 = arith.addi %mul3A_62, %add3A : i32
      %lt3A_64 = arith.constant 1250 : i32
      %lt3A_65 = arith.cmpi slt, %add3A_63, %lt3A_64 : i32
      %convert_element_type3A_66 = arith.extui %lt3A_65 : i1 to i32
      %cond3A_67 = arith.constant 0 : i32
      %cond3A_68 = arith.cmpi ne, %convert_element_type3A_66, %cond3A_67 : i32
      scf.if %cond3A_68 {
        %dma_wait3A = arith.constant 1 : i32
        %dma_wait3A_93 = arith.constant 0 : i32
        %dma_wait3A_94 = tpu.memref_slice %arg8[%dma_wait3A, %dma_wait3A_93] : memref<2x256xi32, #tpu.memory_space<vmem>> -> memref<1x256xi32, #tpu.memory_space<vmem>>
        %dma_wait3A_95 = tpu.memref_squeeze %dma_wait3A_94 : memref<1x256xi32, #tpu.memory_space<vmem>> -> memref<256xi32, #tpu.memory_space<vmem>>
        %dma_wait3A_96 = arith.constant 0 : i32
        %dma_wait3A_97 = tpu.memref_slice %arg2[%dma_wait3A_96] : memref<320000xi32, #tpu.memory_space<hbm>> -> memref<256xi32, #tpu.memory_space<hbm>>
        %dma_wait3A_98 = arith.constant 0 : i32
        %dma_wait3A_99 = tpu.memref_slice %arg8[%dma_wait3A, %dma_wait3A_98] : memref<2x256xi32, #tpu.memory_space<vmem>> -> memref<1x256xi32, #tpu.memory_space<vmem>>
        %dma_wait3A_100 = tpu.memref_squeeze %dma_wait3A_99 : memref<1x256xi32, #tpu.memory_space<vmem>> -> memref<256xi32, #tpu.memory_space<vmem>>
        %dma_wait3A_101 = arith.constant 0 : i32
        %dma_wait3A_102 = tpu.memref_slice %arg2[%dma_wait3A_101] : memref<320000xi32, #tpu.memory_space<hbm>> -> memref<256xi32, #tpu.memory_space<hbm>>
        tpu.wait_dma2 semaphore(%arg14 : memref<!tpu.dma_semaphore, #tpu.memory_space<semaphore_mem>>) src(%dma_wait3A_102 : memref<256xi32, #tpu.memory_space<hbm>>) dst(%dma_wait3A_100 : memref<256xi32, #tpu.memory_space<vmem>>)
        %dma_wait3A_103 = arith.constant 1 : i32
        %dma_wait3A_104 = arith.constant 0 : i32
        %dma_wait3A_105 = tpu.memref_slice %arg9[%dma_wait3A_103, %dma_wait3A_104] : memref<2x256xi32, #tpu.memory_space<vmem>> -> memref<1x256xi32, #tpu.memory_space<vmem>>
        %dma_wait3A_106 = tpu.memref_squeeze %dma_wait3A_105 : memref<1x256xi32, #tpu.memory_space<vmem>> -> memref<256xi32, #tpu.memory_space<vmem>>
        %dma_wait3A_107 = arith.constant 0 : i32
        %dma_wait3A_108 = tpu.memref_slice %arg2[%dma_wait3A_107] : memref<320000xi32, #tpu.memory_space<hbm>> -> memref<256xi32, #tpu.memory_space<hbm>>
        %dma_wait3A_109 = arith.constant 0 : i32
        %dma_wait3A_110 = tpu.memref_slice %arg9[%dma_wait3A_103, %dma_wait3A_109] : memref<2x256xi32, #tpu.memory_space<vmem>> -> memref<1x256xi32, #tpu.memory_space<vmem>>
        %dma_wait3A_111 = tpu.memref_squeeze %dma_wait3A_110 : memref<1x256xi32, #tpu.memory_space<vmem>> -> memref<256xi32, #tpu.memory_space<vmem>>
        %dma_wait3A_112 = arith.constant 0 : i32
        %dma_wait3A_113 = tpu.memref_slice %arg2[%dma_wait3A_112] : memref<320000xi32, #tpu.memory_space<hbm>> -> memref<256xi32, #tpu.memory_space<hbm>>
        tpu.wait_dma2 semaphore(%arg14 : memref<!tpu.dma_semaphore, #tpu.memory_space<semaphore_mem>>) src(%dma_wait3A_113 : memref<256xi32, #tpu.memory_space<hbm>>) dst(%dma_wait3A_111 : memref<256xi32, #tpu.memory_space<vmem>>)
        %dma_wait3A_114 = arith.constant 1 : i32
        %dma_wait3A_115 = arith.constant 0 : i32
        %dma_wait3A_116 = tpu.memref_slice %arg10[%dma_wait3A_114, %dma_wait3A_115] : memref<2x256xi32, #tpu.memory_space<vmem>> -> memref<1x256xi32, #tpu.memory_space<vmem>>
        %dma_wait3A_117 = tpu.memref_squeeze %dma_wait3A_116 : memref<1x256xi32, #tpu.memory_space<vmem>> -> memref<256xi32, #tpu.memory_space<vmem>>
        %dma_wait3A_118 = arith.constant 0 : i32
        %dma_wait3A_119 = tpu.memref_slice %arg2[%dma_wait3A_118] : memref<320000xi32, #tpu.memory_space<hbm>> -> memref<256xi32, #tpu.memory_space<hbm>>
        %dma_wait3A_120 = arith.constant 0 : i32
        %dma_wait3A_121 = tpu.memref_slice %arg10[%dma_wait3A_114, %dma_wait3A_120] : memref<2x256xi32, #tpu.memory_space<vmem>> -> memref<1x256xi32, #tpu.memory_space<vmem>>
        %dma_wait3A_122 = tpu.memref_squeeze %dma_wait3A_121 : memref<1x256xi32, #tpu.memory_space<vmem>> -> memref<256xi32, #tpu.memory_space<vmem>>
        %dma_wait3A_123 = arith.constant 0 : i32
        %dma_wait3A_124 = tpu.memref_slice %arg2[%dma_wait3A_123] : memref<320000xi32, #tpu.memory_space<hbm>> -> memref<256xi32, #tpu.memory_space<hbm>>
        tpu.wait_dma2 semaphore(%arg14 : memref<!tpu.dma_semaphore, #tpu.memory_space<semaphore_mem>>) src(%dma_wait3A_124 : memref<256xi32, #tpu.memory_space<hbm>>) dst(%dma_wait3A_122 : memref<256xi32, #tpu.memory_space<vmem>>)
        %get3A = arith.constant 1 : i32
        %get3A_125 = arith.index_cast %get3A : i32 to index
        %get3A_126 = arith.constant 0 : index
        %get3A_127 = tpu.vector_load %arg8[%get3A_125, %get3A_126] {strides = array<i32>} : memref<2x256xi32, #tpu.memory_space<vmem>>, vector<1x16xi32>,
        %get3A_128 = vector.shape_cast %get3A_127 : vector<1x16xi32> to vector<16xi32>
        %get3A_129 = arith.constant 1 : i32
        %get3A_130 = arith.index_cast %get3A_129 : i32 to index
        %get3A_131 = arith.constant 0 : index
        %get3A_132 = tpu.vector_load %arg9[%get3A_130, %get3A_131] {strides = array<i32>} : memref<2x256xi32, #tpu.memory_space<vmem>>, vector<1x16xi32>,
        %get3A_133 = vector.shape_cast %get3A_132 : vector<1x16xi32> to vector<16xi32>
        %min3A = arith.minsi %get3A_128, %get3A_133 : vector<16xi32>
        %get3A_134 = arith.constant 1 : i32
        %get3A_135 = arith.index_cast %get3A_134 : i32 to index
        %get3A_136 = arith.constant 0 : index
        %get3A_137 = tpu.vector_load %arg8[%get3A_135, %get3A_136] {strides = array<i32>} : memref<2x256xi32, #tpu.memory_space<vmem>>, vector<1x16xi32>,
        %get3A_138 = vector.shape_cast %get3A_137 : vector<1x16xi32> to vector<16xi32>
        %get3A_139 = arith.constant 1 : i32
        %get3A_140 = arith.index_cast %get3A_139 : i32 to index
        %get3A_141 = arith.constant 0 : index
        %get3A_142 = tpu.vector_load %arg9[%get3A_140, %get3A_141] {strides = array<i32>} : memref<2x256xi32, #tpu.memory_space<vmem>>, vector<1x16xi32>,
        %get3A_143 = vector.shape_cast %get3A_142 : vector<1x16xi32> to vector<16xi32>
        %max3A = arith.maxsi %get3A_138, %get3A_143 : vector<16xi32>
        %get3A_144 = arith.constant 1 : i32
        %get3A_145 = arith.index_cast %get3A_144 : i32 to index
        %get3A_146 = arith.constant 0 : index
        %get3A_147 = tpu.vector_load %arg10[%get3A_145, %get3A_146] {strides = array<i32>} : memref<2x256xi32, #tpu.memory_space<vmem>>, vector<1x16xi32>,
        %get3A_148 = vector.shape_cast %get3A_147 : vector<1x16xi32> to vector<16xi32>
        %max3A_149 = arith.maxsi %max3A, %get3A_148 : vector<16xi32>
        %get3A_150 = arith.constant 1 : i32
        %get3A_151 = arith.index_cast %get3A_150 : i32 to index
        %get3A_152 = arith.constant 0 : index
        %get3A_153 = tpu.vector_load %arg10[%get3A_151, %get3A_152] {strides = array<i32>} : memref<2x256xi32, #tpu.memory_space<vmem>>, vector<1x16xi32>,
        %get3A_154 = vector.shape_cast %get3A_153 : vector<1x16xi32> to vector<16xi32>
        %min3A_155 = arith.minsi %max3A, %get3A_154 : vector<16xi32>
        %max3A_156 = arith.maxsi %min3A, %min3A_155 : vector<16xi32>
        %min3A_157 = arith.minsi %min3A, %min3A_155 : vector<16xi32>
        %add3A_158 = arith.constant 1 : i32
        %add3A_159 = vector.broadcast %add3A_158 : i32 to vector<16xi32>
        %add3A_160 = arith.addi %max3A_149, %add3A_159 : vector<16xi32>
        %mul3A_161 = arith.muli %max3A_149, %add3A_160 : vector<16xi32>
        %shift_right_arithmetic3A = arith.constant 1 : i32
        %shift_right_arithmetic3A_162 = vector.broadcast %shift_right_arithmetic3A : i32 to vector<16xi32>
        %shift_right_arithmetic3A_163 = arith.shrsi %mul3A_161, %shift_right_arithmetic3A_162 : vector<16xi32>
        %add3A_164 = arith.constant 2 : i32
        %add3A_165 = vector.broadcast %add3A_164 : i32 to vector<16xi32>
        %add3A_166 = arith.addi %max3A_149, %add3A_165 : vector<16xi32>
        %mul3A_167 = arith.muli %shift_right_arithmetic3A_163, %add3A_166 : vector<16xi32>
        %mul3A_168 = arith.constant -1431655765 : i32
        %mul3A_169 = vector.broadcast %mul3A_168 : i32 to vector<16xi32>
        %mul3A_170 = arith.muli %mul3A_167, %mul3A_169 : vector<16xi32>
        %add3A_171 = arith.constant 1 : i32
        %add3A_172 = vector.broadcast %add3A_171 : i32 to vector<16xi32>
        %add3A_173 = arith.addi %max3A_156, %add3A_172 : vector<16xi32>
        %mul3A_174 = arith.muli %max3A_156, %add3A_173 : vector<16xi32>
        %shift_right_arithmetic3A_175 = arith.constant 1 : i32
        %shift_right_arithmetic3A_176 = vector.broadcast %shift_right_arithmetic3A_175 : i32 to vector<16xi32>
        %shift_right_arithmetic3A_177 = arith.shrsi %mul3A_174, %shift_right_arithmetic3A_176 : vector<16xi32>
        %add3A_178 = arith.addi %mul3A_170, %shift_right_arithmetic3A_177 : vector<16xi32>
        %add3A_179 = arith.addi %add3A_178, %min3A_157 : vector<16xi32>
        %swap3A = arith.constant 1 : i32
        %swap3A_180 = arith.constant 0 : i32
        %swap3A_181 = arith.index_cast %swap3A : i32 to index
        %swap3A_182 = arith.index_cast %swap3A_180 : i32 to index
        %swap3A_183 = arith.constant 0 : index
        %swap3A_184 = tpu.vector_load %arg11[%swap3A_181, %swap3A_182, %swap3A_183] {strides = array<i32>} : memref<2x2x128xi32, #tpu.memory_space<vmem>>, vector<1x1x16xi32>,
        %swap3A_185 = vector.shape_cast %swap3A_184 : vector<1x1x16xi32> to vector<16xi32>
        %swap3A_186 = vector.shape_cast %add3A_179 : vector<16xi32> to vector<1x1x16xi32>
        tpu.vector_store %arg11[%swap3A_181, %swap3A_182, %swap3A_183], %swap3A_186 {strides = array<i32>} : memref<2x2x128xi32, #tpu.memory_space<vmem>>, vector<1x1x16xi32>,
        %get3A_187 = arith.constant 1 : i32
        %get3A_188 = arith.index_cast %get3A_187 : i32 to index
        %get3A_189 = arith.constant 16 : index
        %get3A_190 = tpu.vector_load %arg8[%get3A_188, %get3A_189] {strides = array<i32>} : memref<2x256xi32, #tpu.memory_space<vmem>>, vector<1x16xi32>,
        %get3A_191 = vector.shape_cast %get3A_190 : vector<1x16xi32> to vector<16xi32>
        %get3A_192 = arith.constant 1 : i32
        %get3A_193 = arith.index_cast %get3A_192 : i32 to index
        %get3A_194 = arith.constant 16 : index
        %get3A_195 = tpu.vector_load %arg9[%get3A_193, %get3A_194] {strides = array<i32>} : memref<2x256xi32, #tpu.memory_space<vmem>>, vector<1x16xi32>,
        %get3A_196 = vector.shape_cast %get3A_195 : vector<1x16xi32> to vector<16xi32>
        %min3A_197 = arith.minsi %get3A_191, %get3A_196 : vector<16xi32>
        %get3A_198 = arith.constant 1 : i32
        %get3A_199 = arith.index_cast %get3A_198 : i32 to index
        %get3A_200 = arith.constant 16 : index
        %get3A_201 = tpu.vector_load %arg8[%get3A_199, %get3A_200] {strides = array<i32>} : memref<2x256xi32, #tpu.memory_space<vmem>>, vector<1x16xi32>,
        %get3A_202 = vector.shape_cast %get3A_201 : vector<1x16xi32> to vector<16xi32>
        %get3A_203 = arith.constant 1 : i32
        %get3A_204 = arith.index_cast %get3A_203 : i32 to index
        %get3A_205 = arith.constant 16 : index
        %get3A_206 = tpu.vector_load %arg9[%get3A_204, %get3A_205] {strides = array<i32>} : memref<2x256xi32, #tpu.memory_space<vmem>>, vector<1x16xi32>,
        %get3A_207 = vector.shape_cast %get3A_206 : vector<1x16xi32> to vector<16xi32>
        %max3A_208 = arith.maxsi %get3A_202, %get3A_207 : vector<16xi32>
        %get3A_209 = arith.constant 1 : i32
        %get3A_210 = arith.index_cast %get3A_209 : i32 to index
        %get3A_211 = arith.constant 16 : index
        %get3A_212 = tpu.vector_load %arg10[%get3A_210, %get3A_211] {strides = array<i32>} : memref<2x256xi32, #tpu.memory_space<vmem>>, vector<1x16xi32>,
        %get3A_213 = vector.shape_cast %get3A_212 : vector<1x16xi32> to vector<16xi32>
        %max3A_214 = arith.maxsi %max3A_208, %get3A_213 : vector<16xi32>
        %get3A_215 = arith.constant 1 : i32
        %get3A_216 = arith.index_cast %get3A_215 : i32 to index
        %get3A_217 = arith.constant 16 : index
        %get3A_218 = tpu.vector_load %arg10[%get3A_216, %get3A_217] {strides = array<i32>} : memref<2x256xi32, #tpu.memory_space<vmem>>, vector<1x16xi32>,
        %get3A_219 = vector.shape_cast %get3A_218 : vector<1x16xi32> to vector<16xi32>
        %min3A_220 = arith.minsi %max3A_208, %get3A_219 : vector<16xi32>
        %max3A_221 = arith.maxsi %min3A_197, %min3A_220 : vector<16xi32>
        %min3A_222 = arith.minsi %min3A_197, %min3A_220 : vector<16xi32>
        %add3A_223 = arith.constant 1 : i32
        %add3A_224 = vector.broadcast %add3A_223 : i32 to vector<16xi32>
        %add3A_225 = arith.addi %max3A_214, %add3A_224 : vector<16xi32>
        %mul3A_226 = arith.muli %max3A_214, %add3A_225 : vector<16xi32>
        %shift_right_arithmetic3A_227 = arith.constant 1 : i32
        %shift_right_arithmetic3A_228 = vector.broadcast %shift_right_arithmetic3A_227 : i32 to vector<16xi32>
        %shift_right_arithmetic3A_229 = arith.shrsi %mul3A_226, %shift_right_arithmetic3A_228 : vector<16xi32>
        %add3A_230 = arith.constant 2 : i32
        %add3A_231 = vector.broadcast %add3A_230 : i32 to vector<16xi32>
        %add3A_232 = arith.addi %max3A_214, %add3A_231 : vector<16xi32>
        %mul3A_233 = arith.muli %shift_right_arithmetic3A_229, %add3A_232 : vector<16xi32>
        %mul3A_234 = arith.constant -1431655765 : i32
        %mul3A_235 = vector.broadcast %mul3A_234 : i32 to vector<16xi32>
        %mul3A_236 = arith.muli %mul3A_233, %mul3A_235 : vector<16xi32>
        %add3A_237 = arith.constant 1 : i32
        %add3A_238 = vector.broadcast %add3A_237 : i32 to vector<16xi32>
        %add3A_239 = arith.addi %max3A_221, %add3A_238 : vector<16xi32>
        %mul3A_240 = arith.muli %max3A_221, %add3A_239 : vector<16xi32>
        %shift_right_arithmetic3A_241 = arith.constant 1 : i32
        %shift_right_arithmetic3A_242 = vector.broadcast %shift_right_arithmetic3A_241 : i32 to vector<16xi32>
        %shift_right_arithmetic3A_243 = arith.shrsi %mul3A_240, %shift_right_arithmetic3A_242 : vector<16xi32>
        %add3A_244 = arith.addi %mul3A_236, %shift_right_arithmetic3A_243 : vector<16xi32>
        %add3A_245 = arith.addi %add3A_244, %min3A_222 : vector<16xi32>
        %swap3A_246 = arith.constant 1 : i32
        %swap3A_247 = arith.constant 0 : i32
        %swap3A_248 = arith.index_cast %swap3A_246 : i32 to index
        %swap3A_249 = arith.index_cast %swap3A_247 : i32 to index
        %swap3A_250 = arith.constant 16 : index
        %swap3A_251 = tpu.vector_load %arg11[%swap3A_248, %swap3A_249, %swap3A_250] {strides = array<i32>} : memref<2x2x128xi32, #tpu.memory_space<vmem>>, vector<1x1x16xi32>,
        %swap3A_252 = vector.shape_cast %swap3A_251 : vector<1x1x16xi32> to vector<16xi32>
        %swap3A_253 = vector.shape_cast %add3A_245 : vector<16xi32> to vector<1x1x16xi32>
        tpu.vector_store %arg11[%swap3A_248, %swap3A_249, %swap3A_250], %swap3A_253 {strides = array<i32>} : memref<2x2x128xi32, #tpu.memory_space<vmem>>, vector<1x1x16xi32>,
        %get3A_254 = arith.constant 1 : i32
        %get3A_255 = arith.index_cast %get3A_254 : i32 to index
        %get3A_256 = arith.constant 32 : index
        %get3A_257 = tpu.vector_load %arg8[%get3A_255, %get3A_256] {strides = array<i32>} : memref<2x256xi32, #tpu.memory_space<vmem>>, vector<1x16xi32>,
        %get3A_258 = vector.shape_cast %get3A_257 : vector<1x16xi32> to vector<16xi32>
        %get3A_259 = arith.constant 1 : i32
        %get3A_260 = arith.index_cast %get3A_259 : i32 to index
        %get3A_261 = arith.constant 32 : index
        %get3A_262 = tpu.vector_load %arg9[%get3A_260, %get3A_261] {strides = array<i32>} : memref<2x256xi32, #tpu.memory_space<vmem>>, vector<1x16xi32>,
        %get3A_263 = vector.shape_cast %get3A_262 : vector<1x16xi32> to vector<16xi32>
        %min3A_264 = arith.minsi %get3A_258, %get3A_263 : vector<16xi32>
        %get3A_265 = arith.constant 1 : i32
        %get3A_266 = arith.index_cast %get3A_265 : i32 to index
        %get3A_267 = arith.constant 32 : index
        %get3A_268 = tpu.vector_load %arg8[%get3A_266, %get3A_267] {strides = array<i32>} : memref<2x256xi32, #tpu.memory_space<vmem>>, vector<1x16xi32>,
        %get3A_269 = vector.shape_cast %get3A_268 : vector<1x16xi32> to vector<16xi32>
        %get3A_270 = arith.constant 1 : i32
        %get3A_271 = arith.index_cast %get3A_270 : i32 to index
        %get3A_272 = arith.constant 32 : index
        %get3A_273 = tpu.vector_load %arg9[%get3A_271, %get3A_272] {strides = array<i32>} : memref<2x256xi32, #tpu.memory_space<vmem>>, vector<1x16xi32>,
        %get3A_274 = vector.shape_cast %get3A_273 : vector<1x16xi32> to vector<16xi32>
        %max3A_275 = arith.maxsi %get3A_269, %get3A_274 : vector<16xi32>
        %get3A_276 = arith.constant 1 : i32
        %get3A_277 = arith.index_cast %get3A_276 : i32 to index
        %get3A_278 = arith.constant 32 : index
        %get3A_279 = tpu.vector_load %arg10[%get3A_277, %get3A_278] {strides = array<i32>} : memref<2x256xi32, #tpu.memory_space<vmem>>, vector<1x16xi32>,
        %get3A_280 = vector.shape_cast %get3A_279 : vector<1x16xi32> to vector<16xi32>
        %max3A_281 = arith.maxsi %max3A_275, %get3A_280 : vector<16xi32>
        %get3A_282 = arith.constant 1 : i32
        %get3A_283 = arith.index_cast %get3A_282 : i32 to index
        %get3A_284 = arith.constant 32 : index
        %get3A_285 = tpu.vector_load %arg10[%get3A_283, %get3A_284] {strides = array<i32>} : memref<2x256xi32, #tpu.memory_space<vmem>>, vector<1x16xi32>,
        %get3A_286 = vector.shape_cast %get3A_285 : vector<1x16xi32> to vector<16xi32>
        %min3A_287 = arith.minsi %max3A_275, %get3A_286 : vector<16xi32>
        %max3A_288 = arith.maxsi %min3A_264, %min3A_287 : vector<16xi32>
        %min3A_289 = arith.minsi %min3A_264, %min3A_287 : vector<16xi32>
        %add3A_290 = arith.constant 1 : i32
        %add3A_291 = vector.broadcast %add3A_290 : i32 to vector<16xi32>
        %add3A_292 = arith.addi %max3A_281, %add3A_291 : vector<16xi32>
        %mul3A_293 = arith.muli %max3A_281, %add3A_292 : vector<16xi32>
        %shift_right_arithmetic3A_294 = arith.constant 1 : i32
        %shift_right_arithmetic3A_295 = vector.broadcast %shift_right_arithmetic3A_294 : i32 to vector<16xi32>
        %shift_right_arithmetic3A_296 = arith.shrsi %mul3A_293, %shift_right_arithmetic3A_295 : vector<16xi32>
        %add3A_297 = arith.constant 2 : i32
        %add3A_298 = vector.broadcast %add3A_297 : i32 to vector<16xi32>
        %add3A_299 = arith.addi %max3A_281, %add3A_298 : vector<16xi32>
        %mul3A_300 = arith.muli %shift_right_arithmetic3A_296, %add3A_299 : vector<16xi32>
        %mul3A_301 = arith.constant -1431655765 : i32
        %mul3A_302 = vector.broadcast %mul3A_301 : i32 to vector<16xi32>
        %mul3A_303 = arith.muli %mul3A_300, %mul3A_302 : vector<16xi32>
        %add3A_304 = arith.constant 1 : i32
        %add3A_305 = vector.broadcast %add3A_304 : i32 to vector<16xi32>
        %add3A_306 = arith.addi %max3A_288, %add3A_305 : vector<16xi32>
        %mul3A_307 = arith.muli %max3A_288, %add3A_306 : vector<16xi32>
        %shift_right_arithmetic3A_308 = arith.constant 1 : i32
        %shift_right_arithmetic3A_309 = vector.broadcast %shift_right_arithmetic3A_308 : i32 to vector<16xi32>
        %shift_right_arithmetic3A_310 = arith.shrsi %mul3A_307, %shift_right_arithmetic3A_309 : vector<16xi32>
        %add3A_311 = arith.addi %mul3A_303, %shift_right_arithmetic3A_310 : vector<16xi32>
        %add3A_312 = arith.addi %add3A_311, %min3A_289 : vector<16xi32>
        %swap3A_313 = arith.constant 1 : i32
        %swap3A_314 = arith.constant 0 : i32
        %swap3A_315 = arith.index_cast %swap3A_313 : i32 to index
        %swap3A_316 = arith.index_cast %swap3A_314 : i32 to index
        %swap3A_317 = arith.constant 32 : index
        %swap3A_318 = tpu.vector_load %arg11[%swap3A_315, %swap3A_316, %swap3A_317] {strides = array<i32>} : memref<2x2x128xi32, #tpu.memory_space<vmem>>, vector<1x1x16xi32>,
        %swap3A_319 = vector.shape_cast %swap3A_318 : vector<1x1x16xi32> to vector<16xi32>
        %swap3A_320 = vector.shape_cast %add3A_312 : vector<16xi32> to vector<1x1x16xi32>
        tpu.vector_store %arg11[%swap3A_315, %swap3A_316, %swap3A_317], %swap3A_320 {strides = array<i32>} : memref<2x2x128xi32, #tpu.memory_space<vmem>>, vector<1x1x16xi32>,
        %get3A_321 = arith.constant 1 : i32
        %get3A_322 = arith.index_cast %get3A_321 : i32 to index
        %get3A_323 = arith.constant 48 : index
        %get3A_324 = tpu.vector_load %arg8[%get3A_322, %get3A_323] {strides = array<i32>} : memref<2x256xi32, #tpu.memory_space<vmem>>, vector<1x16xi32>,
        %get3A_325 = vector.shape_cast %get3A_324 : vector<1x16xi32> to vector<16xi32>
        %get3A_326 = arith.constant 1 : i32
        %get3A_327 = arith.index_cast %get3A_326 : i32 to index
        %get3A_328 = arith.constant 48 : index
        %get3A_329 = tpu.vector_load %arg9[%get3A_327, %get3A_328] {strides = array<i32>} : memref<2x256xi32, #tpu.memory_space<vmem>>, vector<1x16xi32>,
        %get3A_330 = vector.shape_cast %get3A_329 : vector<1x16xi32> to vector<16xi32>
        %min3A_331 = arith.minsi %get3A_325, %get3A_330 : vector<16xi32>
        %get3A_332 = arith.constant 1 : i32
        %get3A_333 = arith.index_cast %get3A_332 : i32 to index
        %get3A_334 = arith.constant 48 : index
        %get3A_335 = tpu.vector_load %arg8[%get3A_333, %get3A_334] {strides = array<i32>} : memref<2x256xi32, #tpu.memory_space<vmem>>, vector<1x16xi32>,
        %get3A_336 = vector.shape_cast %get3A_335 : vector<1x16xi32> to vector<16xi32>
        %get3A_337 = arith.constant 1 : i32
        %get3A_338 = arith.index_cast %get3A_337 : i32 to index
        %get3A_339 = arith.constant 48 : index
        %get3A_340 = tpu.vector_load %arg9[%get3A_338, %get3A_339] {strides = array<i32>} : memref<2x256xi32, #tpu.memory_space<vmem>>, vector<1x16xi32>,
        %get3A_341 = vector.shape_cast %get3A_340 : vector<1x16xi32> to vector<16xi32>
        %max3A_342 = arith.maxsi %get3A_336, %get3A_341 : vector<16xi32>
        %get3A_343 = arith.constant 1 : i32
        %get3A_344 = arith.index_cast %get3A_343 : i32 to index
        %get3A_345 = arith.constant 48 : index
        %get3A_346 = tpu.vector_load %arg10[%get3A_344, %get3A_345] {strides = array<i32>} : memref<2x256xi32, #tpu.memory_space<vmem>>, vector<1x16xi32>,
        %get3A_347 = vector.shape_cast %get3A_346 : vector<1x16xi32> to vector<16xi32>
        %max3A_348 = arith.maxsi %max3A_342, %get3A_347 : vector<16xi32>
        %get3A_349 = arith.constant 1 : i32
        %get3A_350 = arith.index_cast %get3A_349 : i32 to index
        %get3A_351 = arith.constant 48 : index
        %get3A_352 = tpu.vector_load %arg10[%get3A_350, %get3A_351] {strides = array<i32>} : memref<2x256xi32, #tpu.memory_space<vmem>>, vector<1x16xi32>,
        %get3A_353 = vector.shape_cast %get3A_352 : vector<1x16xi32> to vector<16xi32>
        %min3A_354 = arith.minsi %max3A_342, %get3A_353 : vector<16xi32>
        %max3A_355 = arith.maxsi %min3A_331, %min3A_354 : vector<16xi32>
        %min3A_356 = arith.minsi %min3A_331, %min3A_354 : vector<16xi32>
        %add3A_357 = arith.constant 1 : i32
        %add3A_358 = vector.broadcast %add3A_357 : i32 to vector<16xi32>
        %add3A_359 = arith.addi %max3A_348, %add3A_358 : vector<16xi32>
        %mul3A_360 = arith.muli %max3A_348, %add3A_359 : vector<16xi32>
        %shift_right_arithmetic3A_361 = arith.constant 1 : i32
        %shift_right_arithmetic3A_362 = vector.broadcast %shift_right_arithmetic3A_361 : i32 to vector<16xi32>
        %shift_right_arithmetic3A_363 = arith.shrsi %mul3A_360, %shift_right_arithmetic3A_362 : vector<16xi32>
        %add3A_364 = arith.constant 2 : i32
        %add3A_365 = vector.broadcast %add3A_364 : i32 to vector<16xi32>
        %add3A_366 = arith.addi %max3A_348, %add3A_365 : vector<16xi32>
        %mul3A_367 = arith.muli %shift_right_arithmetic3A_363, %add3A_366 : vector<16xi32>
        %mul3A_368 = arith.constant -1431655765 : i32
        %mul3A_369 = vector.broadcast %mul3A_368 : i32 to vector<16xi32>
        %mul3A_370 = arith.muli %mul3A_367, %mul3A_369 : vector<16xi32>
        %add3A_371 = arith.constant 1 : i32
        %add3A_372 = vector.broadcast %add3A_371 : i32 to vector<16xi32>
        %add3A_373 = arith.addi %max3A_355, %add3A_372 : vector<16xi32>
        %mul3A_374 = arith.muli %max3A_355, %add3A_373 : vector<16xi32>
        %shift_right_arithmetic3A_375 = arith.constant 1 : i32
        %shift_right_arithmetic3A_376 = vector.broadcast %shift_right_arithmetic3A_375 : i32 to vector<16xi32>
        %shift_right_arithmetic3A_377 = arith.shrsi %mul3A_374, %shift_right_arithmetic3A_376 : vector<16xi32>
        %add3A_378 = arith.addi %mul3A_370, %shift_right_arithmetic3A_377 : vector<16xi32>
        %add3A_379 = arith.addi %add3A_378, %min3A_356 : vector<16xi32>
        %swap3A_380 = arith.constant 1 : i32
        %swap3A_381 = arith.constant 0 : i32
        %swap3A_382 = arith.index_cast %swap3A_380 : i32 to index
        %swap3A_383 = arith.index_cast %swap3A_381 : i32 to index
        %swap3A_384 = arith.constant 48 : index
        %swap3A_385 = tpu.vector_load %arg11[%swap3A_382, %swap3A_383, %swap3A_384] {strides = array<i32>} : memref<2x2x128xi32, #tpu.memory_space<vmem>>, vector<1x1x16xi32>,
        %swap3A_386 = vector.shape_cast %swap3A_385 : vector<1x1x16xi32> to vector<16xi32>
        %swap3A_387 = vector.shape_cast %add3A_379 : vector<16xi32> to vector<1x1x16xi32>
        tpu.vector_store %arg11[%swap3A_382, %swap3A_383, %swap3A_384], %swap3A_387 {strides = array<i32>} : memref<2x2x128xi32, #tpu.memory_space<vmem>>, vector<1x1x16xi32>,
        %get3A_388 = arith.constant 1 : i32
        %get3A_389 = arith.index_cast %get3A_388 : i32 to index
        %get3A_390 = arith.constant 64 : index
        %get3A_391 = tpu.vector_load %arg8[%get3A_389, %get3A_390] {strides = array<i32>} : memref<2x256xi32, #tpu.memory_space<vmem>>, vector<1x16xi32>,
        %get3A_392 = vector.shape_cast %get3A_391 : vector<1x16xi32> to vector<16xi32>
        %get3A_393 = arith.constant 1 : i32
        %get3A_394 = arith.index_cast %get3A_393 : i32 to index
        %get3A_395 = arith.constant 64 : index
        %get3A_396 = tpu.vector_load %arg9[%get3A_394, %get3A_395] {strides = array<i32>} : memref<2x256xi32, #tpu.memory_space<vmem>>, vector<1x16xi32>,
        %get3A_397 = vector.shape_cast %get3A_396 : vector<1x16xi32> to vector<16xi32>
        %min3A_398 = arith.minsi %get3A_392, %get3A_397 : vector<16xi32>
        %get3A_399 = arith.constant 1 : i32
        %get3A_400 = arith.index_cast %get3A_399 : i32 to index
        %get3A_401 = arith.constant 64 : index
        %get3A_402 = tpu.vector_load %arg8[%get3A_400, %get3A_401] {strides = array<i32>} : memref<2x256xi32, #tpu.memory_space<vmem>>, vector<1x16xi32>,
        %get3A_403 = vector.shape_cast %get3A_402 : vector<1x16xi32> to vector<16xi32>
        %get3A_404 = arith.constant 1 : i32
        %get3A_405 = arith.index_cast %get3A_404 : i32 to index
        %get3A_406 = arith.constant 64 : index
        %get3A_407 = tpu.vector_load %arg9[%get3A_405, %get3A_406] {strides = array<i32>} : memref<2x256xi32, #tpu.memory_space<vmem>>, vector<1x16xi32>,
        %get3A_408 = vector.shape_cast %get3A_407 : vector<1x16xi32> to vector<16xi32>
        %max3A_409 = arith.maxsi %get3A_403, %get3A_408 : vector<16xi32>
        %get3A_410 = arith.constant 1 : i32
        %get3A_411 = arith.index_cast %get3A_410 : i32 to index
        %get3A_412 = arith.constant 64 : index
        %get3A_413 = tpu.vector_load %arg10[%get3A_411, %get3A_412] {strides = array<i32>} : memref<2x256xi32, #tpu.memory_space<vmem>>, vector<1x16xi32>,
        %get3A_414 = vector.shape_cast %get3A_413 : vector<1x16xi32> to vector<16xi32>
        %max3A_415 = arith.maxsi %max3A_409, %get3A_414 : vector<16xi32>
        %get3A_416 = arith.constant 1 : i32
        %get3A_417 = arith.index_cast %get3A_416 : i32 to index
        %get3A_418 = arith.constant 64 : index
        %get3A_419 = tpu.vector_load %arg10[%get3A_417, %get3A_418] {strides = array<i32>} : memref<2x256xi32, #tpu.memory_space<vmem>>, vector<1x16xi32>,
        %get3A_420 = vector.shape_cast %get3A_419 : vector<1x16xi32> to vector<16xi32>
        %min3A_421 = arith.minsi %max3A_409, %get3A_420 : vector<16xi32>
        %max3A_422 = arith.maxsi %min3A_398, %min3A_421 : vector<16xi32>
        %min3A_423 = arith.minsi %min3A_398, %min3A_421 : vector<16xi32>
        %add3A_424 = arith.constant 1 : i32
        %add3A_425 = vector.broadcast %add3A_424 : i32 to vector<16xi32>
        %add3A_426 = arith.addi %max3A_415, %add3A_425 : vector<16xi32>
        %mul3A_427 = arith.muli %max3A_415, %add3A_426 : vector<16xi32>
        %shift_right_arithmetic3A_428 = arith.constant 1 : i32
        %shift_right_arithmetic3A_429 = vector.broadcast %shift_right_arithmetic3A_428 : i32 to vector<16xi32>
        %shift_right_arithmetic3A_430 = arith.shrsi %mul3A_427, %shift_right_arithmetic3A_429 : vector<16xi32>
        %add3A_431 = arith.constant 2 : i32
        %add3A_432 = vector.broadcast %add3A_431 : i32 to vector<16xi32>
        %add3A_433 = arith.addi %max3A_415, %add3A_432 : vector<16xi32>
        %mul3A_434 = arith.muli %shift_right_arithmetic3A_430, %add3A_433 : vector<16xi32>
        %mul3A_435 = arith.constant -1431655765 : i32
        %mul3A_436 = vector.broadcast %mul3A_435 : i32 to vector<16xi32>
        %mul3A_437 = arith.muli %mul3A_434, %mul3A_436 : vector<16xi32>
        %add3A_438 = arith.constant 1 : i32
        %add3A_439 = vector.broadcast %add3A_438 : i32 to vector<16xi32>
        %add3A_440 = arith.addi %max3A_422, %add3A_439 : vector<16xi32>
        %mul3A_441 = arith.muli %max3A_422, %add3A_440 : vector<16xi32>
        %shift_right_arithmetic3A_442 = arith.constant 1 : i32
        %shift_right_arithmetic3A_443 = vector.broadcast %shift_right_arithmetic3A_442 : i32 to vector<16xi32>
        %shift_right_arithmetic3A_444 = arith.shrsi %mul3A_441, %shift_right_arithmetic3A_443 : vector<16xi32>
        %add3A_445 = arith.addi %mul3A_437, %shift_right_arithmetic3A_444 : vector<16xi32>
        %add3A_446 = arith.addi %add3A_445, %min3A_423 : vector<16xi32>
        %swap3A_447 = arith.constant 1 : i32
        %swap3A_448 = arith.constant 0 : i32
        %swap3A_449 = arith.index_cast %swap3A_447 : i32 to index
        %swap3A_450 = arith.index_cast %swap3A_448 : i32 to index
        %swap3A_451 = arith.constant 64 : index
        %swap3A_452 = tpu.vector_load %arg11[%swap3A_449, %swap3A_450, %swap3A_451] {strides = array<i32>} : memref<2x2x128xi32, #tpu.memory_space<vmem>>, vector<1x1x16xi32>,
        %swap3A_453 = vector.shape_cast %swap3A_452 : vector<1x1x16xi32> to vector<16xi32>
        %swap3A_454 = vector.shape_cast %add3A_446 : vector<16xi32> to vector<1x1x16xi32>
        tpu.vector_store %arg11[%swap3A_449, %swap3A_450, %swap3A_451], %swap3A_454 {strides = array<i32>} : memref<2x2x128xi32, #tpu.memory_space<vmem>>, vector<1x1x16xi32>,
        %get3A_455 = arith.constant 1 : i32
        %get3A_456 = arith.index_cast %get3A_455 : i32 to index
        %get3A_457 = arith.constant 80 : index
        %get3A_458 = tpu.vector_load %arg8[%get3A_456, %get3A_457] {strides = array<i32>} : memref<2x256xi32, #tpu.memory_space<vmem>>, vector<1x16xi32>,
        %get3A_459 = vector.shape_cast %get3A_458 : vector<1x16xi32> to vector<16xi32>
        %get3A_460 = arith.constant 1 : i32
        %get3A_461 = arith.index_cast %get3A_460 : i32 to index
        %get3A_462 = arith.constant 80 : index
        %get3A_463 = tpu.vector_load %arg9[%get3A_461, %get3A_462] {strides = array<i32>} : memref<2x256xi32, #tpu.memory_space<vmem>>, vector<1x16xi32>,
        %get3A_464 = vector.shape_cast %get3A_463 : vector<1x16xi32> to vector<16xi32>
        %min3A_465 = arith.minsi %get3A_459, %get3A_464 : vector<16xi32>
        %get3A_466 = arith.constant 1 : i32
        %get3A_467 = arith.index_cast %get3A_466 : i32 to index
        %get3A_468 = arith.constant 80 : index
        %get3A_469 = tpu.vector_load %arg8[%get3A_467, %get3A_468] {strides = array<i32>} : memref<2x256xi32, #tpu.memory_space<vmem>>, vector<1x16xi32>,
        %get3A_470 = vector.shape_cast %get3A_469 : vector<1x16xi32> to vector<16xi32>
        %get3A_471 = arith.constant 1 : i32
        %get3A_472 = arith.index_cast %get3A_471 : i32 to index
        %get3A_473 = arith.constant 80 : index
        %get3A_474 = tpu.vector_load %arg9[%get3A_472, %get3A_473] {strides = array<i32>} : memref<2x256xi32, #tpu.memory_space<vmem>>, vector<1x16xi32>,
        %get3A_475 = vector.shape_cast %get3A_474 : vector<1x16xi32> to vector<16xi32>
        %max3A_476 = arith.maxsi %get3A_470, %get3A_475 : vector<16xi32>
        %get3A_477 = arith.constant 1 : i32
        %get3A_478 = arith.index_cast %get3A_477 : i32 to index
        %get3A_479 = arith.constant 80 : index
        %get3A_480 = tpu.vector_load %arg10[%get3A_478, %get3A_479] {strides = array<i32>} : memref<2x256xi32, #tpu.memory_space<vmem>>, vector<1x16xi32>,
        %get3A_481 = vector.shape_cast %get3A_480 : vector<1x16xi32> to vector<16xi32>
        %max3A_482 = arith.maxsi %max3A_476, %get3A_481 : vector<16xi32>
        %get3A_483 = arith.constant 1 : i32
        %get3A_484 = arith.index_cast %get3A_483 : i32 to index
        %get3A_485 = arith.constant 80 : index
        %get3A_486 = tpu.vector_load %arg10[%get3A_484, %get3A_485] {strides = array<i32>} : memref<2x256xi32, #tpu.memory_space<vmem>>, vector<1x16xi32>,
        %get3A_487 = vector.shape_cast %get3A_486 : vector<1x16xi32> to vector<16xi32>
        %min3A_488 = arith.minsi %max3A_476, %get3A_487 : vector<16xi32>
        %max3A_489 = arith.maxsi %min3A_465, %min3A_488 : vector<16xi32>
        %min3A_490 = arith.minsi %min3A_465, %min3A_488 : vector<16xi32>
        %add3A_491 = arith.constant 1 : i32
        %add3A_492 = vector.broadcast %add3A_491 : i32 to vector<16xi32>
        %add3A_493 = arith.addi %max3A_482, %add3A_492 : vector<16xi32>
        %mul3A_494 = arith.muli %max3A_482, %add3A_493 : vector<16xi32>
        %shift_right_arithmetic3A_495 = arith.constant 1 : i32
        %shift_right_arithmetic3A_496 = vector.broadcast %shift_right_arithmetic3A_495 : i32 to vector<16xi32>
        %shift_right_arithmetic3A_497 = arith.shrsi %mul3A_494, %shift_right_arithmetic3A_496 : vector<16xi32>
        %add3A_498 = arith.constant 2 : i32
        %add3A_499 = vector.broadcast %add3A_498 : i32 to vector<16xi32>
        %add3A_500 = arith.addi %max3A_482, %add3A_499 : vector<16xi32>
        %mul3A_501 = arith.muli %shift_right_arithmetic3A_497, %add3A_500 : vector<16xi32>
        %mul3A_502 = arith.constant -1431655765 : i32
        %mul3A_503 = vector.broadcast %mul3A_502 : i32 to vector<16xi32>
        %mul3A_504 = arith.muli %mul3A_501, %mul3A_503 : vector<16xi32>
        %add3A_505 = arith.constant 1 : i32
        %add3A_506 = vector.broadcast %add3A_505 : i32 to vector<16xi32>
        %add3A_507 = arith.addi %max3A_489, %add3A_506 : vector<16xi32>
        %mul3A_508 = arith.muli %max3A_489, %add3A_507 : vector<16xi32>
        %shift_right_arithmetic3A_509 = arith.constant 1 : i32
        %shift_right_arithmetic3A_510 = vector.broadcast %shift_right_arithmetic3A_509 : i32 to vector<16xi32>
        %shift_right_arithmetic3A_511 = arith.shrsi %mul3A_508, %shift_right_arithmetic3A_510 : vector<16xi32>
        %add3A_512 = arith.addi %mul3A_504, %shift_right_arithmetic3A_511 : vector<16xi32>
        %add3A_513 = arith.addi %add3A_512, %min3A_490 : vector<16xi32>
        %swap3A_514 = arith.constant 1 : i32
        %swap3A_515 = arith.constant 0 : i32
        %swap3A_516 = arith.index_cast %swap3A_514 : i32 to index
        %swap3A_517 = arith.index_cast %swap3A_515 : i32 to index
        %swap3A_518 = arith.constant 80 : index
        %swap3A_519 = tpu.vector_load %arg11[%swap3A_516, %swap3A_517, %swap3A_518] {strides = array<i32>} : memref<2x2x128xi32, #tpu.memory_space<vmem>>, vector<1x1x16xi32>,
        %swap3A_520 = vector.shape_cast %swap3A_519 : vector<1x1x16xi32> to vector<16xi32>
        %swap3A_521 = vector.shape_cast %add3A_513 : vector<16xi32> to vector<1x1x16xi32>
        tpu.vector_store %arg11[%swap3A_516, %swap3A_517, %swap3A_518], %swap3A_521 {strides = array<i32>} : memref<2x2x128xi32, #tpu.memory_space<vmem>>, vector<1x1x16xi32>,
        %get3A_522 = arith.constant 1 : i32
        %get3A_523 = arith.index_cast %get3A_522 : i32 to index
        %get3A_524 = arith.constant 96 : index
        %get3A_525 = tpu.vector_load %arg8[%get3A_523, %get3A_524] {strides = array<i32>} : memref<2x256xi32, #tpu.memory_space<vmem>>, vector<1x16xi32>,
        %get3A_526 = vector.shape_cast %get3A_525 : vector<1x16xi32> to vector<16xi32>
        %get3A_527 = arith.constant 1 : i32
        %get3A_528 = arith.index_cast %get3A_527 : i32 to index
        %get3A_529 = arith.constant 96 : index
        %get3A_530 = tpu.vector_load %arg9[%get3A_528, %get3A_529] {strides = array<i32>} : memref<2x256xi32, #tpu.memory_space<vmem>>, vector<1x16xi32>,
        %get3A_531 = vector.shape_cast %get3A_530 : vector<1x16xi32> to vector<16xi32>
        %min3A_532 = arith.minsi %get3A_526, %get3A_531 : vector<16xi32>
        %get3A_533 = arith.constant 1 : i32
        %get3A_534 = arith.index_cast %get3A_533 : i32 to index
        %get3A_535 = arith.constant 96 : index
        %get3A_536 = tpu.vector_load %arg8[%get3A_534, %get3A_535] {strides = array<i32>} : memref<2x256xi32, #tpu.memory_space<vmem>>, vector<1x16xi32>,
        %get3A_537 = vector.shape_cast %get3A_536 : vector<1x16xi32> to vector<16xi32>
        %get3A_538 = arith.constant 1 : i32
        %get3A_539 = arith.index_cast %get3A_538 : i32 to index
        %get3A_540 = arith.constant 96 : index
        %get3A_541 = tpu.vector_load %arg9[%get3A_539, %get3A_540] {strides = array<i32>} : memref<2x256xi32, #tpu.memory_space<vmem>>, vector<1x16xi32>,
        %get3A_542 = vector.shape_cast %get3A_541 : vector<1x16xi32> to vector<16xi32>
        %max3A_543 = arith.maxsi %get3A_537, %get3A_542 : vector<16xi32>
        %get3A_544 = arith.constant 1 : i32
        %get3A_545 = arith.index_cast %get3A_544 : i32 to index
        %get3A_546 = arith.constant 96 : index
        %get3A_547 = tpu.vector_load %arg10[%get3A_545, %get3A_546] {strides = array<i32>} : memref<2x256xi32, #tpu.memory_space<vmem>>, vector<1x16xi32>,
        %get3A_548 = vector.shape_cast %get3A_547 : vector<1x16xi32> to vector<16xi32>
        %max3A_549 = arith.maxsi %max3A_543, %get3A_548 : vector<16xi32>
        %get3A_550 = arith.constant 1 : i32
        %get3A_551 = arith.index_cast %get3A_550 : i32 to index
        %get3A_552 = arith.constant 96 : index
        %get3A_553 = tpu.vector_load %arg10[%get3A_551, %get3A_552] {strides = array<i32>} : memref<2x256xi32, #tpu.memory_space<vmem>>, vector<1x16xi32>,
        %get3A_554 = vector.shape_cast %get3A_553 : vector<1x16xi32> to vector<16xi32>
        %min3A_555 = arith.minsi %max3A_543, %get3A_554 : vector<16xi32>
        %max3A_556 = arith.maxsi %min3A_532, %min3A_555 : vector<16xi32>
        %min3A_557 = arith.minsi %min3A_532, %min3A_555 : vector<16xi32>
        %add3A_558 = arith.constant 1 : i32
        %add3A_559 = vector.broadcast %add3A_558 : i32 to vector<16xi32>
        %add3A_560 = arith.addi %max3A_549, %add3A_559 : vector<16xi32>
        %mul3A_561 = arith.muli %max3A_549, %add3A_560 : vector<16xi32>
        %shift_right_arithmetic3A_562 = arith.constant 1 : i32
        %shift_right_arithmetic3A_563 = vector.broadcast %shift_right_arithmetic3A_562 : i32 to vector<16xi32>
        %shift_right_arithmetic3A_564 = arith.shrsi %mul3A_561, %shift_right_arithmetic3A_563 : vector<16xi32>
        %add3A_565 = arith.constant 2 : i32
        %add3A_566 = vector.broadcast %add3A_565 : i32 to vector<16xi32>
        %add3A_567 = arith.addi %max3A_549, %add3A_566 : vector<16xi32>
        %mul3A_568 = arith.muli %shift_right_arithmetic3A_564, %add3A_567 : vector<16xi32>
        %mul3A_569 = arith.constant -1431655765 : i32
        %mul3A_570 = vector.broadcast %mul3A_569 : i32 to vector<16xi32>
        %mul3A_571 = arith.muli %mul3A_568, %mul3A_570 : vector<16xi32>
        %add3A_572 = arith.constant 1 : i32
        %add3A_573 = vector.broadcast %add3A_572 : i32 to vector<16xi32>
        %add3A_574 = arith.addi %max3A_556, %add3A_573 : vector<16xi32>
        %mul3A_575 = arith.muli %max3A_556, %add3A_574 : vector<16xi32>
        %shift_right_arithmetic3A_576 = arith.constant 1 : i32
        %shift_right_arithmetic3A_577 = vector.broadcast %shift_right_arithmetic3A_576 : i32 to vector<16xi32>
        %shift_right_arithmetic3A_578 = arith.shrsi %mul3A_575, %shift_right_arithmetic3A_577 : vector<16xi32>
        %add3A_579 = arith.addi %mul3A_571, %shift_right_arithmetic3A_578 : vector<16xi32>
        %add3A_580 = arith.addi %add3A_579, %min3A_557 : vector<16xi32>
        %swap3A_581 = arith.constant 1 : i32
        %swap3A_582 = arith.constant 0 : i32
        %swap3A_583 = arith.index_cast %swap3A_581 : i32 to index
        %swap3A_584 = arith.index_cast %swap3A_582 : i32 to index
        %swap3A_585 = arith.constant 96 : index
        %swap3A_586 = tpu.vector_load %arg11[%swap3A_583, %swap3A_584, %swap3A_585] {strides = array<i32>} : memref<2x2x128xi32, #tpu.memory_space<vmem>>, vector<1x1x16xi32>,
        %swap3A_587 = vector.shape_cast %swap3A_586 : vector<1x1x16xi32> to vector<16xi32>
        %swap3A_588 = vector.shape_cast %add3A_580 : vector<16xi32> to vector<1x1x16xi32>
        tpu.vector_store %arg11[%swap3A_583, %swap3A_584, %swap3A_585], %swap3A_588 {strides = array<i32>} : memref<2x2x128xi32, #tpu.memory_space<vmem>>, vector<1x1x16xi32>,
        %get3A_589 = arith.constant 1 : i32
        %get3A_590 = arith.index_cast %get3A_589 : i32 to index
        %get3A_591 = arith.constant 112 : index
        %get3A_592 = tpu.vector_load %arg8[%get3A_590, %get3A_591] {strides = array<i32>} : memref<2x256xi32, #tpu.memory_space<vmem>>, vector<1x16xi32>,
        %get3A_593 = vector.shape_cast %get3A_592 : vector<1x16xi32> to vector<16xi32>
        %get3A_594 = arith.constant 1 : i32
        %get3A_595 = arith.index_cast %get3A_594 : i32 to index
        %get3A_596 = arith.constant 112 : index
        %get3A_597 = tpu.vector_load %arg9[%get3A_595, %get3A_596] {strides = array<i32>} : memref<2x256xi32, #tpu.memory_space<vmem>>, vector<1x16xi32>,
        %get3A_598 = vector.shape_cast %get3A_597 : vector<1x16xi32> to vector<16xi32>
        %min3A_599 = arith.minsi %get3A_593, %get3A_598 : vector<16xi32>
        %get3A_600 = arith.constant 1 : i32
        %get3A_601 = arith.index_cast %get3A_600 : i32 to index
        %get3A_602 = arith.constant 112 : index
        %get3A_603 = tpu.vector_load %arg8[%get3A_601, %get3A_602] {strides = array<i32>} : memref<2x256xi32, #tpu.memory_space<vmem>>, vector<1x16xi32>,
        %get3A_604 = vector.shape_cast %get3A_603 : vector<1x16xi32> to vector<16xi32>
        %get3A_605 = arith.constant 1 : i32
        %get3A_606 = arith.index_cast %get3A_605 : i32 to index
        %get3A_607 = arith.constant 112 : index
        %get3A_608 = tpu.vector_load %arg9[%get3A_606, %get3A_607] {strides = array<i32>} : memref<2x256xi32, #tpu.memory_space<vmem>>, vector<1x16xi32>,
        %get3A_609 = vector.shape_cast %get3A_608 : vector<1x16xi32> to vector<16xi32>
        %max3A_610 = arith.maxsi %get3A_604, %get3A_609 : vector<16xi32>
        %get3A_611 = arith.constant 1 : i32
        %get3A_612 = arith.index_cast %get3A_611 : i32 to index
        %get3A_613 = arith.constant 112 : index
        %get3A_614 = tpu.vector_load %arg10[%get3A_612, %get3A_613] {strides = array<i32>} : memref<2x256xi32, #tpu.memory_space<vmem>>, vector<1x16xi32>,
        %get3A_615 = vector.shape_cast %get3A_614 : vector<1x16xi32> to vector<16xi32>
        %max3A_616 = arith.maxsi %max3A_610, %get3A_615 : vector<16xi32>
        %get3A_617 = arith.constant 1 : i32
        %get3A_618 = arith.index_cast %get3A_617 : i32 to index
        %get3A_619 = arith.constant 112 : index
        %get3A_620 = tpu.vector_load %arg10[%get3A_618, %get3A_619] {strides = array<i32>} : memref<2x256xi32, #tpu.memory_space<vmem>>, vector<1x16xi32>,
        %get3A_621 = vector.shape_cast %get3A_620 : vector<1x16xi32> to vector<16xi32>
        %min3A_622 = arith.minsi %max3A_610, %get3A_621 : vector<16xi32>
        %max3A_623 = arith.maxsi %min3A_599, %min3A_622 : vector<16xi32>
        %min3A_624 = arith.minsi %min3A_599, %min3A_622 : vector<16xi32>
        %add3A_625 = arith.constant 1 : i32
        %add3A_626 = vector.broadcast %add3A_625 : i32 to vector<16xi32>
        %add3A_627 = arith.addi %max3A_616, %add3A_626 : vector<16xi32>
        %mul3A_628 = arith.muli %max3A_616, %add3A_627 : vector<16xi32>
        %shift_right_arithmetic3A_629 = arith.constant 1 : i32
        %shift_right_arithmetic3A_630 = vector.broadcast %shift_right_arithmetic3A_629 : i32 to vector<16xi32>
        %shift_right_arithmetic3A_631 = arith.shrsi %mul3A_628, %shift_right_arithmetic3A_630 : vector<16xi32>
        %add3A_632 = arith.constant 2 : i32
        %add3A_633 = vector.broadcast %add3A_632 : i32 to vector<16xi32>
        %add3A_634 = arith.addi %max3A_616, %add3A_633 : vector<16xi32>
        %mul3A_635 = arith.muli %shift_right_arithmetic3A_631, %add3A_634 : vector<16xi32>
        %mul3A_636 = arith.constant -1431655765 : i32
        %mul3A_637 = vector.broadcast %mul3A_636 : i32 to vector<16xi32>
        %mul3A_638 = arith.muli %mul3A_635, %mul3A_637 : vector<16xi32>
        %add3A_639 = arith.constant 1 : i32
        %add3A_640 = vector.broadcast %add3A_639 : i32 to vector<16xi32>
        %add3A_641 = arith.addi %max3A_623, %add3A_640 : vector<16xi32>
        %mul3A_642 = arith.muli %max3A_623, %add3A_641 : vector<16xi32>
        %shift_right_arithmetic3A_643 = arith.constant 1 : i32
        %shift_right_arithmetic3A_644 = vector.broadcast %shift_right_arithmetic3A_643 : i32 to vector<16xi32>
        %shift_right_arithmetic3A_645 = arith.shrsi %mul3A_642, %shift_right_arithmetic3A_644 : vector<16xi32>
        %add3A_646 = arith.addi %mul3A_638, %shift_right_arithmetic3A_645 : vector<16xi32>
        %add3A_647 = arith.addi %add3A_646, %min3A_624 : vector<16xi32>
        %swap3A_648 = arith.constant 1 : i32
        %swap3A_649 = arith.constant 0 : i32
        %swap3A_650 = arith.index_cast %swap3A_648 : i32 to index
        %swap3A_651 = arith.index_cast %swap3A_649 : i32 to index
        %swap3A_652 = arith.constant 112 : index
        %swap3A_653 = tpu.vector_load %arg11[%swap3A_650, %swap3A_651, %swap3A_652] {strides = array<i32>} : memref<2x2x128xi32, #tpu.memory_space<vmem>>, vector<1x1x16xi32>,
        %swap3A_654 = vector.shape_cast %swap3A_653 : vector<1x1x16xi32> to vector<16xi32>
        %swap3A_655 = vector.shape_cast %add3A_647 : vector<16xi32> to vector<1x1x16xi32>
        tpu.vector_store %arg11[%swap3A_650, %swap3A_651, %swap3A_652], %swap3A_655 {strides = array<i32>} : memref<2x2x128xi32, #tpu.memory_space<vmem>>, vector<1x1x16xi32>,
        %get3A_656 = arith.constant 1 : i32
        %get3A_657 = arith.index_cast %get3A_656 : i32 to index
        %get3A_658 = arith.constant 128 : index
        %get3A_659 = tpu.vector_load %arg8[%get3A_657, %get3A_658] {strides = array<i32>} : memref<2x256xi32, #tpu.memory_space<vmem>>, vector<1x16xi32>,
        %get3A_660 = vector.shape_cast %get3A_659 : vector<1x16xi32> to vector<16xi32>
        %get3A_661 = arith.constant 1 : i32
        %get3A_662 = arith.index_cast %get3A_661 : i32 to index
        %get3A_663 = arith.constant 128 : index
        %get3A_664 = tpu.vector_load %arg9[%get3A_662, %get3A_663] {strides = array<i32>} : memref<2x256xi32, #tpu.memory_space<vmem>>, vector<1x16xi32>,
        %get3A_665 = vector.shape_cast %get3A_664 : vector<1x16xi32> to vector<16xi32>
        %min3A_666 = arith.minsi %get3A_660, %get3A_665 : vector<16xi32>
        %get3A_667 = arith.constant 1 : i32
        %get3A_668 = arith.index_cast %get3A_667 : i32 to index
        %get3A_669 = arith.constant 128 : index
        %get3A_670 = tpu.vector_load %arg8[%get3A_668, %get3A_669] {strides = array<i32>} : memref<2x256xi32, #tpu.memory_space<vmem>>, vector<1x16xi32>,
        %get3A_671 = vector.shape_cast %get3A_670 : vector<1x16xi32> to vector<16xi32>
        %get3A_672 = arith.constant 1 : i32
        %get3A_673 = arith.index_cast %get3A_672 : i32 to index
        %get3A_674 = arith.constant 128 : index
        %get3A_675 = tpu.vector_load %arg9[%get3A_673, %get3A_674] {strides = array<i32>} : memref<2x256xi32, #tpu.memory_space<vmem>>, vector<1x16xi32>,
        %get3A_676 = vector.shape_cast %get3A_675 : vector<1x16xi32> to vector<16xi32>
        %max3A_677 = arith.maxsi %get3A_671, %get3A_676 : vector<16xi32>
        %get3A_678 = arith.constant 1 : i32
        %get3A_679 = arith.index_cast %get3A_678 : i32 to index
        %get3A_680 = arith.constant 128 : index
        %get3A_681 = tpu.vector_load %arg10[%get3A_679, %get3A_680] {strides = array<i32>} : memref<2x256xi32, #tpu.memory_space<vmem>>, vector<1x16xi32>,
        %get3A_682 = vector.shape_cast %get3A_681 : vector<1x16xi32> to vector<16xi32>
        %max3A_683 = arith.maxsi %max3A_677, %get3A_682 : vector<16xi32>
        %get3A_684 = arith.constant 1 : i32
        %get3A_685 = arith.index_cast %get3A_684 : i32 to index
        %get3A_686 = arith.constant 128 : index
        %get3A_687 = tpu.vector_load %arg10[%get3A_685, %get3A_686] {strides = array<i32>} : memref<2x256xi32, #tpu.memory_space<vmem>>, vector<1x16xi32>,
        %get3A_688 = vector.shape_cast %get3A_687 : vector<1x16xi32> to vector<16xi32>
        %min3A_689 = arith.minsi %max3A_677, %get3A_688 : vector<16xi32>
        %max3A_690 = arith.maxsi %min3A_666, %min3A_689 : vector<16xi32>
        %min3A_691 = arith.minsi %min3A_666, %min3A_689 : vector<16xi32>
        %add3A_692 = arith.constant 1 : i32
        %add3A_693 = vector.broadcast %add3A_692 : i32 to vector<16xi32>
        %add3A_694 = arith.addi %max3A_683, %add3A_693 : vector<16xi32>
        %mul3A_695 = arith.muli %max3A_683, %add3A_694 : vector<16xi32>
        %shift_right_arithmetic3A_696 = arith.constant 1 : i32
        %shift_right_arithmetic3A_697 = vector.broadcast %shift_right_arithmetic3A_696 : i32 to vector<16xi32>
        %shift_right_arithmetic3A_698 = arith.shrsi %mul3A_695, %shift_right_arithmetic3A_697 : vector<16xi32>
        %add3A_699 = arith.constant 2 : i32
        %add3A_700 = vector.broadcast %add3A_699 : i32 to vector<16xi32>
        %add3A_701 = arith.addi %max3A_683, %add3A_700 : vector<16xi32>
        %mul3A_702 = arith.muli %shift_right_arithmetic3A_698, %add3A_701 : vector<16xi32>
        %mul3A_703 = arith.constant -1431655765 : i32
        %mul3A_704 = vector.broadcast %mul3A_703 : i32 to vector<16xi32>
        %mul3A_705 = arith.muli %mul3A_702, %mul3A_704 : vector<16xi32>
        %add3A_706 = arith.constant 1 : i32
        %add3A_707 = vector.broadcast %add3A_706 : i32 to vector<16xi32>
        %add3A_708 = arith.addi %max3A_690, %add3A_707 : vector<16xi32>
        %mul3A_709 = arith.muli %max3A_690, %add3A_708 : vector<16xi32>
        %shift_right_arithmetic3A_710 = arith.constant 1 : i32
        %shift_right_arithmetic3A_711 = vector.broadcast %shift_right_arithmetic3A_710 : i32 to vector<16xi32>
        %shift_right_arithmetic3A_712 = arith.shrsi %mul3A_709, %shift_right_arithmetic3A_711 : vector<16xi32>
        %add3A_713 = arith.addi %mul3A_705, %shift_right_arithmetic3A_712 : vector<16xi32>
        %add3A_714 = arith.addi %add3A_713, %min3A_691 : vector<16xi32>
        %swap3A_715 = arith.constant 1 : i32
        %swap3A_716 = arith.constant 1 : i32
        %swap3A_717 = arith.index_cast %swap3A_715 : i32 to index
        %swap3A_718 = arith.index_cast %swap3A_716 : i32 to index
        %swap3A_719 = arith.constant 0 : index
        %swap3A_720 = tpu.vector_load %arg11[%swap3A_717, %swap3A_718, %swap3A_719] {strides = array<i32>} : memref<2x2x128xi32, #tpu.memory_space<vmem>>, vector<1x1x16xi32>,
        %swap3A_721 = vector.shape_cast %swap3A_720 : vector<1x1x16xi32> to vector<16xi32>
        %swap3A_722 = vector.shape_cast %add3A_714 : vector<16xi32> to vector<1x1x16xi32>
        tpu.vector_store %arg11[%swap3A_717, %swap3A_718, %swap3A_719], %swap3A_722 {strides = array<i32>} : memref<2x2x128xi32, #tpu.memory_space<vmem>>, vector<1x1x16xi32>,
        %get3A_723 = arith.constant 1 : i32
        %get3A_724 = arith.index_cast %get3A_723 : i32 to index
        %get3A_725 = arith.constant 144 : index
        %get3A_726 = tpu.vector_load %arg8[%get3A_724, %get3A_725] {strides = array<i32>} : memref<2x256xi32, #tpu.memory_space<vmem>>, vector<1x16xi32>,
        %get3A_727 = vector.shape_cast %get3A_726 : vector<1x16xi32> to vector<16xi32>
        %get3A_728 = arith.constant 1 : i32
        %get3A_729 = arith.index_cast %get3A_728 : i32 to index
        %get3A_730 = arith.constant 144 : index
        %get3A_731 = tpu.vector_load %arg9[%get3A_729, %get3A_730] {strides = array<i32>} : memref<2x256xi32, #tpu.memory_space<vmem>>, vector<1x16xi32>,
        %get3A_732 = vector.shape_cast %get3A_731 : vector<1x16xi32> to vector<16xi32>
        %min3A_733 = arith.minsi %get3A_727, %get3A_732 : vector<16xi32>
        %get3A_734 = arith.constant 1 : i32
        %get3A_735 = arith.index_cast %get3A_734 : i32 to index
        %get3A_736 = arith.constant 144 : index
        %get3A_737 = tpu.vector_load %arg8[%get3A_735, %get3A_736] {strides = array<i32>} : memref<2x256xi32, #tpu.memory_space<vmem>>, vector<1x16xi32>,
        %get3A_738 = vector.shape_cast %get3A_737 : vector<1x16xi32> to vector<16xi32>
        %get3A_739 = arith.constant 1 : i32
        %get3A_740 = arith.index_cast %get3A_739 : i32 to index
        %get3A_741 = arith.constant 144 : index
        %get3A_742 = tpu.vector_load %arg9[%get3A_740, %get3A_741] {strides = array<i32>} : memref<2x256xi32, #tpu.memory_space<vmem>>, vector<1x16xi32>,
        %get3A_743 = vector.shape_cast %get3A_742 : vector<1x16xi32> to vector<16xi32>
        %max3A_744 = arith.maxsi %get3A_738, %get3A_743 : vector<16xi32>
        %get3A_745 = arith.constant 1 : i32
        %get3A_746 = arith.index_cast %get3A_745 : i32 to index
        %get3A_747 = arith.constant 144 : index
        %get3A_748 = tpu.vector_load %arg10[%get3A_746, %get3A_747] {strides = array<i32>} : memref<2x256xi32, #tpu.memory_space<vmem>>, vector<1x16xi32>,
        %get3A_749 = vector.shape_cast %get3A_748 : vector<1x16xi32> to vector<16xi32>
        %max3A_750 = arith.maxsi %max3A_744, %get3A_749 : vector<16xi32>
        %get3A_751 = arith.constant 1 : i32
        %get3A_752 = arith.index_cast %get3A_751 : i32 to index
        %get3A_753 = arith.constant 144 : index
        %get3A_754 = tpu.vector_load %arg10[%get3A_752, %get3A_753] {strides = array<i32>} : memref<2x256xi32, #tpu.memory_space<vmem>>, vector<1x16xi32>,
        %get3A_755 = vector.shape_cast %get3A_754 : vector<1x16xi32> to vector<16xi32>
        %min3A_756 = arith.minsi %max3A_744, %get3A_755 : vector<16xi32>
        %max3A_757 = arith.maxsi %min3A_733, %min3A_756 : vector<16xi32>
        %min3A_758 = arith.minsi %min3A_733, %min3A_756 : vector<16xi32>
        %add3A_759 = arith.constant 1 : i32
        %add3A_760 = vector.broadcast %add3A_759 : i32 to vector<16xi32>
        %add3A_761 = arith.addi %max3A_750, %add3A_760 : vector<16xi32>
        %mul3A_762 = arith.muli %max3A_750, %add3A_761 : vector<16xi32>
        %shift_right_arithmetic3A_763 = arith.constant 1 : i32
        %shift_right_arithmetic3A_764 = vector.broadcast %shift_right_arithmetic3A_763 : i32 to vector<16xi32>
        %shift_right_arithmetic3A_765 = arith.shrsi %mul3A_762, %shift_right_arithmetic3A_764 : vector<16xi32>
        %add3A_766 = arith.constant 2 : i32
        %add3A_767 = vector.broadcast %add3A_766 : i32 to vector<16xi32>
        %add3A_768 = arith.addi %max3A_750, %add3A_767 : vector<16xi32>
        %mul3A_769 = arith.muli %shift_right_arithmetic3A_765, %add3A_768 : vector<16xi32>
        %mul3A_770 = arith.constant -1431655765 : i32
        %mul3A_771 = vector.broadcast %mul3A_770 : i32 to vector<16xi32>
        %mul3A_772 = arith.muli %mul3A_769, %mul3A_771 : vector<16xi32>
        %add3A_773 = arith.constant 1 : i32
        %add3A_774 = vector.broadcast %add3A_773 : i32 to vector<16xi32>
        %add3A_775 = arith.addi %max3A_757, %add3A_774 : vector<16xi32>
        %mul3A_776 = arith.muli %max3A_757, %add3A_775 : vector<16xi32>
        %shift_right_arithmetic3A_777 = arith.constant 1 : i32
        %shift_right_arithmetic3A_778 = vector.broadcast %shift_right_arithmetic3A_777 : i32 to vector<16xi32>
        %shift_right_arithmetic3A_779 = arith.shrsi %mul3A_776, %shift_right_arithmetic3A_778 : vector<16xi32>
        %add3A_780 = arith.addi %mul3A_772, %shift_right_arithmetic3A_779 : vector<16xi32>
        %add3A_781 = arith.addi %add3A_780, %min3A_758 : vector<16xi32>
        %swap3A_782 = arith.constant 1 : i32
        %swap3A_783 = arith.constant 1 : i32
        %swap3A_784 = arith.index_cast %swap3A_782 : i32 to index
        %swap3A_785 = arith.index_cast %swap3A_783 : i32 to index
        %swap3A_786 = arith.constant 16 : index
        %swap3A_787 = tpu.vector_load %arg11[%swap3A_784, %swap3A_785, %swap3A_786] {strides = array<i32>} : memref<2x2x128xi32, #tpu.memory_space<vmem>>, vector<1x1x16xi32>,
        %swap3A_788 = vector.shape_cast %swap3A_787 : vector<1x1x16xi32> to vector<16xi32>
        %swap3A_789 = vector.shape_cast %add3A_781 : vector<16xi32> to vector<1x1x16xi32>
        tpu.vector_store %arg11[%swap3A_784, %swap3A_785, %swap3A_786], %swap3A_789 {strides = array<i32>} : memref<2x2x128xi32, #tpu.memory_space<vmem>>, vector<1x1x16xi32>,
        %get3A_790 = arith.constant 1 : i32
        %get3A_791 = arith.index_cast %get3A_790 : i32 to index
        %get3A_792 = arith.constant 160 : index
        %get3A_793 = tpu.vector_load %arg8[%get3A_791, %get3A_792] {strides = array<i32>} : memref<2x256xi32, #tpu.memory_space<vmem>>, vector<1x16xi32>,
        %get3A_794 = vector.shape_cast %get3A_793 : vector<1x16xi32> to vector<16xi32>
        %get3A_795 = arith.constant 1 : i32
        %get3A_796 = arith.index_cast %get3A_795 : i32 to index
        %get3A_797 = arith.constant 160 : index
        %get3A_798 = tpu.vector_load %arg9[%get3A_796, %get3A_797] {strides = array<i32>} : memref<2x256xi32, #tpu.memory_space<vmem>>, vector<1x16xi32>,
        %get3A_799 = vector.shape_cast %get3A_798 : vector<1x16xi32> to vector<16xi32>
        %min3A_800 = arith.minsi %get3A_794, %get3A_799 : vector<16xi32>
        %get3A_801 = arith.constant 1 : i32
        %get3A_802 = arith.index_cast %get3A_801 : i32 to index
        %get3A_803 = arith.constant 160 : index
        %get3A_804 = tpu.vector_load %arg8[%get3A_802, %get3A_803] {strides = array<i32>} : memref<2x256xi32, #tpu.memory_space<vmem>>, vector<1x16xi32>,
        %get3A_805 = vector.shape_cast %get3A_804 : vector<1x16xi32> to vector<16xi32>
        %get3A_806 = arith.constant 1 : i32
        %get3A_807 = arith.index_cast %get3A_806 : i32 to index
        %get3A_808 = arith.constant 160 : index
        %get3A_809 = tpu.vector_load %arg9[%get3A_807, %get3A_808] {strides = array<i32>} : memref<2x256xi32, #tpu.memory_space<vmem>>, vector<1x16xi32>,
        %get3A_810 = vector.shape_cast %get3A_809 : vector<1x16xi32> to vector<16xi32>
        %max3A_811 = arith.maxsi %get3A_805, %get3A_810 : vector<16xi32>
        %get3A_812 = arith.constant 1 : i32
        %get3A_813 = arith.index_cast %get3A_812 : i32 to index
        %get3A_814 = arith.constant 160 : index
        %get3A_815 = tpu.vector_load %arg10[%get3A_813, %get3A_814] {strides = array<i32>} : memref<2x256xi32, #tpu.memory_space<vmem>>, vector<1x16xi32>,
        %get3A_816 = vector.shape_cast %get3A_815 : vector<1x16xi32> to vector<16xi32>
        %max3A_817 = arith.maxsi %max3A_811, %get3A_816 : vector<16xi32>
        %get3A_818 = arith.constant 1 : i32
        %get3A_819 = arith.index_cast %get3A_818 : i32 to index
        %get3A_820 = arith.constant 160 : index
        %get3A_821 = tpu.vector_load %arg10[%get3A_819, %get3A_820] {strides = array<i32>} : memref<2x256xi32, #tpu.memory_space<vmem>>, vector<1x16xi32>,
        %get3A_822 = vector.shape_cast %get3A_821 : vector<1x16xi32> to vector<16xi32>
        %min3A_823 = arith.minsi %max3A_811, %get3A_822 : vector<16xi32>
        %max3A_824 = arith.maxsi %min3A_800, %min3A_823 : vector<16xi32>
        %min3A_825 = arith.minsi %min3A_800, %min3A_823 : vector<16xi32>
        %add3A_826 = arith.constant 1 : i32
        %add3A_827 = vector.broadcast %add3A_826 : i32 to vector<16xi32>
        %add3A_828 = arith.addi %max3A_817, %add3A_827 : vector<16xi32>
        %mul3A_829 = arith.muli %max3A_817, %add3A_828 : vector<16xi32>
        %shift_right_arithmetic3A_830 = arith.constant 1 : i32
        %shift_right_arithmetic3A_831 = vector.broadcast %shift_right_arithmetic3A_830 : i32 to vector<16xi32>
        %shift_right_arithmetic3A_832 = arith.shrsi %mul3A_829, %shift_right_arithmetic3A_831 : vector<16xi32>
        %add3A_833 = arith.constant 2 : i32
        %add3A_834 = vector.broadcast %add3A_833 : i32 to vector<16xi32>
        %add3A_835 = arith.addi %max3A_817, %add3A_834 : vector<16xi32>
        %mul3A_836 = arith.muli %shift_right_arithmetic3A_832, %add3A_835 : vector<16xi32>
        %mul3A_837 = arith.constant -1431655765 : i32
        %mul3A_838 = vector.broadcast %mul3A_837 : i32 to vector<16xi32>
        %mul3A_839 = arith.muli %mul3A_836, %mul3A_838 : vector<16xi32>
        %add3A_840 = arith.constant 1 : i32
        %add3A_841 = vector.broadcast %add3A_840 : i32 to vector<16xi32>
        %add3A_842 = arith.addi %max3A_824, %add3A_841 : vector<16xi32>
        %mul3A_843 = arith.muli %max3A_824, %add3A_842 : vector<16xi32>
        %shift_right_arithmetic3A_844 = arith.constant 1 : i32
        %shift_right_arithmetic3A_845 = vector.broadcast %shift_right_arithmetic3A_844 : i32 to vector<16xi32>
        %shift_right_arithmetic3A_846 = arith.shrsi %mul3A_843, %shift_right_arithmetic3A_845 : vector<16xi32>
        %add3A_847 = arith.addi %mul3A_839, %shift_right_arithmetic3A_846 : vector<16xi32>
        %add3A_848 = arith.addi %add3A_847, %min3A_825 : vector<16xi32>
        %swap3A_849 = arith.constant 1 : i32
        %swap3A_850 = arith.constant 1 : i32
        %swap3A_851 = arith.index_cast %swap3A_849 : i32 to index
        %swap3A_852 = arith.index_cast %swap3A_850 : i32 to index
        %swap3A_853 = arith.constant 32 : index
        %swap3A_854 = tpu.vector_load %arg11[%swap3A_851, %swap3A_852, %swap3A_853] {strides = array<i32>} : memref<2x2x128xi32, #tpu.memory_space<vmem>>, vector<1x1x16xi32>,
        %swap3A_855 = vector.shape_cast %swap3A_854 : vector<1x1x16xi32> to vector<16xi32>
        %swap3A_856 = vector.shape_cast %add3A_848 : vector<16xi32> to vector<1x1x16xi32>
        tpu.vector_store %arg11[%swap3A_851, %swap3A_852, %swap3A_853], %swap3A_856 {strides = array<i32>} : memref<2x2x128xi32, #tpu.memory_space<vmem>>, vector<1x1x16xi32>,
        %get3A_857 = arith.constant 1 : i32
        %get3A_858 = arith.index_cast %get3A_857 : i32 to index
        %get3A_859 = arith.constant 176 : index
        %get3A_860 = tpu.vector_load %arg8[%get3A_858, %get3A_859] {strides = array<i32>} : memref<2x256xi32, #tpu.memory_space<vmem>>, vector<1x16xi32>,
        %get3A_861 = vector.shape_cast %get3A_860 : vector<1x16xi32> to vector<16xi32>
        %get3A_862 = arith.constant 1 : i32
        %get3A_863 = arith.index_cast %get3A_862 : i32 to index
        %get3A_864 = arith.constant 176 : index
        %get3A_865 = tpu.vector_load %arg9[%get3A_863, %get3A_864] {strides = array<i32>} : memref<2x256xi32, #tpu.memory_space<vmem>>, vector<1x16xi32>,
        %get3A_866 = vector.shape_cast %get3A_865 : vector<1x16xi32> to vector<16xi32>
        %min3A_867 = arith.minsi %get3A_861, %get3A_866 : vector<16xi32>
        %get3A_868 = arith.constant 1 : i32
        %get3A_869 = arith.index_cast %get3A_868 : i32 to index
        %get3A_870 = arith.constant 176 : index
        %get3A_871 = tpu.vector_load %arg8[%get3A_869, %get3A_870] {strides = array<i32>} : memref<2x256xi32, #tpu.memory_space<vmem>>, vector<1x16xi32>,
        %get3A_872 = vector.shape_cast %get3A_871 : vector<1x16xi32> to vector<16xi32>
        %get3A_873 = arith.constant 1 : i32
        %get3A_874 = arith.index_cast %get3A_873 : i32 to index
        %get3A_875 = arith.constant 176 : index
        %get3A_876 = tpu.vector_load %arg9[%get3A_874, %get3A_875] {strides = array<i32>} : memref<2x256xi32, #tpu.memory_space<vmem>>, vector<1x16xi32>,
        %get3A_877 = vector.shape_cast %get3A_876 : vector<1x16xi32> to vector<16xi32>
        %max3A_878 = arith.maxsi %get3A_872, %get3A_877 : vector<16xi32>
        %get3A_879 = arith.constant 1 : i32
        %get3A_880 = arith.index_cast %get3A_879 : i32 to index
        %get3A_881 = arith.constant 176 : index
        %get3A_882 = tpu.vector_load %arg10[%get3A_880, %get3A_881] {strides = array<i32>} : memref<2x256xi32, #tpu.memory_space<vmem>>, vector<1x16xi32>,
        %get3A_883 = vector.shape_cast %get3A_882 : vector<1x16xi32> to vector<16xi32>
        %max3A_884 = arith.maxsi %max3A_878, %get3A_883 : vector<16xi32>
        %get3A_885 = arith.constant 1 : i32
        %get3A_886 = arith.index_cast %get3A_885 : i32 to index
        %get3A_887 = arith.constant 176 : index
        %get3A_888 = tpu.vector_load %arg10[%get3A_886, %get3A_887] {strides = array<i32>} : memref<2x256xi32, #tpu.memory_space<vmem>>, vector<1x16xi32>,
        %get3A_889 = vector.shape_cast %get3A_888 : vector<1x16xi32> to vector<16xi32>
        %min3A_890 = arith.minsi %max3A_878, %get3A_889 : vector<16xi32>
        %max3A_891 = arith.maxsi %min3A_867, %min3A_890 : vector<16xi32>
        %min3A_892 = arith.minsi %min3A_867, %min3A_890 : vector<16xi32>
        %add3A_893 = arith.constant 1 : i32
        %add3A_894 = vector.broadcast %add3A_893 : i32 to vector<16xi32>
        %add3A_895 = arith.addi %max3A_884, %add3A_894 : vector<16xi32>
        %mul3A_896 = arith.muli %max3A_884, %add3A_895 : vector<16xi32>
        %shift_right_arithmetic3A_897 = arith.constant 1 : i32
        %shift_right_arithmetic3A_898 = vector.broadcast %shift_right_arithmetic3A_897 : i32 to vector<16xi32>
        %shift_right_arithmetic3A_899 = arith.shrsi %mul3A_896, %shift_right_arithmetic3A_898 : vector<16xi32>
        %add3A_900 = arith.constant 2 : i32
        %add3A_901 = vector.broadcast %add3A_900 : i32 to vector<16xi32>
        %add3A_902 = arith.addi %max3A_884, %add3A_901 : vector<16xi32>
        %mul3A_903 = arith.muli %shift_right_arithmetic3A_899, %add3A_902 : vector<16xi32>
        %mul3A_904 = arith.constant -1431655765 : i32
        %mul3A_905 = vector.broadcast %mul3A_904 : i32 to vector<16xi32>
        %mul3A_906 = arith.muli %mul3A_903, %mul3A_905 : vector<16xi32>
        %add3A_907 = arith.constant 1 : i32
        %add3A_908 = vector.broadcast %add3A_907 : i32 to vector<16xi32>
        %add3A_909 = arith.addi %max3A_891, %add3A_908 : vector<16xi32>
        %mul3A_910 = arith.muli %max3A_891, %add3A_909 : vector<16xi32>
        %shift_right_arithmetic3A_911 = arith.constant 1 : i32
        %shift_right_arithmetic3A_912 = vector.broadcast %shift_right_arithmetic3A_911 : i32 to vector<16xi32>
        %shift_right_arithmetic3A_913 = arith.shrsi %mul3A_910, %shift_right_arithmetic3A_912 : vector<16xi32>
        %add3A_914 = arith.addi %mul3A_906, %shift_right_arithmetic3A_913 : vector<16xi32>
        %add3A_915 = arith.addi %add3A_914, %min3A_892 : vector<16xi32>
        %swap3A_916 = arith.constant 1 : i32
        %swap3A_917 = arith.constant 1 : i32
        %swap3A_918 = arith.index_cast %swap3A_916 : i32 to index
        %swap3A_919 = arith.index_cast %swap3A_917 : i32 to index
        %swap3A_920 = arith.constant 48 : index
        %swap3A_921 = tpu.vector_load %arg11[%swap3A_918, %swap3A_919, %swap3A_920] {strides = array<i32>} : memref<2x2x128xi32, #tpu.memory_space<vmem>>, vector<1x1x16xi32>,
        %swap3A_922 = vector.shape_cast %swap3A_921 : vector<1x1x16xi32> to vector<16xi32>
        %swap3A_923 = vector.shape_cast %add3A_915 : vector<16xi32> to vector<1x1x16xi32>
        tpu.vector_store %arg11[%swap3A_918, %swap3A_919, %swap3A_920], %swap3A_923 {strides = array<i32>} : memref<2x2x128xi32, #tpu.memory_space<vmem>>, vector<1x1x16xi32>,
        %get3A_924 = arith.constant 1 : i32
        %get3A_925 = arith.index_cast %get3A_924 : i32 to index
        %get3A_926 = arith.constant 192 : index
        %get3A_927 = tpu.vector_load %arg8[%get3A_925, %get3A_926] {strides = array<i32>} : memref<2x256xi32, #tpu.memory_space<vmem>>, vector<1x16xi32>,
        %get3A_928 = vector.shape_cast %get3A_927 : vector<1x16xi32> to vector<16xi32>
        %get3A_929 = arith.constant 1 : i32
        %get3A_930 = arith.index_cast %get3A_929 : i32 to index
        %get3A_931 = arith.constant 192 : index
        %get3A_932 = tpu.vector_load %arg9[%get3A_930, %get3A_931] {strides = array<i32>} : memref<2x256xi32, #tpu.memory_space<vmem>>, vector<1x16xi32>,
        %get3A_933 = vector.shape_cast %get3A_932 : vector<1x16xi32> to vector<16xi32>
        %min3A_934 = arith.minsi %get3A_928, %get3A_933 : vector<16xi32>
        %get3A_935 = arith.constant 1 : i32
        %get3A_936 = arith.index_cast %get3A_935 : i32 to index
        %get3A_937 = arith.constant 192 : index
        %get3A_938 = tpu.vector_load %arg8[%get3A_936, %get3A_937] {strides = array<i32>} : memref<2x256xi32, #tpu.memory_space<vmem>>, vector<1x16xi32>,
        %get3A_939 = vector.shape_cast %get3A_938 : vector<1x16xi32> to vector<16xi32>
        %get3A_940 = arith.constant 1 : i32
        %get3A_941 = arith.index_cast %get3A_940 : i32 to index
        %get3A_942 = arith.constant 192 : index
        %get3A_943 = tpu.vector_load %arg9[%get3A_941, %get3A_942] {strides = array<i32>} : memref<2x256xi32, #tpu.memory_space<vmem>>, vector<1x16xi32>,
        %get3A_944 = vector.shape_cast %get3A_943 : vector<1x16xi32> to vector<16xi32>
        %max3A_945 = arith.maxsi %get3A_939, %get3A_944 : vector<16xi32>
        %get3A_946 = arith.constant 1 : i32
        %get3A_947 = arith.index_cast %get3A_946 : i32 to index
        %get3A_948 = arith.constant 192 : index
        %get3A_949 = tpu.vector_load %arg10[%get3A_947, %get3A_948] {strides = array<i32>} : memref<2x256xi32, #tpu.memory_space<vmem>>, vector<1x16xi32>,
        %get3A_950 = vector.shape_cast %get3A_949 : vector<1x16xi32> to vector<16xi32>
        %max3A_951 = arith.maxsi %max3A_945, %get3A_950 : vector<16xi32>
        %get3A_952 = arith.constant 1 : i32
        %get3A_953 = arith.index_cast %get3A_952 : i32 to index
        %get3A_954 = arith.constant 192 : index
        %get3A_955 = tpu.vector_load %arg10[%get3A_953, %get3A_954] {strides = array<i32>} : memref<2x256xi32, #tpu.memory_space<vmem>>, vector<1x16xi32>,
        %get3A_956 = vector.shape_cast %get3A_955 : vector<1x16xi32> to vector<16xi32>
        %min3A_957 = arith.minsi %max3A_945, %get3A_956 : vector<16xi32>
        %max3A_958 = arith.maxsi %min3A_934, %min3A_957 : vector<16xi32>
        %min3A_959 = arith.minsi %min3A_934, %min3A_957 : vector<16xi32>
        %add3A_960 = arith.constant 1 : i32
        %add3A_961 = vector.broadcast %add3A_960 : i32 to vector<16xi32>
        %add3A_962 = arith.addi %max3A_951, %add3A_961 : vector<16xi32>
        %mul3A_963 = arith.muli %max3A_951, %add3A_962 : vector<16xi32>
        %shift_right_arithmetic3A_964 = arith.constant 1 : i32
        %shift_right_arithmetic3A_965 = vector.broadcast %shift_right_arithmetic3A_964 : i32 to vector<16xi32>
        %shift_right_arithmetic3A_966 = arith.shrsi %mul3A_963, %shift_right_arithmetic3A_965 : vector<16xi32>
        %add3A_967 = arith.constant 2 : i32
        %add3A_968 = vector.broadcast %add3A_967 : i32 to vector<16xi32>
        %add3A_969 = arith.addi %max3A_951, %add3A_968 : vector<16xi32>
        %mul3A_970 = arith.muli %shift_right_arithmetic3A_966, %add3A_969 : vector<16xi32>
        %mul3A_971 = arith.constant -1431655765 : i32
        %mul3A_972 = vector.broadcast %mul3A_971 : i32 to vector<16xi32>
        %mul3A_973 = arith.muli %mul3A_970, %mul3A_972 : vector<16xi32>
        %add3A_974 = arith.constant 1 : i32
        %add3A_975 = vector.broadcast %add3A_974 : i32 to vector<16xi32>
        %add3A_976 = arith.addi %max3A_958, %add3A_975 : vector<16xi32>
        %mul3A_977 = arith.muli %max3A_958, %add3A_976 : vector<16xi32>
        %shift_right_arithmetic3A_978 = arith.constant 1 : i32
        %shift_right_arithmetic3A_979 = vector.broadcast %shift_right_arithmetic3A_978 : i32 to vector<16xi32>
        %shift_right_arithmetic3A_980 = arith.shrsi %mul3A_977, %shift_right_arithmetic3A_979 : vector<16xi32>
        %add3A_981 = arith.addi %mul3A_973, %shift_right_arithmetic3A_980 : vector<16xi32>
        %add3A_982 = arith.addi %add3A_981, %min3A_959 : vector<16xi32>
        %swap3A_983 = arith.constant 1 : i32
        %swap3A_984 = arith.constant 1 : i32
        %swap3A_985 = arith.index_cast %swap3A_983 : i32 to index
        %swap3A_986 = arith.index_cast %swap3A_984 : i32 to index
        %swap3A_987 = arith.constant 64 : index
        %swap3A_988 = tpu.vector_load %arg11[%swap3A_985, %swap3A_986, %swap3A_987] {strides = array<i32>} : memref<2x2x128xi32, #tpu.memory_space<vmem>>, vector<1x1x16xi32>,
        %swap3A_989 = vector.shape_cast %swap3A_988 : vector<1x1x16xi32> to vector<16xi32>
        %swap3A_990 = vector.shape_cast %add3A_982 : vector<16xi32> to vector<1x1x16xi32>
        tpu.vector_store %arg11[%swap3A_985, %swap3A_986, %swap3A_987], %swap3A_990 {strides = array<i32>} : memref<2x2x128xi32, #tpu.memory_space<vmem>>, vector<1x1x16xi32>,
        %get3A_991 = arith.constant 1 : i32
        %get3A_992 = arith.index_cast %get3A_991 : i32 to index
        %get3A_993 = arith.constant 208 : index
        %get3A_994 = tpu.vector_load %arg8[%get3A_992, %get3A_993] {strides = array<i32>} : memref<2x256xi32, #tpu.memory_space<vmem>>, vector<1x16xi32>,
        %get3A_995 = vector.shape_cast %get3A_994 : vector<1x16xi32> to vector<16xi32>
        %get3A_996 = arith.constant 1 : i32
        %get3A_997 = arith.index_cast %get3A_996 : i32 to index
        %get3A_998 = arith.constant 208 : index
        %get3A_999 = tpu.vector_load %arg9[%get3A_997, %get3A_998] {strides = array<i32>} : memref<2x256xi32, #tpu.memory_space<vmem>>, vector<1x16xi32>,
        %get3A_1000 = vector.shape_cast %get3A_999 : vector<1x16xi32> to vector<16xi32>
        %min3A_1001 = arith.minsi %get3A_995, %get3A_1000 : vector<16xi32>
        %get3A_1002 = arith.constant 1 : i32
        %get3A_1003 = arith.index_cast %get3A_1002 : i32 to index
        %get3A_1004 = arith.constant 208 : index
        %get3A_1005 = tpu.vector_load %arg8[%get3A_1003, %get3A_1004] {strides = array<i32>} : memref<2x256xi32, #tpu.memory_space<vmem>>, vector<1x16xi32>,
        %get3A_1006 = vector.shape_cast %get3A_1005 : vector<1x16xi32> to vector<16xi32>
        %get3A_1007 = arith.constant 1 : i32
        %get3A_1008 = arith.index_cast %get3A_1007 : i32 to index
        %get3A_1009 = arith.constant 208 : index
        %get3A_1010 = tpu.vector_load %arg9[%get3A_1008, %get3A_1009] {strides = array<i32>} : memref<2x256xi32, #tpu.memory_space<vmem>>, vector<1x16xi32>,
        %get3A_1011 = vector.shape_cast %get3A_1010 : vector<1x16xi32> to vector<16xi32>
        %max3A_1012 = arith.maxsi %get3A_1006, %get3A_1011 : vector<16xi32>
        %get3A_1013 = arith.constant 1 : i32
        %get3A_1014 = arith.index_cast %get3A_1013 : i32 to index
        %get3A_1015 = arith.constant 208 : index
        %get3A_1016 = tpu.vector_load %arg10[%get3A_1014, %get3A_1015] {strides = array<i32>} : memref<2x256xi32, #tpu.memory_space<vmem>>, vector<1x16xi32>,
        %get3A_1017 = vector.shape_cast %get3A_1016 : vector<1x16xi32> to vector<16xi32>
        %max3A_1018 = arith.maxsi %max3A_1012, %get3A_1017 : vector<16xi32>
        %get3A_1019 = arith.constant 1 : i32
        %get3A_1020 = arith.index_cast %get3A_1019 : i32 to index
        %get3A_1021 = arith.constant 208 : index
        %get3A_1022 = tpu.vector_load %arg10[%get3A_1020, %get3A_1021] {strides = array<i32>} : memref<2x256xi32, #tpu.memory_space<vmem>>, vector<1x16xi32>,
        %get3A_1023 = vector.shape_cast %get3A_1022 : vector<1x16xi32> to vector<16xi32>
        %min3A_1024 = arith.minsi %max3A_1012, %get3A_1023 : vector<16xi32>
        %max3A_1025 = arith.maxsi %min3A_1001, %min3A_1024 : vector<16xi32>
        %min3A_1026 = arith.minsi %min3A_1001, %min3A_1024 : vector<16xi32>
        %add3A_1027 = arith.constant 1 : i32
        %add3A_1028 = vector.broadcast %add3A_1027 : i32 to vector<16xi32>
        %add3A_1029 = arith.addi %max3A_1018, %add3A_1028 : vector<16xi32>
        %mul3A_1030 = arith.muli %max3A_1018, %add3A_1029 : vector<16xi32>
        %shift_right_arithmetic3A_1031 = arith.constant 1 : i32
        %shift_right_arithmetic3A_1032 = vector.broadcast %shift_right_arithmetic3A_1031 : i32 to vector<16xi32>
        %shift_right_arithmetic3A_1033 = arith.shrsi %mul3A_1030, %shift_right_arithmetic3A_1032 : vector<16xi32>
        %add3A_1034 = arith.constant 2 : i32
        %add3A_1035 = vector.broadcast %add3A_1034 : i32 to vector<16xi32>
        %add3A_1036 = arith.addi %max3A_1018, %add3A_1035 : vector<16xi32>
        %mul3A_1037 = arith.muli %shift_right_arithmetic3A_1033, %add3A_1036 : vector<16xi32>
        %mul3A_1038 = arith.constant -1431655765 : i32
        %mul3A_1039 = vector.broadcast %mul3A_1038 : i32 to vector<16xi32>
        %mul3A_1040 = arith.muli %mul3A_1037, %mul3A_1039 : vector<16xi32>
        %add3A_1041 = arith.constant 1 : i32
        %add3A_1042 = vector.broadcast %add3A_1041 : i32 to vector<16xi32>
        %add3A_1043 = arith.addi %max3A_1025, %add3A_1042 : vector<16xi32>
        %mul3A_1044 = arith.muli %max3A_1025, %add3A_1043 : vector<16xi32>
        %shift_right_arithmetic3A_1045 = arith.constant 1 : i32
        %shift_right_arithmetic3A_1046 = vector.broadcast %shift_right_arithmetic3A_1045 : i32 to vector<16xi32>
        %shift_right_arithmetic3A_1047 = arith.shrsi %mul3A_1044, %shift_right_arithmetic3A_1046 : vector<16xi32>
        %add3A_1048 = arith.addi %mul3A_1040, %shift_right_arithmetic3A_1047 : vector<16xi32>
        %add3A_1049 = arith.addi %add3A_1048, %min3A_1026 : vector<16xi32>
        %swap3A_1050 = arith.constant 1 : i32
        %swap3A_1051 = arith.constant 1 : i32
        %swap3A_1052 = arith.index_cast %swap3A_1050 : i32 to index
        %swap3A_1053 = arith.index_cast %swap3A_1051 : i32 to index
        %swap3A_1054 = arith.constant 80 : index
        %swap3A_1055 = tpu.vector_load %arg11[%swap3A_1052, %swap3A_1053, %swap3A_1054] {strides = array<i32>} : memref<2x2x128xi32, #tpu.memory_space<vmem>>, vector<1x1x16xi32>,
        %swap3A_1056 = vector.shape_cast %swap3A_1055 : vector<1x1x16xi32> to vector<16xi32>
        %swap3A_1057 = vector.shape_cast %add3A_1049 : vector<16xi32> to vector<1x1x16xi32>
        tpu.vector_store %arg11[%swap3A_1052, %swap3A_1053, %swap3A_1054], %swap3A_1057 {strides = array<i32>} : memref<2x2x128xi32, #tpu.memory_space<vmem>>, vector<1x1x16xi32>,
        %get3A_1058 = arith.constant 1 : i32
        %get3A_1059 = arith.index_cast %get3A_1058 : i32 to index
        %get3A_1060 = arith.constant 224 : index
        %get3A_1061 = tpu.vector_load %arg8[%get3A_1059, %get3A_1060] {strides = array<i32>} : memref<2x256xi32, #tpu.memory_space<vmem>>, vector<1x16xi32>,
        %get3A_1062 = vector.shape_cast %get3A_1061 : vector<1x16xi32> to vector<16xi32>
        %get3A_1063 = arith.constant 1 : i32
        %get3A_1064 = arith.index_cast %get3A_1063 : i32 to index
        %get3A_1065 = arith.constant 224 : index
        %get3A_1066 = tpu.vector_load %arg9[%get3A_1064, %get3A_1065] {strides = array<i32>} : memref<2x256xi32, #tpu.memory_space<vmem>>, vector<1x16xi32>,
        %get3A_1067 = vector.shape_cast %get3A_1066 : vector<1x16xi32> to vector<16xi32>
        %min3A_1068 = arith.minsi %get3A_1062, %get3A_1067 : vector<16xi32>
        %get3A_1069 = arith.constant 1 : i32
        %get3A_1070 = arith.index_cast %get3A_1069 : i32 to index
        %get3A_1071 = arith.constant 224 : index
        %get3A_1072 = tpu.vector_load %arg8[%get3A_1070, %get3A_1071] {strides = array<i32>} : memref<2x256xi32, #tpu.memory_space<vmem>>, vector<1x16xi32>,
        %get3A_1073 = vector.shape_cast %get3A_1072 : vector<1x16xi32> to vector<16xi32>
        %get3A_1074 = arith.constant 1 : i32
        %get3A_1075 = arith.index_cast %get3A_1074 : i32 to index
        %get3A_1076 = arith.constant 224 : index
        %get3A_1077 = tpu.vector_load %arg9[%get3A_1075, %get3A_1076] {strides = array<i32>} : memref<2x256xi32, #tpu.memory_space<vmem>>, vector<1x16xi32>,
        %get3A_1078 = vector.shape_cast %get3A_1077 : vector<1x16xi32> to vector<16xi32>
        %max3A_1079 = arith.maxsi %get3A_1073, %get3A_1078 : vector<16xi32>
        %get3A_1080 = arith.constant 1 : i32
        %get3A_1081 = arith.index_cast %get3A_1080 : i32 to index
        %get3A_1082 = arith.constant 224 : index
        %get3A_1083 = tpu.vector_load %arg10[%get3A_1081, %get3A_1082] {strides = array<i32>} : memref<2x256xi32, #tpu.memory_space<vmem>>, vector<1x16xi32>,
        %get3A_1084 = vector.shape_cast %get3A_1083 : vector<1x16xi32> to vector<16xi32>
        %max3A_1085 = arith.maxsi %max3A_1079, %get3A_1084 : vector<16xi32>
        %get3A_1086 = arith.constant 1 : i32
        %get3A_1087 = arith.index_cast %get3A_1086 : i32 to index
        %get3A_1088 = arith.constant 224 : index
        %get3A_1089 = tpu.vector_load %arg10[%get3A_1087, %get3A_1088] {strides = array<i32>} : memref<2x256xi32, #tpu.memory_space<vmem>>, vector<1x16xi32>,
        %get3A_1090 = vector.shape_cast %get3A_1089 : vector<1x16xi32> to vector<16xi32>
        %min3A_1091 = arith.minsi %max3A_1079, %get3A_1090 : vector<16xi32>
        %max3A_1092 = arith.maxsi %min3A_1068, %min3A_1091 : vector<16xi32>
        %min3A_1093 = arith.minsi %min3A_1068, %min3A_1091 : vector<16xi32>
        %add3A_1094 = arith.constant 1 : i32
        %add3A_1095 = vector.broadcast %add3A_1094 : i32 to vector<16xi32>
        %add3A_1096 = arith.addi %max3A_1085, %add3A_1095 : vector<16xi32>
        %mul3A_1097 = arith.muli %max3A_1085, %add3A_1096 : vector<16xi32>
        %shift_right_arithmetic3A_1098 = arith.constant 1 : i32
        %shift_right_arithmetic3A_1099 = vector.broadcast %shift_right_arithmetic3A_1098 : i32 to vector<16xi32>
        %shift_right_arithmetic3A_1100 = arith.shrsi %mul3A_1097, %shift_right_arithmetic3A_1099 : vector<16xi32>
        %add3A_1101 = arith.constant 2 : i32
        %add3A_1102 = vector.broadcast %add3A_1101 : i32 to vector<16xi32>
        %add3A_1103 = arith.addi %max3A_1085, %add3A_1102 : vector<16xi32>
        %mul3A_1104 = arith.muli %shift_right_arithmetic3A_1100, %add3A_1103 : vector<16xi32>
        %mul3A_1105 = arith.constant -1431655765 : i32
        %mul3A_1106 = vector.broadcast %mul3A_1105 : i32 to vector<16xi32>
        %mul3A_1107 = arith.muli %mul3A_1104, %mul3A_1106 : vector<16xi32>
        %add3A_1108 = arith.constant 1 : i32
        %add3A_1109 = vector.broadcast %add3A_1108 : i32 to vector<16xi32>
        %add3A_1110 = arith.addi %max3A_1092, %add3A_1109 : vector<16xi32>
        %mul3A_1111 = arith.muli %max3A_1092, %add3A_1110 : vector<16xi32>
        %shift_right_arithmetic3A_1112 = arith.constant 1 : i32
        %shift_right_arithmetic3A_1113 = vector.broadcast %shift_right_arithmetic3A_1112 : i32 to vector<16xi32>
        %shift_right_arithmetic3A_1114 = arith.shrsi %mul3A_1111, %shift_right_arithmetic3A_1113 : vector<16xi32>
        %add3A_1115 = arith.addi %mul3A_1107, %shift_right_arithmetic3A_1114 : vector<16xi32>
        %add3A_1116 = arith.addi %add3A_1115, %min3A_1093 : vector<16xi32>
        %swap3A_1117 = arith.constant 1 : i32
        %swap3A_1118 = arith.constant 1 : i32
        %swap3A_1119 = arith.index_cast %swap3A_1117 : i32 to index
        %swap3A_1120 = arith.index_cast %swap3A_1118 : i32 to index
        %swap3A_1121 = arith.constant 96 : index
        %swap3A_1122 = tpu.vector_load %arg11[%swap3A_1119, %swap3A_1120, %swap3A_1121] {strides = array<i32>} : memref<2x2x128xi32, #tpu.memory_space<vmem>>, vector<1x1x16xi32>,
        %swap3A_1123 = vector.shape_cast %swap3A_1122 : vector<1x1x16xi32> to vector<16xi32>
        %swap3A_1124 = vector.shape_cast %add3A_1116 : vector<16xi32> to vector<1x1x16xi32>
        tpu.vector_store %arg11[%swap3A_1119, %swap3A_1120, %swap3A_1121], %swap3A_1124 {strides = array<i32>} : memref<2x2x128xi32, #tpu.memory_space<vmem>>, vector<1x1x16xi32>,
        %get3A_1125 = arith.constant 1 : i32
        %get3A_1126 = arith.index_cast %get3A_1125 : i32 to index
        %get3A_1127 = arith.constant 240 : index
        %get3A_1128 = tpu.vector_load %arg8[%get3A_1126, %get3A_1127] {strides = array<i32>} : memref<2x256xi32, #tpu.memory_space<vmem>>, vector<1x16xi32>,
        %get3A_1129 = vector.shape_cast %get3A_1128 : vector<1x16xi32> to vector<16xi32>
        %get3A_1130 = arith.constant 1 : i32
        %get3A_1131 = arith.index_cast %get3A_1130 : i32 to index
        %get3A_1132 = arith.constant 240 : index
        %get3A_1133 = tpu.vector_load %arg9[%get3A_1131, %get3A_1132] {strides = array<i32>} : memref<2x256xi32, #tpu.memory_space<vmem>>, vector<1x16xi32>,
        %get3A_1134 = vector.shape_cast %get3A_1133 : vector<1x16xi32> to vector<16xi32>
        %min3A_1135 = arith.minsi %get3A_1129, %get3A_1134 : vector<16xi32>
        %get3A_1136 = arith.constant 1 : i32
        %get3A_1137 = arith.index_cast %get3A_1136 : i32 to index
        %get3A_1138 = arith.constant 240 : index
        %get3A_1139 = tpu.vector_load %arg8[%get3A_1137, %get3A_1138] {strides = array<i32>} : memref<2x256xi32, #tpu.memory_space<vmem>>, vector<1x16xi32>,
        %get3A_1140 = vector.shape_cast %get3A_1139 : vector<1x16xi32> to vector<16xi32>
        %get3A_1141 = arith.constant 1 : i32
        %get3A_1142 = arith.index_cast %get3A_1141 : i32 to index
        %get3A_1143 = arith.constant 240 : index
        %get3A_1144 = tpu.vector_load %arg9[%get3A_1142, %get3A_1143] {strides = array<i32>} : memref<2x256xi32, #tpu.memory_space<vmem>>, vector<1x16xi32>,
        %get3A_1145 = vector.shape_cast %get3A_1144 : vector<1x16xi32> to vector<16xi32>
        %max3A_1146 = arith.maxsi %get3A_1140, %get3A_1145 : vector<16xi32>
        %get3A_1147 = arith.constant 1 : i32
        %get3A_1148 = arith.index_cast %get3A_1147 : i32 to index
        %get3A_1149 = arith.constant 240 : index
        %get3A_1150 = tpu.vector_load %arg10[%get3A_1148, %get3A_1149] {strides = array<i32>} : memref<2x256xi32, #tpu.memory_space<vmem>>, vector<1x16xi32>,
        %get3A_1151 = vector.shape_cast %get3A_1150 : vector<1x16xi32> to vector<16xi32>
        %max3A_1152 = arith.maxsi %max3A_1146, %get3A_1151 : vector<16xi32>
        %get3A_1153 = arith.constant 1 : i32
        %get3A_1154 = arith.index_cast %get3A_1153 : i32 to index
        %get3A_1155 = arith.constant 240 : index
        %get3A_1156 = tpu.vector_load %arg10[%get3A_1154, %get3A_1155] {strides = array<i32>} : memref<2x256xi32, #tpu.memory_space<vmem>>, vector<1x16xi32>,
        %get3A_1157 = vector.shape_cast %get3A_1156 : vector<1x16xi32> to vector<16xi32>
        %min3A_1158 = arith.minsi %max3A_1146, %get3A_1157 : vector<16xi32>
        %max3A_1159 = arith.maxsi %min3A_1135, %min3A_1158 : vector<16xi32>
        %min3A_1160 = arith.minsi %min3A_1135, %min3A_1158 : vector<16xi32>
        %add3A_1161 = arith.constant 1 : i32
        %add3A_1162 = vector.broadcast %add3A_1161 : i32 to vector<16xi32>
        %add3A_1163 = arith.addi %max3A_1152, %add3A_1162 : vector<16xi32>
        %mul3A_1164 = arith.muli %max3A_1152, %add3A_1163 : vector<16xi32>
        %shift_right_arithmetic3A_1165 = arith.constant 1 : i32
        %shift_right_arithmetic3A_1166 = vector.broadcast %shift_right_arithmetic3A_1165 : i32 to vector<16xi32>
        %shift_right_arithmetic3A_1167 = arith.shrsi %mul3A_1164, %shift_right_arithmetic3A_1166 : vector<16xi32>
        %add3A_1168 = arith.constant 2 : i32
        %add3A_1169 = vector.broadcast %add3A_1168 : i32 to vector<16xi32>
        %add3A_1170 = arith.addi %max3A_1152, %add3A_1169 : vector<16xi32>
        %mul3A_1171 = arith.muli %shift_right_arithmetic3A_1167, %add3A_1170 : vector<16xi32>
        %mul3A_1172 = arith.constant -1431655765 : i32
        %mul3A_1173 = vector.broadcast %mul3A_1172 : i32 to vector<16xi32>
        %mul3A_1174 = arith.muli %mul3A_1171, %mul3A_1173 : vector<16xi32>
        %add3A_1175 = arith.constant 1 : i32
        %add3A_1176 = vector.broadcast %add3A_1175 : i32 to vector<16xi32>
        %add3A_1177 = arith.addi %max3A_1159, %add3A_1176 : vector<16xi32>
        %mul3A_1178 = arith.muli %max3A_1159, %add3A_1177 : vector<16xi32>
        %shift_right_arithmetic3A_1179 = arith.constant 1 : i32
        %shift_right_arithmetic3A_1180 = vector.broadcast %shift_right_arithmetic3A_1179 : i32 to vector<16xi32>
        %shift_right_arithmetic3A_1181 = arith.shrsi %mul3A_1178, %shift_right_arithmetic3A_1180 : vector<16xi32>
        %add3A_1182 = arith.addi %mul3A_1174, %shift_right_arithmetic3A_1181 : vector<16xi32>
        %add3A_1183 = arith.addi %add3A_1182, %min3A_1160 : vector<16xi32>
        %swap3A_1184 = arith.constant 1 : i32
        %swap3A_1185 = arith.constant 1 : i32
        %swap3A_1186 = arith.index_cast %swap3A_1184 : i32 to index
        %swap3A_1187 = arith.index_cast %swap3A_1185 : i32 to index
        %swap3A_1188 = arith.constant 112 : index
        %swap3A_1189 = tpu.vector_load %arg11[%swap3A_1186, %swap3A_1187, %swap3A_1188] {strides = array<i32>} : memref<2x2x128xi32, #tpu.memory_space<vmem>>, vector<1x1x16xi32>,
        %swap3A_1190 = vector.shape_cast %swap3A_1189 : vector<1x1x16xi32> to vector<16xi32>
        %swap3A_1191 = vector.shape_cast %add3A_1183 : vector<16xi32> to vector<1x1x16xi32>
        tpu.vector_store %arg11[%swap3A_1186, %swap3A_1187, %swap3A_1188], %swap3A_1191 {strides = array<i32>} : memref<2x2x128xi32, #tpu.memory_space<vmem>>, vector<1x1x16xi32>,
        %dma_start3A = arith.constant 1 : i32
        %dma_start3A_1192 = arith.constant 0 : i32
        %dma_start3A_1193 = arith.constant 1 : i32
        %dma_start3A_1194 = arith.constant 0 : i32
        %dma_start3A_1195 = arith.constant 0 : i32
        %dma_start3A_1196 = tpu.memref_slice %arg12[%dma_start3A_1193, %dma_start3A_1194, %dma_start3A_1195] : memref<2x256x128xf32, #tpu.memory_space<vmem>> -> memref<1x128x128xf32, #tpu.memory_space<vmem>>
        %dma_start3A_1197 = tpu.memref_squeeze %dma_start3A_1196 : memref<1x128x128xf32, #tpu.memory_space<vmem>> -> memref<128x128xf32, #tpu.memory_space<vmem>>
        %dma_start3A_1198 = arith.constant 0 : i32
        %dma_start3A_1199 = tpu.memref_slice %arg11[%dma_start3A, %dma_start3A_1192, %dma_start3A_1198] : memref<2x2x128xi32, #tpu.memory_space<vmem>> -> memref<1x1x128xi32, #tpu.memory_space<vmem>>
        %dma_start3A_1200 = tpu.memref_squeeze %dma_start3A_1199 : memref<1x1x128xi32, #tpu.memory_space<vmem>> -> memref<128xi32, #tpu.memory_space<vmem>>
        %dma_start3A_1201 = arith.constant 0 : i32
        %dma_start3A_1202 = arith.constant 0 : i32
        %dma_start3A_1203 = tpu.memref_slice %arg7[%dma_start3A_1201, %dma_start3A_1202] : memref<5632x128xf32, #tpu.memory_space<vmem_shared>> -> memref<5632x128xf32, #tpu.memory_space<vmem_shared>>
        tpu.enqueue_indirect_dma source(%dma_start3A_1203 : memref<5632x128xf32, #tpu.memory_space<vmem_shared>>) target(%dma_start3A_1197 : memref<128x128xf32, #tpu.memory_space<vmem>>) offsets(%dma_start3A_1200 : memref<128xi32, #tpu.memory_space<vmem>>) semaphore(%arg16 : memref<!tpu.dma_semaphore, #tpu.memory_space<semaphore_mem>>)
        %dma_start3A_1204 = arith.constant 1 : i32
        %dma_start3A_1205 = arith.constant 1 : i32
        %dma_start3A_1206 = arith.constant 1 : i32
        %dma_start3A_1207 = arith.constant 128 : i32
        %dma_start3A_1208 = arith.constant 0 : i32
        %dma_start3A_1209 = tpu.memref_slice %arg12[%dma_start3A_1206, %dma_start3A_1207, %dma_start3A_1208] : memref<2x256x128xf32, #tpu.memory_space<vmem>> -> memref<1x128x128xf32, #tpu.memory_space<vmem>>
        %dma_start3A_1210 = tpu.memref_squeeze %dma_start3A_1209 : memref<1x128x128xf32, #tpu.memory_space<vmem>> -> memref<128x128xf32, #tpu.memory_space<vmem>>
        %dma_start3A_1211 = arith.constant 0 : i32
        %dma_start3A_1212 = tpu.memref_slice %arg11[%dma_start3A_1204, %dma_start3A_1205, %dma_start3A_1211] : memref<2x2x128xi32, #tpu.memory_space<vmem>> -> memref<1x1x128xi32, #tpu.memory_space<vmem>>
        %dma_start3A_1213 = tpu.memref_squeeze %dma_start3A_1212 : memref<1x1x128xi32, #tpu.memory_space<vmem>> -> memref<128xi32, #tpu.memory_space<vmem>>
        %dma_start3A_1214 = arith.constant 0 : i32
        %dma_start3A_1215 = arith.constant 0 : i32
        %dma_start3A_1216 = tpu.memref_slice %arg7[%dma_start3A_1214, %dma_start3A_1215] : memref<5632x128xf32, #tpu.memory_space<vmem_shared>> -> memref<5632x128xf32, #tpu.memory_space<vmem_shared>>
        tpu.enqueue_indirect_dma source(%dma_start3A_1216 : memref<5632x128xf32, #tpu.memory_space<vmem_shared>>) target(%dma_start3A_1210 : memref<128x128xf32, #tpu.memory_space<vmem>>) offsets(%dma_start3A_1213 : memref<128xi32, #tpu.memory_space<vmem>>) semaphore(%arg16 : memref<!tpu.dma_semaphore, #tpu.memory_space<semaphore_mem>>)
      } else {
      }
      %mul3A_69 = arith.constant 2 : i32
      %mul3A_70 = arith.muli %scan3A_20, %mul3A_69 : i32
      %add3A_71 = arith.constant 0 : i32
      %add3A_72 = arith.addi %mul3A_70, %add3A_71 : i32
      %mul3A_73 = arith.constant 32 : i32
      %mul3A_74 = arith.muli %add3A_72, %mul3A_73 : i32
      %add3A_75 = arith.addi %mul3A_74, %add3A : i32
      %lt3A_76 = arith.constant 1250 : i32
      %lt3A_77 = arith.cmpi slt, %add3A_75, %lt3A_76 : i32
      %convert_element_type3A_78 = arith.extui %lt3A_77 : i1 to i32
      %cond3A_79 = arith.constant 0 : i32
      %cond3A_80 = arith.cmpi ne, %convert_element_type3A_78, %cond3A_79 : i32
      scf.if %cond3A_80 {
        %dma_wait3A = arith.constant 0 : i32
        %dma_wait3A_93 = arith.constant 0 : i32
        %dma_wait3A_94 = arith.constant 0 : i32
        %dma_wait3A_95 = arith.constant 0 : i32
        %dma_wait3A_96 = arith.constant 0 : i32
        %dma_wait3A_97 = tpu.memref_slice %arg12[%dma_wait3A_94, %dma_wait3A_95, %dma_wait3A_96] : memref<2x256x128xf32, #tpu.memory_space<vmem>> -> memref<1x128x128xf32, #tpu.memory_space<vmem>>
        %dma_wait3A_98 = tpu.memref_squeeze %dma_wait3A_97 : memref<1x128x128xf32, #tpu.memory_space<vmem>> -> memref<128x128xf32, #tpu.memory_space<vmem>>
        %dma_wait3A_99 = arith.constant 0 : i32
        %dma_wait3A_100 = tpu.memref_slice %arg11[%dma_wait3A, %dma_wait3A_93, %dma_wait3A_99] : memref<2x2x128xi32, #tpu.memory_space<vmem>> -> memref<1x1x128xi32, #tpu.memory_space<vmem>>
        %dma_wait3A_101 = tpu.memref_squeeze %dma_wait3A_100 : memref<1x1x128xi32, #tpu.memory_space<vmem>> -> memref<128xi32, #tpu.memory_space<vmem>>
        %dma_wait3A_102 = arith.constant 0 : i32
        %dma_wait3A_103 = arith.constant 0 : i32
        %dma_wait3A_104 = tpu.memref_slice %arg7[%dma_wait3A_102, %dma_wait3A_103] : memref<5632x128xf32, #tpu.memory_space<vmem_shared>> -> memref<5632x128xf32, #tpu.memory_space<vmem_shared>>
        tpu.wait_indirect_dma semaphore(%arg15 : memref<!tpu.dma_semaphore, #tpu.memory_space<semaphore_mem>>) src(%dma_wait3A_104 : memref<5632x128xf32, #tpu.memory_space<vmem_shared>>) dst(%dma_wait3A_98 : memref<128x128xf32, #tpu.memory_space<vmem>>)
        %dma_wait3A_105 = arith.constant 0 : i32
        %dma_wait3A_106 = arith.constant 1 : i32
        %dma_wait3A_107 = arith.constant 0 : i32
        %dma_wait3A_108 = arith.constant 128 : i32
        %dma_wait3A_109 = arith.constant 0 : i32
        %dma_wait3A_110 = tpu.memref_slice %arg12[%dma_wait3A_107, %dma_wait3A_108, %dma_wait3A_109] : memref<2x256x128xf32, #tpu.memory_space<vmem>> -> memref<1x128x128xf32, #tpu.memory_space<vmem>>
        %dma_wait3A_111 = tpu.memref_squeeze %dma_wait3A_110 : memref<1x128x128xf32, #tpu.memory_space<vmem>> -> memref<128x128xf32, #tpu.memory_space<vmem>>
        %dma_wait3A_112 = arith.constant 0 : i32
        %dma_wait3A_113 = tpu.memref_slice %arg11[%dma_wait3A_105, %dma_wait3A_106, %dma_wait3A_112] : memref<2x2x128xi32, #tpu.memory_space<vmem>> -> memref<1x1x128xi32, #tpu.memory_space<vmem>>
        %dma_wait3A_114 = tpu.memref_squeeze %dma_wait3A_113 : memref<1x1x128xi32, #tpu.memory_space<vmem>> -> memref<128xi32, #tpu.memory_space<vmem>>
        %dma_wait3A_115 = arith.constant 0 : i32
        %dma_wait3A_116 = arith.constant 0 : i32
        %dma_wait3A_117 = tpu.memref_slice %arg7[%dma_wait3A_115, %dma_wait3A_116] : memref<5632x128xf32, #tpu.memory_space<vmem_shared>> -> memref<5632x128xf32, #tpu.memory_space<vmem_shared>>
        tpu.wait_indirect_dma semaphore(%arg15 : memref<!tpu.dma_semaphore, #tpu.memory_space<semaphore_mem>>) src(%dma_wait3A_117 : memref<5632x128xf32, #tpu.memory_space<vmem_shared>>) dst(%dma_wait3A_111 : memref<128x128xf32, #tpu.memory_space<vmem>>)
        %mul3A_118 = arith.constant 256 : i32
        %mul3A_119 = arith.muli %add3A_75, %mul3A_118 : i32
        %dma_start3A = arith.constant 0 : i32
        %dma_start3A_120 = arith.constant 0 : i32
        %dma_start3A_121 = arith.constant 0 : i32
        %dma_start3A_122 = tpu.memref_slice %arg12[%dma_start3A, %dma_start3A_120, %dma_start3A_121] : memref<2x256x128xf32, #tpu.memory_space<vmem>> -> memref<1x256x128xf32, #tpu.memory_space<vmem>>
        %dma_start3A_123 = tpu.memref_squeeze %dma_start3A_122 : memref<1x256x128xf32, #tpu.memory_space<vmem>> -> memref<256x128xf32, #tpu.memory_space<vmem>>
        %dma_start3A_124 = arith.constant 0 : i32
        %dma_start3A_125 = tpu.memref_slice %arg6[%mul3A_119, %dma_start3A_124] : memref<320000x128xf32, #tpu.memory_space<hbm>> -> memref<256x128xf32, #tpu.memory_space<hbm>>
        %dma_start3A_126 = arith.constant 0 : i32
        %dma_start3A_127 = tpu.memref_slice %arg6[%mul3A_119, %dma_start3A_126] : memref<320000x128xf32, #tpu.memory_space<hbm>> -> memref<256x128xf32, #tpu.memory_space<hbm>>
        %dma_start3A_128 = arith.constant 0 : i32
        %dma_start3A_129 = arith.constant 0 : i32
        %dma_start3A_130 = tpu.memref_slice %arg12[%dma_start3A, %dma_start3A_128, %dma_start3A_129] : memref<2x256x128xf32, #tpu.memory_space<vmem>> -> memref<1x256x128xf32, #tpu.memory_space<vmem>>
        %dma_start3A_131 = tpu.memref_squeeze %dma_start3A_130 : memref<1x256x128xf32, #tpu.memory_space<vmem>> -> memref<256x128xf32, #tpu.memory_space<vmem>>
        tpu.enqueue_dma source(%dma_start3A_131 : memref<256x128xf32, #tpu.memory_space<vmem>>) target(%dma_start3A_127 : memref<256x128xf32, #tpu.memory_space<hbm>>) target_semaphore(%arg17 : memref<!tpu.dma_semaphore, #tpu.memory_space<semaphore_mem>>)
      } else {
      }
      %mul3A_81 = arith.constant 2 : i32
      %mul3A_82 = arith.muli %scan3A_20, %mul3A_81 : i32
      %add3A_83 = arith.constant 1 : i32
      %add3A_84 = arith.addi %mul3A_82, %add3A_83 : i32
      %mul3A_85 = arith.constant 32 : i32
      %mul3A_86 = arith.muli %add3A_84, %mul3A_85 : i32
      %add3A_87 = arith.addi %mul3A_86, %add3A : i32
      %lt3A_88 = arith.constant 1250 : i32
      %lt3A_89 = arith.cmpi slt, %add3A_87, %lt3A_88 : i32
      %convert_element_type3A_90 = arith.extui %lt3A_89 : i1 to i32
      %cond3A_91 = arith.constant 0 : i32
      %cond3A_92 = arith.cmpi ne, %convert_element_type3A_90, %cond3A_91 : i32
      scf.if %cond3A_92 {
        %dma_wait3A = arith.constant 1 : i32
        %dma_wait3A_93 = arith.constant 0 : i32
        %dma_wait3A_94 = arith.constant 1 : i32
        %dma_wait3A_95 = arith.constant 0 : i32
        %dma_wait3A_96 = arith.constant 0 : i32
        %dma_wait3A_97 = tpu.memref_slice %arg12[%dma_wait3A_94, %dma_wait3A_95, %dma_wait3A_96] : memref<2x256x128xf32, #tpu.memory_space<vmem>> -> memref<1x128x128xf32, #tpu.memory_space<vmem>>
        %dma_wait3A_98 = tpu.memref_squeeze %dma_wait3A_97 : memref<1x128x128xf32, #tpu.memory_space<vmem>> -> memref<128x128xf32, #tpu.memory_space<vmem>>
        %dma_wait3A_99 = arith.constant 0 : i32
        %dma_wait3A_100 = tpu.memref_slice %arg11[%dma_wait3A, %dma_wait3A_93, %dma_wait3A_99] : memref<2x2x128xi32, #tpu.memory_space<vmem>> -> memref<1x1x128xi32, #tpu.memory_space<vmem>>
        %dma_wait3A_101 = tpu.memref_squeeze %dma_wait3A_100 : memref<1x1x128xi32, #tpu.memory_space<vmem>> -> memref<128xi32, #tpu.memory_space<vmem>>
        %dma_wait3A_102 = arith.constant 0 : i32
        %dma_wait3A_103 = arith.constant 0 : i32
        %dma_wait3A_104 = tpu.memref_slice %arg7[%dma_wait3A_102, %dma_wait3A_103] : memref<5632x128xf32, #tpu.memory_space<vmem_shared>> -> memref<5632x128xf32, #tpu.memory_space<vmem_shared>>
        tpu.wait_indirect_dma semaphore(%arg16 : memref<!tpu.dma_semaphore, #tpu.memory_space<semaphore_mem>>) src(%dma_wait3A_104 : memref<5632x128xf32, #tpu.memory_space<vmem_shared>>) dst(%dma_wait3A_98 : memref<128x128xf32, #tpu.memory_space<vmem>>)
        %dma_wait3A_105 = arith.constant 1 : i32
        %dma_wait3A_106 = arith.constant 1 : i32
        %dma_wait3A_107 = arith.constant 1 : i32
        %dma_wait3A_108 = arith.constant 128 : i32
        %dma_wait3A_109 = arith.constant 0 : i32
        %dma_wait3A_110 = tpu.memref_slice %arg12[%dma_wait3A_107, %dma_wait3A_108, %dma_wait3A_109] : memref<2x256x128xf32, #tpu.memory_space<vmem>> -> memref<1x128x128xf32, #tpu.memory_space<vmem>>
        %dma_wait3A_111 = tpu.memref_squeeze %dma_wait3A_110 : memref<1x128x128xf32, #tpu.memory_space<vmem>> -> memref<128x128xf32, #tpu.memory_space<vmem>>
        %dma_wait3A_112 = arith.constant 0 : i32
        %dma_wait3A_113 = tpu.memref_slice %arg11[%dma_wait3A_105, %dma_wait3A_106, %dma_wait3A_112] : memref<2x2x128xi32, #tpu.memory_space<vmem>> -> memref<1x1x128xi32, #tpu.memory_space<vmem>>
        %dma_wait3A_114 = tpu.memref_squeeze %dma_wait3A_113 : memref<1x1x128xi32, #tpu.memory_space<vmem>> -> memref<128xi32, #tpu.memory_space<vmem>>
        %dma_wait3A_115 = arith.constant 0 : i32
        %dma_wait3A_116 = arith.constant 0 : i32
        %dma_wait3A_117 = tpu.memref_slice %arg7[%dma_wait3A_115, %dma_wait3A_116] : memref<5632x128xf32, #tpu.memory_space<vmem_shared>> -> memref<5632x128xf32, #tpu.memory_space<vmem_shared>>
        tpu.wait_indirect_dma semaphore(%arg16 : memref<!tpu.dma_semaphore, #tpu.memory_space<semaphore_mem>>) src(%dma_wait3A_117 : memref<5632x128xf32, #tpu.memory_space<vmem_shared>>) dst(%dma_wait3A_111 : memref<128x128xf32, #tpu.memory_space<vmem>>)
        %mul3A_118 = arith.constant 256 : i32
        %mul3A_119 = arith.muli %add3A_87, %mul3A_118 : i32
        %dma_start3A = arith.constant 1 : i32
        %dma_start3A_120 = arith.constant 0 : i32
        %dma_start3A_121 = arith.constant 0 : i32
        %dma_start3A_122 = tpu.memref_slice %arg12[%dma_start3A, %dma_start3A_120, %dma_start3A_121] : memref<2x256x128xf32, #tpu.memory_space<vmem>> -> memref<1x256x128xf32, #tpu.memory_space<vmem>>
        %dma_start3A_123 = tpu.memref_squeeze %dma_start3A_122 : memref<1x256x128xf32, #tpu.memory_space<vmem>> -> memref<256x128xf32, #tpu.memory_space<vmem>>
        %dma_start3A_124 = arith.constant 0 : i32
        %dma_start3A_125 = tpu.memref_slice %arg6[%mul3A_119, %dma_start3A_124] : memref<320000x128xf32, #tpu.memory_space<hbm>> -> memref<256x128xf32, #tpu.memory_space<hbm>>
        %dma_start3A_126 = arith.constant 0 : i32
        %dma_start3A_127 = tpu.memref_slice %arg6[%mul3A_119, %dma_start3A_126] : memref<320000x128xf32, #tpu.memory_space<hbm>> -> memref<256x128xf32, #tpu.memory_space<hbm>>
        %dma_start3A_128 = arith.constant 0 : i32
        %dma_start3A_129 = arith.constant 0 : i32
        %dma_start3A_130 = tpu.memref_slice %arg12[%dma_start3A, %dma_start3A_128, %dma_start3A_129] : memref<2x256x128xf32, #tpu.memory_space<vmem>> -> memref<1x256x128xf32, #tpu.memory_space<vmem>>
        %dma_start3A_131 = tpu.memref_squeeze %dma_start3A_130 : memref<1x256x128xf32, #tpu.memory_space<vmem>> -> memref<256x128xf32, #tpu.memory_space<vmem>>
        tpu.enqueue_dma source(%dma_start3A_131 : memref<256x128xf32, #tpu.memory_space<vmem>>) target(%dma_start3A_127 : memref<256x128xf32, #tpu.memory_space<hbm>>) target_semaphore(%arg18 : memref<!tpu.dma_semaphore, #tpu.memory_space<semaphore_mem>>)
      } else {
      }
    }
    %scan3A_6 = arith.constant 20 : i32
    %add3A_7 = arith.constant 0 : i32
    %add3A_8 = arith.addi %add3A_7, %add3A : i32
    %lt3A = arith.constant 1250 : i32
    %lt3A_9 = arith.cmpi slt, %add3A_8, %lt3A : i32
    %convert_element_type3A_10 = arith.extui %lt3A_9 : i1 to i32
    %cond3A_11 = arith.constant 0 : i32
    %cond3A_12 = arith.cmpi ne, %convert_element_type3A_10, %cond3A_11 : i32
    scf.if %cond3A_12 {
      %dma_wait3A = arith.constant 0 : i32
      %dma_wait3A_20 = arith.constant 0 : i32
      %dma_wait3A_21 = arith.constant 0 : i32
      %dma_wait3A_22 = tpu.memref_slice %arg12[%dma_wait3A, %dma_wait3A_20, %dma_wait3A_21] : memref<2x256x128xf32, #tpu.memory_space<vmem>> -> memref<1x256x128xf32, #tpu.memory_space<vmem>>
      %dma_wait3A_23 = tpu.memref_squeeze %dma_wait3A_22 : memref<1x256x128xf32, #tpu.memory_space<vmem>> -> memref<256x128xf32, #tpu.memory_space<vmem>>
      %dma_wait3A_24 = arith.constant 0 : i32
      %dma_wait3A_25 = arith.constant 0 : i32
      %dma_wait3A_26 = tpu.memref_slice %arg6[%dma_wait3A_24, %dma_wait3A_25] : memref<320000x128xf32, #tpu.memory_space<hbm>> -> memref<256x128xf32, #tpu.memory_space<hbm>>
      %dma_wait3A_27 = arith.constant 0 : i32
      %dma_wait3A_28 = arith.constant 0 : i32
      %dma_wait3A_29 = tpu.memref_slice %arg6[%dma_wait3A_27, %dma_wait3A_28] : memref<320000x128xf32, #tpu.memory_space<hbm>> -> memref<256x128xf32, #tpu.memory_space<hbm>>
      %dma_wait3A_30 = arith.constant 0 : i32
      %dma_wait3A_31 = arith.constant 0 : i32
      %dma_wait3A_32 = tpu.memref_slice %arg12[%dma_wait3A, %dma_wait3A_30, %dma_wait3A_31] : memref<2x256x128xf32, #tpu.memory_space<vmem>> -> memref<1x256x128xf32, #tpu.memory_space<vmem>>
      %dma_wait3A_33 = tpu.memref_squeeze %dma_wait3A_32 : memref<1x256x128xf32, #tpu.memory_space<vmem>> -> memref<256x128xf32, #tpu.memory_space<vmem>>
      tpu.wait_dma2 semaphore(%arg17 : memref<!tpu.dma_semaphore, #tpu.memory_space<semaphore_mem>>) src(%dma_wait3A_33 : memref<256x128xf32, #tpu.memory_space<vmem>>) dst(%dma_wait3A_29 : memref<256x128xf32, #tpu.memory_space<hbm>>)
    } else {
    }
    %add3A_13 = arith.constant 32 : i32
    %add3A_14 = arith.addi %add3A_13, %add3A : i32
    %lt3A_15 = arith.constant 1250 : i32
    %lt3A_16 = arith.cmpi slt, %add3A_14, %lt3A_15 : i32
    %convert_element_type3A_17 = arith.extui %lt3A_16 : i1 to i32
    %cond3A_18 = arith.constant 0 : i32
    %cond3A_19 = arith.cmpi ne, %convert_element_type3A_17, %cond3A_18 : i32
    scf.if %cond3A_19 {
      %dma_wait3A = arith.constant 1 : i32
      %dma_wait3A_20 = arith.constant 0 : i32
      %dma_wait3A_21 = arith.constant 0 : i32
      %dma_wait3A_22 = tpu.memref_slice %arg12[%dma_wait3A, %dma_wait3A_20, %dma_wait3A_21] : memref<2x256x128xf32, #tpu.memory_space<vmem>> -> memref<1x256x128xf32, #tpu.memory_space<vmem>>
      %dma_wait3A_23 = tpu.memref_squeeze %dma_wait3A_22 : memref<1x256x128xf32, #tpu.memory_space<vmem>> -> memref<256x128xf32, #tpu.memory_space<vmem>>
      %dma_wait3A_24 = arith.constant 0 : i32
      %dma_wait3A_25 = arith.constant 0 : i32
      %dma_wait3A_26 = tpu.memref_slice %arg6[%dma_wait3A_24, %dma_wait3A_25] : memref<320000x128xf32, #tpu.memory_space<hbm>> -> memref<256x128xf32, #tpu.memory_space<hbm>>
      %dma_wait3A_27 = arith.constant 0 : i32
      %dma_wait3A_28 = arith.constant 0 : i32
      %dma_wait3A_29 = tpu.memref_slice %arg6[%dma_wait3A_27, %dma_wait3A_28] : memref<320000x128xf32, #tpu.memory_space<hbm>> -> memref<256x128xf32, #tpu.memory_space<hbm>>
      %dma_wait3A_30 = arith.constant 0 : i32
      %dma_wait3A_31 = arith.constant 0 : i32
      %dma_wait3A_32 = tpu.memref_slice %arg12[%dma_wait3A, %dma_wait3A_30, %dma_wait3A_31] : memref<2x256x128xf32, #tpu.memory_space<vmem>> -> memref<1x256x128xf32, #tpu.memory_space<vmem>>
      %dma_wait3A_33 = tpu.memref_squeeze %dma_wait3A_32 : memref<1x256x128xf32, #tpu.memory_space<vmem>> -> memref<256x128xf32, #tpu.memory_space<vmem>>
      tpu.wait_dma2 semaphore(%arg18 : memref<!tpu.dma_semaphore, #tpu.memory_space<semaphore_mem>>) src(%dma_wait3A_33 : memref<256x128xf32, #tpu.memory_space<vmem>>) dst(%dma_wait3A_29 : memref<256x128xf32, #tpu.memory_space<hbm>>)
    } else {
    }
    return
  }
}

module attributes {stable_mosaic.version = 14 : i64} {
  func.func @_table_body(%arg0: i32, %arg1: memref<512x31xf32, #tpu.memory_space<vmem>>, %arg2: memref<31x128xf32, #tpu.memory_space<vmem>>, %arg3: memref<512x128xf32, #tpu.memory_space<vmem>>) attributes {dimension_semantics = [#tpu.dimension_semantics<arbitrary>], iteration_bounds = array<i64: 11>, scalar_prefetch = 0 : i64, scratch_operands = 0 : i64, tpu.core_type = #tpu.core_type<tc>, window_params = [{transform_indices = @transform_0, window_bounds = array<i64: 512, 31>}, {pipeline_mode = #tpu.pipeline_mode<synchronous>, transform_indices = @transform_1, window_bounds = array<i64: 31, 128>}, {transform_indices = @transform_2, window_bounds = array<i64: 512, 128>}]} {
    %get3A = arith.constant 0 : index
    %get3A_0 = arith.constant 0 : index
    %get3A_1 = vector.load %arg1[%get3A, %get3A_0] : memref<512x31xf32, #tpu.memory_space<vmem>>, vector<512x31xf32>
    %get3A_2 = arith.constant 0 : index
    %get3A_3 = arith.constant 0 : index
    %get3A_4 = vector.load %arg2[%get3A_2, %get3A_3] : memref<31x128xf32, #tpu.memory_space<vmem>>, vector<31x128xf32>
    %dot_general3A = arith.constant dense<0.000000e+00> : vector<512x128xf32>
    %dot_general3A_5 = tpu.matmul %get3A_1, %get3A_4, %dot_general3A {dimension_numbers = #tpu.dot_dimension_numbers<[1], [0], [0], [1], [0, 0, 1, 1], [], []>, transpose_lhs_hint = false} : vector<512x31xf32>, vector<31x128xf32>, vector<512x128xf32> -> vector<512x128xf32>
    %swap3A = arith.constant 0 : index
    %swap3A_6 = arith.constant 0 : index
    %swap3A_7 = vector.load %arg3[%swap3A, %swap3A_6] : memref<512x128xf32, #tpu.memory_space<vmem>>, vector<512x128xf32>
    tpu.vector_store %arg3[%swap3A, %swap3A_6], %dot_general3A_5 {strides = array<i32>} : memref<512x128xf32, #tpu.memory_space<vmem>>, vector<512x128xf32>,
    return
  }
  func.func @transform_0(%arg0: i32) -> (i32, i32) {
    %c0_i32 = arith.constant 0 : i32
    %c0_i32_0 = arith.constant 0 : i32
    return %arg0, %c0_i32 : i32, i32
  }
  func.func @transform_1(%arg0: i32) -> (i32, i32) {
    %c0_i32 = arith.constant 0 : i32
    %c0_i32_0 = arith.constant 0 : i32
    %c0_i32_1 = arith.constant 0 : i32
    return %c0_i32, %c0_i32_0 : i32, i32
  }
  func.func @transform_2(%arg0: i32) -> (i32, i32) {
    %c0_i32 = arith.constant 0 : i32
    %c0_i32_0 = arith.constant 0 : i32
    return %arg0, %c0_i32 : i32, i32
  }
}

</mosaic_0001>

<sc_bundles>
// kernel: kernel.4.cloned.1.call-start
scs
__scs_entry_jumppad:
0x0: {  	(pc) =	sbr.rel $0x88, $3  }
0x1: {  	(tag) =	ssettag $0x0;
	lr =	simm.s32 $0x1  }
0x2: {  	[smem:$0x3F9F] =	sst lr;
	_ =	strace $0xD0000000  }
0x3: {  	_ = 	snop  }
0x4: {  	_ = 	snop  }
0x5: {  	_ = 	snop  }
0x6: {  	_ = 	snop  }
0x7: {  	_ = 	snop  }
__scs_overlays_trampoline_lowered:
0x8: {  	[smem:$0x3FAE] =	sst s0  }
0x9: {  	[smem:$0x3FAF] =	sst s1  }
0xa: {  	[smem:$0x3FB0] =	sst s2  }
0xb: {  	[smem:$0x3FB1] =	sst s3  }
0xc: {  	[smem:$0x3FB2] =	sst s4  }
0xd: {  	[smem:$0x3FB3] =	sst s5  }
0xe: {  	[smem:$0x3FB4] =	sst s6  }
0xf: {  	[smem:$0x3FB5] =	sst s7  }
0x10: {  	[smem:$0x3FB6] =	sst s8  }
0x11: {  	[smem:$0x3FB7] =	sst s9;
	s0 =	simm.s32 @!p0 $0x0  }
0x12: {  	s1 =	sld [smem:$0x3F9D];
	s0 =	simm.s32 @p0 $0x1  }
0x13: {  	[smem:$0x3FB8] =	sst s0;
	s0 =	simm.s32 @!p1 $0x0  }
0x14: {  	s2 =	sld [smem:$0x3F9C];
	s0 =	simm.s32 @p1 $0x1  }
0x15: {  	[smem:$0x3FB9] =	sst s0;
	s0 =	simm.s32 @!p2 $0x0  }
0x16: {  	s3 =	sld [smem:$0x3FDB];
	s0 =	simm.s32 @p2 $0x1  }
0x17: {  	s4 =	simm.s32 $0x1BF5;
	[smem:$0x3FBB] =	sst s0  }
0x18: {  	s0 =	sld [smem:$0x3F9E];
	_ =	swait.ge [sflag:s4], $0x0  }
0x19: {  	s7 =	sld [smem:$0x3F9F]  }
0x1a: {  	s8 =	sadd.s32 $0xFFFFE003, lr  }
0x1b: {  	s9 =	sadd.s32 $0xFFFFFEF7, lr;
	s5 =	simm.s32 $0xFFFFFFFF;
	p2 =	slt.u32 s8, $0xFFFFF086  }
0x1c: {  	p1 =	slt.u32 s9, $0xF7A;
	s5 =	simm.s32 @!p2 $0x0  }
0x1d: {  	s5 =	simm.s32 @p1 $0x1;
	p0 =	seq.s32 s7, s2  }
0x1e: {  	s7 =	smul.u32 @!p0 $0xF7A, s2;
	p2 =	seq.s32 @!p0 s5, $0x0  }
0x1f: {  	s9 =	smul.u32 $0xF7A, s1;
	s8 =	simm.s32 @!p0 $0x1BF5;
	p2 =	por !p2, p0  }
0x20: {  	[sflag:s8] =	ssyncset.s32 @!p0 $0xFFFFF086;
	s6 =	sadd.s32 @!p0 s3, s7;
	s7 =	simm.s32 @!p0 $0x108  }
0x21: {  	s3 =	sadd.s32 s3, s9;
	s6 =	sadd.s32 @!p0 $0x88, s6;
	s7 =	simm.s32 @p2 $0x1082  }
0x22: {  	[simem:s7], [sflag:s8] =	dma.local @!p0 [hbm:s6], $0xF7A  }
0x23: {  	s9 =	sor.u32 $0xD0000000, s2;
	s6 =	simm.s32 $0x108;
	_ =	swait.ge @!p0 [sflag:s8], $0x0  }
0x24: {  	s3 =	sadd.s32 $0x88, s3;
	s6 =	simm.s32 @!p1 $0x1082;
	[sflag:s4] =	ssyncset.s32 $0xFFFFF086  }
0x25: {  	[simem:s6], [sflag:s4] =	dma.local [hbm:s3], $0xF7A  }
0x26: {  	[smem:$0x3F9F] =	sst s1;
	(tag) =	ssettag s2;
	_ =	strace s9  }
0x27: {  	s1 =	sld [smem:$0x3FAF]  }
0x28: {  	s2 =	sld [smem:$0x3FB0]  }
0x29: {  	s4 =	sld [smem:$0x3FB2]  }
0x2a: {  	p0 =	seq.s32 s5, $0x0;
	s5 =	sld [smem:$0x3FB3]  }
0x2b: {  	s6 =	sld [smem:$0x3FB4]  }
0x2c: {  	s7 =	sld [smem:$0x3FB5]  }
0x2d: {  	s3 =	simm.s32 $0x108;
	s8 =	sld [smem:$0x3FB6]  }
0x2e: {  	s3 =	simm.s32 @!p0 $0x1082;
	s9 =	sld [smem:$0x3FB7]  }
0x2f: {  	lr =	sadd.s32 s0, s3;
	s0 =	sld [smem:$0x3FAE]  }
0x30: {  	s3 =	sld [smem:$0x3FB1]  }
0x31: {  	[smem:$0x3FBA] =	sst s10  }
0x32: {  	s10 =	sld [smem:$0x3FB8];
	_ =	sdelay $0x3  }
0x33: {  	p0 =	seq.s32 s10, $0x1;
	s10 =	sld [smem:$0x3FBA];
	_ =	sdelay $0x3  }
0x34: {  	[smem:$0x3FBA] =	sst s10  }
0x35: {  	s10 =	sld [smem:$0x3FB9];
	_ =	sdelay $0x3  }
0x36: {  	p1 =	seq.s32 s10, $0x1;
	s10 =	sld [smem:$0x3FBA];
	_ =	sdelay $0x3  }
0x37: {  	[smem:$0x3FBA] =	sst s10  }
0x38: {  	s10 =	sld [smem:$0x3FBB]  }
0x39: {  	_ = 	snop;
	(pc) =	sbr.ind lr, $3  }
0x3a: {  	_ = 	snop  }
0x3b: {  	_ = 	snop  }
0x3c: {  	p2 =	seq.s32 s10, $0x1;
	s10 =	sld [smem:$0x3FBA]  }
0x3d: {  	_ =	shalt  }
0x3e: {  	_ =	shalt  }
0x3f: {  	_ =	shalt  }
0x40: {  	_ =	shalt  }
0x41: {  	_ =	shalt  }
0x42: {  	_ =	shalt  }
0x43: {  	_ =	shalt  }
0x44: {  	_ =	shalt  }
0x45: {  	_ =	shalt  }
0x46: {  	_ =	shalt  }
0x47: {  	_ =	shalt  }
0x48: {  	_ =	shalt  }
0x49: {  	_ =	shalt  }
0x4a: {  	_ =	shalt  }
0x4b: {  	_ =	shalt  }
0x4c: {  	_ =	shalt  }
0x4d: {  	_ =	shalt  }
0x4e: {  	_ =	shalt  }
0x4f: {  	_ =	shalt  }
0x50: {  	_ =	shalt  }
0x51: {  	_ =	shalt  }
0x52: {  	_ =	shalt  }
0x53: {  	_ =	shalt  }
0x54: {  	_ =	shalt  }
0x55: {  	_ =	shalt  }
0x56: {  	_ =	shalt  }
0x57: {  	_ =	shalt  }
0x58: {  	_ =	shalt  }
0x59: {  	_ =	shalt  }
0x5a: {  	_ =	shalt  }
0x5b: {  	_ =	shalt  }
0x5c: {  	_ =	shalt  }
0x5d: {  	_ =	shalt  }
0x5e: {  	_ =	shalt  }
0x5f: {  	_ =	shalt  }
0x60: {  	_ =	shalt  }
0x61: {  	_ =	shalt  }
0x62: {  	_ =	shalt  }
0x63: {  	_ =	shalt  }
0x64: {  	_ =	shalt  }
0x65: {  	_ =	shalt  }
0x66: {  	_ =	shalt  }
0x67: {  	_ =	shalt  }
0x68: {  	_ =	shalt  }
0x69: {  	_ =	shalt  }
0x6a: {  	_ =	shalt  }
0x6b: {  	_ =	shalt  }
0x6c: {  	_ =	shalt  }
0x6d: {  	_ =	shalt  }
0x6e: {  	_ =	shalt  }
0x6f: {  	_ =	shalt  }
0x70: {  	_ =	shalt  }
0x71: {  	_ =	shalt  }
0x72: {  	_ =	shalt  }
0x73: {  	_ =	shalt  }
0x74: {  	_ =	shalt  }
0x75: {  	_ =	shalt  }
0x76: {  	_ =	shalt  }
0x77: {  	_ =	shalt  }
0x78: {  	_ =	shalt  }
0x79: {  	_ =	shalt  }
0x7a: {  	_ =	shalt  }
0x7b: {  	_ =	shalt  }
0x7c: {  	_ =	shalt  }
0x7d: {  	_ =	shalt  }
0x7e: {  	_ =	shalt  }
0x7f: {  	_ =	shalt  }
0x80: {  	_ =	shalt  }
0x81: {  	_ =	shalt  }
0x82: {  	_ =	shalt  }
0x83: {  	_ =	shalt  }
0x84: {  	_ =	shalt  }
0x85: {  	_ =	shalt  }
0x86: {  	_ =	shalt  }
0x87: {  	_ =	shalt  }
.Lfunc_end0:
.L_simem_size_0:
called_computation_lowered:
.L_overlay_start_0:
0x88: {  	s2 =	sld [smem:$0x3FD9]  }
0x89: {  	s3 =	sld [smem:$0x3FFE];
	_ =	sdelay $0x1  }
0x8a: {  	s1 =	srdreg.scid  }
0x8b: {  	s0 =	sand.u32 $0x1, s1  }
0x8c: {  	s17 =	sshll.u32 s0, $0xA;
	s2 =	sadd.s32 s3, s2  }
0x8d: {  	s2 =	sadd.s32 s2, s17  }
0x8e: {  	[smem:$0x3FC6] =	sst s2  }
0x8f: {  	_ = 	snop  }
0x90: {  	s2 =	sld [smem:$0x3FD0];
	(tm) =	ssettm $0x1  }
0x91: {  	s18 =	sld [smem:$0x3FFB];
	_ =	sdelay $0x3  }
0x92: {  	_ =	strace s18  }
0x93: {  	s3 =	sld [smem:$0x3FFC];
	_ =	sdelay $0x3  }
0x94: {  	_ =	strace s3  }
0x95: {  	s3 =	sld [smem:$0x3FFD];
	_ =	sdelay $0x3  }
0x96: {  	_ =	strace s3  }
0x97: {  	_ =	strace $0x8FFFFFFF  }
0x98: {  	s19 =	sld [smem:$0x3FDB];
	_ =	sdelay $0x1  }
0x99: {  	s4 =	simm.s32 $_scs_section_size  }
0x9a: {  	s5 =	simm.s32 $_size__tile_overlayer_lowered;
	s6 =	simm.s32 $_tile_overlayer_lowered  }
0x9b: {  	s22 =	simm.s32 $0x1BFF;
	s21 =	sshll.u32 s6, $0x1;
	s3 =	sadd.s32 s4, s19  }
0x9c: {  	s7 =	simm.s32 $0x0;
	s20 =	sshll.u32 s5, $0x1;
	s5 =	sadd.s32 s21, s3  }
0x9d: {  	[timem:s7], [sflag:s22] =	dma.local [hbm:s5], s20  }
0x9e: {  	_ =	swait.ge [sflag:s22], s20  }
0x9f: {  	s4 =	ssub.s32 $0x0, s20;
	[sflag:s22] =	ssyncset.done $0x0  }
0xa0: {  	[sflag:s22] =	ssyncadd.s32 s4;
	_ =	sdelay $0x1  }
0xa1: {  	s23 =	simm.s32 $0x1B8B  }
0xa2: {  	_ =	swait.ge [sflag:s23], $0x1  }
0xa3: {  	[sflag:s23] =	ssyncset.done $0x0  }
0xa4: {  	s25 =	simm.s32 $0x1B8E;
	s24 =	sld [smem:$0x3FFE];
	[sflag:s23] =	ssyncadd.s32 $0xFFFFFFFF  }
0xa5: {  	s26 =	simm.s32 $execute0_lowered;
	[smem:$0x3FD2] =	sst s25  }
0xa6: {  	s5 =	sshll.u32 s26, $0x1;
	_ =	strace $0x80000046;
	[dreg:$0x1] =	wrdreg $0xFFFFFFFF  }
0xa7: {  	s28 =	simm.s32 $_size_execute0_lowered;
	s3 =	sadd.s32 s3, s5;
	[dreg:$0x0] =	wrdreg $0x0  }
0xa8: {  	s5 =	sshll.u32 s28, $0x1;
	[dreg:$0x2] =	wrdreg s3  }
0xa9: {  	[dreg:$0x3] =	wrdreg s5  }
0xaa: {  	[dreg:$0x4] =	wrdreg $0xC0  }
0xab: {  	_ =	task [dreg:s7], $0x5FFFF  }
0xac: {  	[dreg:$0x1] =	wrdreg $0xFFFFFFFF  }
0xad: {  	[dreg:$0x0] =	wrdreg $0x60  }
0xae: {  	[dreg:$0x2] =	wrdreg s24  }
0xaf: {  	[dreg:$0x3] =	wrdreg s2  }
0xb0: {  	[dreg:$0x4] =	wrdreg $0x0  }
0xb1: {  	[dreg:$0x5] =	wrdreg $0x9  }
0xb2: {  	_ =	task.clear_ibuf [dreg:s7], $0x6FFFF;
	_ =	strace $0x90000046  }
0xb3: {  	s29 =	simm.s32 $0x9;
	_ =	strace $0x80000048  }
0xb4: {  	_ =	swait.ge [sflag:s29], $0x1  }
0xb5: {  	[sflag:s29] =	ssyncadd.s32 $0xFFFFFFFF  }
0xb6: {  	_ =	strace $0x90000048  }
0xb7: {  	_ =	sfence  }
0xb8: {  	s30 =	sld [smem:$0x0];
	_ =	sdelay $0x2  }
0xb9: {  	s31 =	sshll.u32 s1, $0xD;
	s1 =	sshrl.u32 s1, $0x2  }
0xba: {  	s3 =	sand.u32 $0x4000, s31;
	s1 =	sadd.s32 s1, s30  }
0xbb: {  	s0 =	sor.u32 s3, s0;
	s1 =	sshll.u32 s1, $0x11  }
0xbc: {  	s0 =	sor.u32 s1, s0  }
0xbd: {  	s0 =	sadd.s32 $0x8F2B, s0  }
0xbe: {  	[sflag:s0] =	ssyncadd.remote.s32 $0x1  }
0xbf: {  	_ =	sfence.sel $0xFFFF  }
0xc0: {  	[dreg:$0x0] =	wrdreg $0xFFFFFFFF;
	(pc) =	sbr.abs _section_cstart, $3  }
0xc1: {  	[dreg:$0x1] =	wrdreg $0xFFFFFFFF  }
0xc2: {  	_ =	task.clear_ibuf [dreg:s7], $0x2FFFF;
	_ =	strace $0x9FFFFFFF  }
0xc3: {  	(tm) =	ssettm $0x7FFFFFFF  }
tec
execute0_lowered:
.L_overlay_start_1:
0x0: {  	(tag) =	ssettag $0x1  }
0x1: {  	s0 =	rddreg [dreg:$0x0]  }
0x2: {  	s3 =	rddreg [dreg:$0x1]  }
0x3: {  	s1 =	rddreg [dreg:$0x2]  }
0x4: {  	s4 =	srdreg.scid;
	s2 =	simm.s32 $0x0;
	s8 =	stileid.u32  }
0x5: {  	s11 =	simm.s32 $0xB000;
	s12 =	simm.s32 $0xB100;
	s13 =	simm.s32 $0xB200  }
0x6: {  	s14 =	simm.s32 $0xB300;
	s15 =	simm.s32 $0xB400;
	s16 =	simm.s32 $0xB500  }
0x7: {  	s17 =	simm.s32 $0x1;
	s18 =	simm.s32 $0x80;
	s19 =	simm.s32 $0xB600  }
0x8: {  	s20 =	simm.s32 $0xB800;
	s21 =	simm.s32 $0xB680;
	s22 =	simm.s32 $0xF800  }
0x9: {  	s23 =	simm.s32 $0x2;
	s28 =	simm.s32 $0x17800;
	s29 =	simm.s32 $0x3  }
0xa: {  	s4 =	sand.u32 $0x1, s4;
	[smem:$0x7FF] =	sst s2;
	s6 =	sadd.s32 $0x1DA00, s0  }
0xb: {  	s26 =	sshll.u32 s8, $0xC;
	s30 =	sshll.u32 s8, $0x5;
	p0 =	sne.s32 s8, $0x0  }
0xc: {  	s5 =	ssub.s32 $0x2, s4;
	_ =	strace $0x80000047;
	[dreg:$0x4] =	wrdreg s6  }
0xd: {  	s25 =	sshll.u32 s4, $0x10;
	s9 =	sshll.u32 s4, $0x4;
	s4 =	sshll.u32 s4, $0x9  }
0xe: {  	s24 =	sshrl.u32 s5, $0x1;
	s3 =	sadd.s32 s25, s3;
	s0 =	sadd.s32 s4, s0  }
0xf: {  	s31 =	sor.u32 s9, s8;
	s25 =	simm.s32 $0x13800;
	s5 =	ssub.s32 s5, s24  }
.Ltmp0:
0x10: {  	s3 =	sadd.s32 s26, s3;
	s6 =	sadd.s32 s30, s0;
	(pc) =	sbr.rel .LBB2_1-.Ltmp0, $4  }
0x11: {  	s0 =	sor.u32 $0x20, s31;
	s24 =	simm.s32 $0xB700;
	[dreg:$0x6] =	wrdreg s3  }
0x12: {  	s26 =	simm.s32 $0xB780;
	s5 =	smax.u32 s5, $0x1;
	[dreg:$0x7] =	wrdreg s0  }
0x13: {  	s7 =	sadd.s32 $0x9E00, s6;
	s0 =	sshrl.u32 @!p0 s1, $0x3;
	[dreg:$0x5] =	wrdreg s5  }
0x14: {  	s8 =	sadd.s32 $0x13C00, s6;
	[dreg:$0x8] =	wrdreg s0;
	s0 =	simm.s32 $0x0  }
.LBB2_5:
0x15: {  	s3 =	simm.s32 $0x5  }
0x16: {  	_ =	swait.ge [sflag:s3], $0x8000  }
0x17: {  	[sflag:s3] =	ssyncset.done $0x0  }
0x18: {  	s4 =	simm.s32 $0x6;
	[sflag:s3] =	ssyncadd.s32 $0xFFFF8000  }
0x19: {  	_ =	swait.ge [sflag:s4], $0x8000  }
0x1a: {  	s0 =	sadd.s32 $0x1, s0;
	s31 =	rddreg [dreg:$0x5]  }
0x1b: {  	p1 =	sne.s32 s0, s31  }
.Ltmp1:
0x1c: {  	_ = 	snop;
	(pc) =	sbr.rel @!p1 .LBB2_6-.Ltmp1, $3  }
0x1d: {  	_ =	sdelay $0x1  }
0x1e: {  	[sflag:s4] =	ssyncset.done $0x0  }
0x1f: {  	[sflag:s4] =	ssyncadd.s32 $0xFFFF8000  }
.LBB2_1:
0x20: {  	s3 =	rddreg [dreg:$0x4]  }
0x21: {  	s4 =	simm.s32 @!p0 $0x1C07;
	s5 =	rddreg [dreg:$0x8]  }
0x22: {  	[spmem:s5], [sflag:s4] =	dma.local @!p0 [hbm:s3], $0x16000  }
0x23: {  	s4 =	simm.s32 @!p0 $0x7  }
0x24: {  	_ =	swait.ge @!p0 [sflag:s4], $0x16000  }
.Ltmp2:
0x25: {  	[sflag:s4] =	ssyncset.done @!p0 $0x0;
	(pc) =	sbr.rel .LBB2_2-.Ltmp2, $4  }
0x26: {  	[sflag:s4] =	ssyncadd.s32 @!p0 $0xFFFEA000  }
0x27: {  	[bflag:$0x0] =	sbarrier.arrive $0xFFFF  }
0x28: {  	s9 =	rddreg [dreg:$0x7]  }
0x29: {  	s10 =	simm.s32 $0x0;
	s5 =	rddreg [dreg:$0x6]  }
.LBB2_4:
0x2a: {  	_ =	swait.ge [sflag:s29], $0x4000  }
0x2b: {  	[sflag:s29] =	ssyncset.done $0x0  }
0x2c: {  	[sflag:s29] =	ssyncadd.s32 $0xFFFFC000  }
0x2d: {  	_ =	swait.ge [sflag:s29], $0x4000  }
0x2e: {  	[sflag:s29] =	ssyncset.done $0x0  }
0x2f: {  	s3 =	simm.s32 @!p1 $0x4;
	[sflag:s29] =	ssyncadd.s32 $0xFFFFC000  }
0x30: {  	[hbm4b:s5+s2] =	stream.linear.scatter [tilespmem:s20], [sflag:$0x5], $0x8000, $0x38;
	[tilespmem:$0x1B800] =	vst v63  }
0x31: {  	_ =	swait.ge @!p1 [sflag:s3], $0x4000  }
0x32: {  	[sflag:s3] =	ssyncset.done @!p1 $0x0  }
0x33: {  	[sflag:s3] =	ssyncadd.s32 @!p1 $0xFFFFC000  }
0x34: {  	_ =	swait.ge @!p1 [sflag:s3], $0x4000  }
0x35: {  	s30 =	simm.s32 @!p1 $0x13800;
	[sflag:s3] =	ssyncset.done @!p1 $0x0  }
0x36: {  	s10 =	sadd.s32 $0x800, s10;
	[sflag:s3] =	ssyncadd.s32 @!p1 $0xFFFFC000;
	s3 =	sadd.s32 @!p1 $0x20000, s5  }
0x37: {  	[hbm4b:s3+s4] =	stream.linear.scatter @!p1 [tilespmem:s30], [sflag:$0x6], $0x8000, $0x38;
	[tilespmem:$0x1B800] =	vst v63  }
0x38: {  	p1 =	sne.s32 s10, $0xA000  }
.Ltmp3:
0x39: {  	_ = 	snop;
	(pc) =	sbr.rel @!p1 .LBB2_5-.Ltmp3, $2  }
0x3a: {  	_ =	sdelay $0x2  }
0x3b: {  	s9 =	sadd.s32 $0x40, s9;
	s5 =	sadd.s32 $0x40000, s5  }
.LBB2_2:
0x3c: {  	p1 =	seq.s32 s10, $0x0  }
0x3d: {  	s4 =	simm.s32 @!p1 $0x5  }
0x3e: {  	_ =	swait.ge @!p1 [sflag:s4], $0x8000  }
0x3f: {  	[sflag:s4] =	ssyncset.done @!p1 $0x0  }
0x40: {  	s3 =	sadd.s32 s10, s8;
	[sflag:s4] =	ssyncadd.s32 @!p1 $0xFFFF8000  }
0x41: {  	[tilespmem:s11], [sflag:$0x1] =	stream.linear.gather [hbm4b:s3+s2], $0x80, $0x38;
	[tilespmem:$0x1B800] =	vst v63  }
0x42: {  	s4 =	sadd.s32 $0x10, s3  }
0x43: {  	[tilespmem:s12], [sflag:$0x1] =	stream.linear.gather [hbm4b:s4+s2], $0x80, $0x38;
	[tilespmem:$0x1B800] =	vst v63  }
0x44: {  	s30 =	sadd.s32 s10, s7  }
0x45: {  	[tilespmem:s13], [sflag:$0x1] =	stream.linear.gather [hbm4b:s30+s2], $0x80, $0x38;
	[tilespmem:$0x1B800] =	vst v63  }
0x46: {  	p1 =	sgt.u32 s9, $0x4E1;
	s4 =	sadd.s32 $0x10, s30  }
0x47: {  	[tilespmem:s14], [sflag:$0x1] =	stream.linear.gather [hbm4b:s4+s2], $0x80, $0x38;
	[tilespmem:$0x1B800] =	vst v63  }
0x48: {  	s31 =	sadd.s32 s10, s6;
	p2 =	seq.s32 @!p1 s10, $0x0  }
0x49: {  	[tilespmem:s15], [sflag:$0x1] =	stream.linear.gather [hbm4b:s31+s2], $0x80, $0x38;
	[tilespmem:$0x1B800] =	vst v63  }
0x4a: {  	p2 =	por p2, p1;
	s4 =	sadd.s32 $0x10, s31  }
0x4b: {  	[tilespmem:s16], [sflag:$0x1] =	stream.linear.gather [hbm4b:s4+s2], $0x80, $0x38;
	[tilespmem:$0x1B800] =	vst v63  }
0x4c: {  	s4 =	simm.s32 @!p2 $0x6  }
0x4d: {  	s3 =	sadd.s32 @!p1 s10, s8;
	_ =	swait.ge @!p2 [sflag:s4], $0x8000  }
0x4e: {  	s30 =	sadd.s32 @!p1 $0x400, s3;
	[sflag:s4] =	ssyncset.done @!p2 $0x0  }
0x4f: {  	s31 =	simm.s32 @!p1 $0xB080;
	[sflag:s4] =	ssyncadd.s32 @!p2 $0xFFFF8000;
	s4 =	simm.s32 @!p1 $0x0  }
0x50: {  	[tilespmem:s31], [sflag:$0x2] =	stream.linear.gather @!p1 [hbm4b:s30+s4], $0x80, $0x38;
	[tilespmem:$0x1B800] =	vst v63  }
0x51: {  	s3 =	sadd.s32 @!p1 $0x410, s3;
	s30 =	simm.s32 @!p1 $0xB180  }
0x52: {  	[tilespmem:s30], [sflag:$0x2] =	stream.linear.gather @!p1 [hbm4b:s3+s4], $0x80, $0x38;
	[tilespmem:$0x1B800] =	vst v63  }
0x53: {  	s3 =	sadd.s32 @!p1 s10, s7  }
0x54: {  	s31 =	simm.s32 @!p1 $0xB280;
	s30 =	sadd.s32 @!p1 $0x400, s3  }
0x55: {  	[tilespmem:s31], [sflag:$0x2] =	stream.linear.gather @!p1 [hbm4b:s30+s4], $0x80, $0x38;
	[tilespmem:$0x1B800] =	vst v63  }
0x56: {  	s3 =	sadd.s32 @!p1 $0x410, s3;
	s30 =	simm.s32 @!p1 $0xB380  }
0x57: {  	[tilespmem:s30], [sflag:$0x2] =	stream.linear.gather @!p1 [hbm4b:s3+s4], $0x80, $0x38;
	[tilespmem:$0x1B800] =	vst v63  }
0x58: {  	s3 =	sadd.s32 @!p1 s10, s6  }
0x59: {  	s31 =	simm.s32 @!p1 $0xB480;
	s30 =	sadd.s32 @!p1 $0x400, s3  }
0x5a: {  	[tilespmem:s31], [sflag:$0x2] =	stream.linear.gather @!p1 [hbm4b:s30+s4], $0x80, $0x38;
	[tilespmem:$0x1B800] =	vst v63  }
0x5b: {  	s3 =	sadd.s32 @!p1 $0x410, s3;
	s30 =	simm.s32 @!p1 $0xB580  }
0x5c: {  	[tilespmem:s30], [sflag:$0x2] =	stream.linear.gather @!p1 [hbm4b:s3+s4], $0x80, $0x38;
	[tilespmem:$0x1B800] =	vst v63  }
0x5d: {  	_ =	swait.ge [sflag:s17], $0x100  }
0x5e: {  	[sflag:s17] =	ssyncset.done $0x0  }
0x5f: {  	[sflag:s17] =	ssyncadd.s32 $0xFFFFFF00  }
0x60: {  	_ =	swait.ge [sflag:s17], $0x100  }
0x61: {  	[sflag:s17] =	ssyncset.done $0x0  }
0x62: {  	[sflag:s17] =	ssyncadd.s32 $0xFFFFFF00  }
0x63: {  	_ =	swait.ge [sflag:s17], $0x100  }
0x64: {  	[sflag:s17] =	ssyncset.done $0x0  }
0x65: {  	[sflag:s17] =	ssyncadd.s32 $0xFFFFFF00  }
0x66: {  	v0 =	vld [tilespmem:$0xB000]  }
0x67: {  	v1 =	vld [tilespmem:$0xB200]  }
0x68: {  	v2 =	vld [tilespmem:$0xB400]  }
0x69: {  	v3 =	vld [tilespmem:$0xB010]  }
0x6a: {  	v5 =	vld [tilespmem:$0xB210]  }
0x6b: {  	v63 =	vld [tilespmem:$0xB410]  }
0x6c: {  	v8 =	vld [tilespmem:$0xB020]  }
0x6d: {  	v9 =	vld [tilespmem:$0xB220]  }
0x6e: {  	v25 =	vld [tilespmem:$0xB030]  }
0x6f: {  	v10 =	vld [tilespmem:$0xB230]  }
0x70: {  	v32 =	vld [tilespmem:$0xB040]  }
0x71: {  	v35 =	vld [tilespmem:$0xB240]  }
0x72: {  	v17 =	vld [tilespmem:$0xB420]  }
0x73: {  	v29 =	vld [tilespmem:$0xB430]  }
0x74: {  	v58 =	vld [tilespmem:$0xB070]  }
0x75: {  	v61 =	vld [tilespmem:$0xB270];
	vm0 =	vgt.s32 v0, v1;
	vm7 =	vgt.s32 v3, v5  }
0x76: {  	v37 =	vld [tilespmem:$0xB440];
	vm9 =	vgt.s32 v8, v9;
	vm11 =	vgt.s32 v25, v10;
	vm13 =	vgt.s32 v32, v35  }
0x77: {  	v4 =	vsel vm0, v0, v1;
	v0 =	vsel vm0, v1, v0;
	v14 =	vsel vm7, v3, v5  }
0x78: {  	v3 =	vsel vm7, v5, v3;
	v23 =	vsel vm9, v8, v9;
	v8 =	vsel vm9, v9, v8  }
0x79: {  	v34 =	vsel vm11, v25, v10;
	v9 =	vsel vm11, v10, v25;
	v40 =	vsel vm13, v32, v35  }
0x7a: {  	vm7 =	vgt.s32 v58, v61;
	vm1 =	vlt.s32 v4, v2;
	vm8 =	vlt.s32 v14, v63  }
0x7b: {  	vm10 =	vlt.s32 v23, v17;
	vm12 =	vlt.s32 v34, v29;
	vm14 =	vlt.s32 v40, v37  }
0x7c: {  	v62 =	vsel vm1, v2, v4;
	v2 =	vsel vm1, v4, v2;
	v16 =	vsel vm8, v63, v14  }
0x7d: {  	v18 =	vsel vm8, v14, v63;
	v26 =	vsel vm10, v17, v23;
	v27 =	vsel vm10, v23, v17  }
0x7e: {  	v36 =	vsel vm12, v29, v34;
	v42 =	vsel vm14, v37, v40;
	v44 =	vsel vm14, v40, v37  }
0x7f: {  	vm0 =	vlt.s32 v0, v2;
	v6 =	vadd.s32 $0x1, v62;
	v1 =	vmul.u32 $0xAAAAAAAB, v62  }
0x80: {  	v19 =	vadd.s32 $0x1, v16;
	v22 =	vmul.u32 $0xAAAAAAAB, v16;
	v28 =	vadd.s32 $0x1, v26  }
0x81: {  	v38 =	vadd.s32 $0x1, v36;
	v45 =	vadd.s32 $0x1, v42;
	v48 =	vmul.u32 $0xAAAAAAAB, v42  }
0x82: {  	v7 =	vsel vm0, v2, v0;
	v0 =	vsel vm0, v0, v2;
	v12 =	vmul.u32 v62, v6  }
0x83: {  	vm0 =	vlt.s32 v3, v18;
	v20 =	vmul.u32 v16, v19;
	v5 =	vmul.u32 v26, v28  }
0x84: {  	v46 =	vmul.u32 v42, v45;
	v13 =	vadd.s32 $0x1, v7;
	v1 =	vadd.s32 $0x55555556, v1  }
0x85: {  	v21 =	vsel vm0, v18, v3;
	v2 =	vshra.s32 v12, $0x1;
	v6 =	vmul.u32 v7, v13  }
0x86: {  	v11 =	vld [tilespmem:$0xB050];
	v24 =	vadd.s32 $0x1, v21;
	v7 =	vmul.u32 $0xAAAAAAAB, v26;
	v5 =	vshra.s32 v5, $0x1  }
0x87: {  	v51 =	vld [tilespmem:$0xB060];
	v1 =	vmul.u32 v2, v1;
	v2 =	vsel vm0, v3, v18;
	v3 =	vadd.s32 $0x55555556, v22  }
0x88: {  	v12 =	vld [tilespmem:$0xB250];
	v4 =	vmul.u32 v21, v24;
	vm0 =	vlt.s32 v8, v27;
	v15 =	vshra.s32 v6, $0x1  }
0x89: {  	v13 =	vld [tilespmem:$0xB260];
	v30 =	vsel vm0, v27, v8;
	v7 =	vadd.s32 $0x55555556, v7;
	v0 =	vadd.s32 v0, v15  }
0x8a: {  	v63 =	vld [tilespmem:$0xB470];
	v4 =	vshra.s32 v4, $0x1;
	v31 =	vadd.s32 $0x1, v30;
	v33 =	vmul.u32 v5, v7  }
0x8b: {  	v5 =	vsel vm12, v34, v29;
	v7 =	vsel vm13, v35, v32;
	v0 =	vadd.s32 v1, v0  }
0x8c: {  	v1 =	vshra.s32 v20, $0x1;
	v2 =	vadd.s32 v2, v4;
	v4 =	vmul.u32 v30, v31  }
0x8d: {  	v20 =	vsel vm7, v58, v61;
	v1 =	vmul.u32 v1, v3;
	v3 =	vsel vm0, v8, v27  }
0x8e: {  	v43 =	vld [tilespmem:$0xB450];
	vm0 =	vlt.s32 v9, v5;
	vm15 =	vgt.s32 v11, v12;
	vm5 =	vgt.s32 v51, v13  }
0x8f: {  	v55 =	vld [tilespmem:$0xB460];
	vm8 =	vlt.s32 v20, v63;
	v4 =	vshra.s32 v4, $0x1;
	v10 =	vsel vm0, v5, v9  }
0x90: {  	v5 =	vsel vm0, v9, v5;
	vm0 =	vlt.s32 v7, v44;
	v49 =	vsel vm15, v11, v12  }
0x91: {  	v11 =	vsel vm15, v12, v11;
	v60 =	vsel vm5, v51, v13;
	v12 =	vsel vm5, v13, v51  }
0x92: {  	v14 =	vld [tilespmem:$0xB100];
	v22 =	vsel vm8, v63, v20;
	v24 =	vsel vm8, v20, v63;
	v1 =	vadd.s32 v1, v2  }
0x93: {  	v15 =	vld [tilespmem:$0xB300];
	v3 =	vadd.s32 v3, v4;
	v4 =	vmul.u32 $0xAAAAAAAB, v36;
	v39 =	vadd.s32 $0x1, v10  }
0x94: {  	v47 =	vsel vm0, v44, v7;
	vm4 =	vlt.s32 v49, v43;
	vm6 =	vlt.s32 v60, v55  }
0x95: {  	v16 =	vld [tilespmem:$0xB310];
	v25 =	vadd.s32 $0x1, v22;
	v28 =	vmul.u32 $0xAAAAAAAB, v22;
	v2 =	vadd.s32 v33, v3  }
0x96: {  	v31 =	vld [tilespmem:$0xB110];
	v3 =	vmul.u32 v36, v38;
	v9 =	vmul.u32 v10, v39;
	v50 =	vadd.s32 $0x1, v47  }
0x97: {  	v23 =	vld [tilespmem:$0xB500];
	v52 =	vsel vm4, v43, v49;
	v53 =	vsel vm4, v49, v43;
	v62 =	vsel vm6, v55, v60  }
0x98: {  	v26 =	vmul.u32 v22, v25;
	vm9 =	vgt.s32 v14, v15;
	v4 =	vadd.s32 $0x55555556, v4  }
0x99: {  	v6 =	vmul.u32 v47, v50;
	v54 =	vadd.s32 $0x1, v52;
	v10 =	vmul.u32 $0xAAAAAAAB, v52  }
0x9a: {  	v18 =	vadd.s32 $0x1, v62;
	v29 =	vsel vm9, v14, v15;
	v14 =	vsel vm9, v15, v14  }
0x9b: {  	v35 =	vld [tilespmem:$0xB510];
	vm11 =	vgt.s32 v31, v16;
	v3 =	vshra.s32 v3, $0x1;
	v41 =	vshra.s32 v9, $0x1  }
0x9c: {  	v8 =	vmul.u32 v52, v54;
	vm10 =	vlt.s32 v29, v23;
	v40 =	vsel vm11, v31, v16  }
0x9d: {  	v15 =	vsel vm11, v16, v31;
	v3 =	vmul.u32 v3, v4;
	v4 =	vadd.s32 v5, v41  }
0x9e: {  	v5 =	vsel vm0, v7, v44;
	v7 =	vadd.s32 $0x55555556, v48;
	v6 =	vshra.s32 v6, $0x1  }
0x9f: {  	vm0 =	vlt.s32 v11, v53;
	v10 =	vadd.s32 $0x55555556, v10;
	v32 =	vsel vm10, v23, v29  }
0xa0: {  	v17 =	vld [tilespmem:$0xB130];
	v33 =	vsel vm10, v29, v23;
	vm12 =	vlt.s32 v40, v35;
	v5 =	vadd.s32 v5, v6  }
0xa1: {  	v47 =	vld [tilespmem:$0xB330];
	v56 =	vsel vm0, v53, v11;
	v8 =	vshra.s32 v8, $0x1;
	v34 =	vadd.s32 $0x1, v32  }
0xa2: {  	v42 =	vsel vm12, v35, v40;
	v3 =	vadd.s32 v3, v4;
	v4 =	vshra.s32 v46, $0x1  }
0xa3: {  	v38 =	vld [tilespmem:$0xB120];
	v57 =	vadd.s32 $0x1, v56;
	v59 =	vmul.u32 v8, v10;
	v8 =	vsel vm6, v60, v55  }
0xa4: {  	v52 =	vld [tilespmem:$0xB530];
	v10 =	vsel vm7, v61, v58;
	v44 =	vadd.s32 $0x1, v42;
	v4 =	vmul.u32 v4, v7  }
0xa5: {  	v41 =	vld [tilespmem:$0xB320];
	v7 =	vsel vm0, v11, v53;
	v6 =	vmul.u32 v56, v57;
	vm0 =	vlt.s32 v12, v8  }
0xa6: {  	v11 =	vmul.u32 v32, v34;
	vm15 =	vgt.s32 v17, v47;
	v13 =	vsel vm0, v8, v12  }
0xa7: {  	v8 =	vsel vm0, v12, v8;
	vm0 =	vlt.s32 v10, v24;
	v57 =	vsel vm15, v17, v47  }
0xa8: {  	v43 =	vld [tilespmem:$0xB520];
	v58 =	vsel vm15, v47, v17;
	v4 =	vadd.s32 v4, v5;
	v6 =	vshra.s32 v6, $0x1  }
0xa9: {  	v19 =	vadd.s32 $0x1, v13;
	v27 =	vsel vm0, v24, v10;
	v11 =	vshra.s32 v11, $0x1  }
0xaa: {  	vm13 =	vgt.s32 v38, v41;
	vm4 =	vlt.s32 v57, v52;
	v6 =	vadd.s32 v7, v6  }
0xab: {  	v7 =	vmul.u32 $0xAAAAAAAB, v62;
	v12 =	vmul.u32 v13, v19;
	v30 =	vadd.s32 $0x1, v27  }
0xac: {  	v13 =	vmul.u32 $0xAAAAAAAB, v32;
	v46 =	vsel vm13, v38, v41;
	v5 =	vadd.s32 v59, v6  }
0xad: {  	v6 =	vmul.u32 v62, v18;
	v9 =	vmul.u32 v27, v30;
	vm14 =	vlt.s32 v46, v43  }
0xae: {  	v19 =	vld [tilespmem:$0xB340];
	v59 =	vsel vm4, v52, v57;
	v7 =	vadd.s32 $0x55555556, v7;
	v21 =	vshra.s32 v12, $0x1  }
0xaf: {  	v32 =	vld [tilespmem:$0xB360];
	v13 =	vadd.s32 $0x55555556, v13;
	v49 =	vsel vm14, v43, v46;
	v50 =	vsel vm14, v46, v43  }
0xb0: {  	v18 =	vld [tilespmem:$0xB140];
	v61 =	vadd.s32 $0x1, v59;
	v6 =	vshra.s32 v6, $0x1;
	v9 =	vshra.s32 v9, $0x1  }
0xb1: {  	v30 =	vld [tilespmem:$0xB160];
	v39 =	vmul.u32 v11, v13;
	v11 =	vsel vm12, v40, v35;
	v13 =	vsel vm13, v41, v38  }
0xb2: {  	v51 =	vadd.s32 $0x1, v49;
	v55 =	vmul.u32 $0xAAAAAAAB, v49;
	v6 =	vmul.u32 v6, v7  }
0xb3: {  	v60 =	vld [tilespmem:$0xB540];
	v7 =	vadd.s32 v8, v21;
	v8 =	vsel vm0, v10, v24;
	v10 =	vadd.s32 $0x55555556, v28  }
0xb4: {  	v40 =	vld [tilespmem:$0xB170];
	vm0 =	vlt.s32 v14, v33;
	v53 =	vmul.u32 v49, v51;
	v8 =	vadd.s32 v8, v9  }
0xb5: {  	v41 =	vld [tilespmem:$0xB370];
	v36 =	vsel vm0, v33, v14;
	v6 =	vadd.s32 v6, v7;
	v7 =	vshra.s32 v26, $0x1  }
0xb6: {  	v37 =	vadd.s32 $0x1, v36;
	vm5 =	vgt.s32 v18, v19;
	vm11 =	vgt.s32 v30, v32  }
0xb7: {  	v20 =	vld [tilespmem:$0xB150];
	v7 =	vmul.u32 v7, v10;
	v10 =	vsel vm0, v14, v33;
	v9 =	vmul.u32 v36, v37  }
0xb8: {  	v21 =	vld [tilespmem:$0xB350];
	vm0 =	vlt.s32 v15, v11;
	v14 =	vmul.u32 $0xAAAAAAAB, v59;
	v63 =	vsel vm5, v18, v19  }
0xb9: {  	v18 =	vsel vm5, v19, v18;
	v16 =	vsel vm0, v11, v15;
	v11 =	vsel vm0, v15, v11  }
0xba: {  	vm0 =	vlt.s32 v13, v50;
	vm6 =	vlt.s32 v63, v60;
	vm13 =	vgt.s32 v40, v41  }
0xbb: {  	v7 =	vadd.s32 v7, v8;
	v9 =	vshra.s32 v9, $0x1;
	v45 =	vadd.s32 $0x1, v16  }
0xbc: {  	v54 =	vsel vm0, v50, v13;
	v14 =	vadd.s32 $0x55555556, v14;
	v23 =	vsel vm6, v63, v60  }
0xbd: {  	v24 =	vld [tilespmem:$0xB550];
	v25 =	vsel vm6, v60, v63;
	vm8 =	vgt.s32 v20, v21;
	v51 =	vsel vm13, v41, v40  }
0xbe: {  	v9 =	vadd.s32 v10, v9;
	v10 =	vmul.u32 $0xAAAAAAAB, v42;
	v15 =	vmul.u32 v16, v45  }
0xbf: {  	v34 =	vld [tilespmem:$0xB560];
	v56 =	vadd.s32 $0x1, v54;
	vm7 =	vlt.s32 v18, v23;
	v29 =	vadd.s32 $0x1, v25  }
0xc0: {  	v31 =	vsel vm8, v20, v21;
	v20 =	vsel vm8, v21, v20;
	v16 =	vsel vm11, v32, v30  }
0xc1: {  	v8 =	vadd.s32 v39, v9;
	v9 =	vmul.u32 v42, v44;
	v12 =	vmul.u32 v54, v56  }
0xc2: {  	v27 =	vsel vm7, v23, v18;
	v28 =	vsel vm7, v18, v23;
	vm9 =	vlt.s32 v31, v24  }
0xc3: {  	v39 =	vsel vm11, v30, v32;
	v10 =	vadd.s32 $0x55555556, v10;
	v48 =	vshra.s32 v15, $0x1  }
0xc4: {  	v15 =	vsel vm4, v57, v52;
	v33 =	vsel vm9, v31, v24;
	vm12 =	vlt.s32 v39, v34  }
0xc5: {  	v9 =	vshra.s32 v9, $0x1;
	v12 =	vshra.s32 v12, $0x1;
	vm10 =	vlt.s32 v20, v33  }
0xc6: {  	v42 =	vsel vm12, v34, v39;
	v43 =	vsel vm12, v39, v34;
	v9 =	vmul.u32 v9, v10  }
0xc7: {  	v44 =	vld [tilespmem:$0xB570];
	v10 =	vadd.s32 v11, v48;
	v11 =	vsel vm0, v13, v50;
	v13 =	vadd.s32 $0x55555556, v55  }
0xc8: {  	vm0 =	vlt.s32 v58, v15;
	v35 =	vsel vm10, v33, v20;
	v36 =	vsel vm10, v20, v33  }
0xc9: {  	v48 =	vadd.s32 $0x1, v42;
	v49 =	vmul.u32 $0xAAAAAAAB, v42;
	v50 =	vsel vm13, v40, v41  }
0xca: {  	v11 =	vadd.s32 v11, v12;
	v17 =	vsel vm0, v15, v58;
	v12 =	vmul.u32 v59, v61  }
0xcb: {  	[tilespmem:$0xB630] =	vst v3;
	v23 =	vadd.s32 $0x1, v35;
	v3 =	vmul.u32 v42, v48;
	v9 =	vadd.s32 v9, v10  }
0xcc: {  	v10 =	vshra.s32 v53, $0x1;
	v62 =	vadd.s32 $0x1, v17;
	vm14 =	vlt.s32 v50, v44  }
0xcd: {  	[tilespmem:$0xB640] =	vst v4;
	v4 =	vadd.s32 $0x55555556, v49;
	v10 =	vmul.u32 v10, v13;
	v13 =	vsel vm0, v58, v15  }
0xce: {  	v12 =	vshra.s32 v12, $0x1;
	v15 =	vmul.u32 v17, v62;
	v17 =	vsel vm9, v24, v31  }
0xcf: {  	vm0 =	vlt.s32 v16, v43;
	v3 =	vshra.s32 v3, $0x1;
	v52 =	vsel vm14, v50, v44  }
0xd0: {  	v53 =	vsel vm14, v44, v50;
	v12 =	vmul.u32 v12, v14;
	v14 =	vmul.u32 $0xAAAAAAAB, v25  }
0xd1: {  	[tilespmem:$0xB600] =	vst v0;
	v37 =	vadd.s32 $0x1, v17;
	v47 =	vsel vm0, v43, v16;
	v0 =	vsel vm0, v16, v43  }
0xd2: {  	[tilespmem:$0xB660] =	vst v6;
	vm15 =	vlt.s32 v51, v52;
	v56 =	vadd.s32 $0x1, v53;
	v6 =	vmul.u32 $0xAAAAAAAB, v53  }
0xd3: {  	v3 =	vmul.u32 v3, v4;
	v22 =	vshra.s32 v15, $0x1;
	v10 =	vadd.s32 v10, v11  }
0xd4: {  	v15 =	vmul.u32 v25, v29;
	v38 =	vmul.u32 v17, v37;
	v17 =	vmul.u32 $0xAAAAAAAB, v17  }
0xd5: {  	v54 =	vadd.s32 $0x1, v47;
	v55 =	vsel vm15, v52, v51;
	v57 =	vmul.u32 v53, v56  }
0xd6: {  	[tilespmem:$0xB620] =	vst v2;
	v2 =	vsel vm15, v51, v52;
	v13 =	vadd.s32 v13, v22;
	v22 =	vadd.s32 $0x1, v27  }
0xd7: {  	[tilespmem:$0xB670] =	vst v7;
	v14 =	vadd.s32 $0x55555556, v14;
	v7 =	vmul.u32 v47, v54;
	v58 =	vadd.s32 $0x1, v55  }
0xd8: {  	[tilespmem:$0xB610] =	vst v1;
	v6 =	vadd.s32 $0x55555556, v6;
	v26 =	vadd.s32 v12, v13;
	v15 =	vshra.s32 v15, $0x1  }
0xd9: {  	[tilespmem:$0xB650] =	vst v5;
	v12 =	vmul.u32 v27, v22;
	v13 =	vshra.s32 v38, $0x1;
	v45 =	vadd.s32 $0x55555556, v17  }
0xda: {  	[tilespmem:$0xB680] =	vst v8;
	v59 =	vmul.u32 v55, v58;
	v60 =	vshra.s32 v57, $0x1;
	v14 =	vmul.u32 v15, v14  }
0xdb: {  	[tilespmem:$0xB690] =	vst v9;
	v15 =	vmul.u32 v35, v23;
	v1 =	vmul.u32 v13, v45;
	v7 =	vshra.s32 v7, $0x1  }
0xdc: {  	[tilespmem:$0xB6A0] =	vst v10;
	v61 =	vmul.u32 v60, v6;
	v12 =	vshra.s32 v12, $0x1;
	v0 =	vadd.s32 v0, v7  }
0xdd: {  	[tilespmem:$0xB6B0] =	vst v26;
	v4 =	vshra.s32 v59, $0x1;
	v12 =	vadd.s32 v28, v12;
	v0 =	vadd.s32 v3, v0  }
0xde: {  	v15 =	vshra.s32 v15, $0x1;
	v62 =	vadd.s32 v2, v4;
	v12 =	vadd.s32 v14, v12;
	[tilespmem:$0xB6E0] =	vst v0  }
0xdf: {  	v46 =	vadd.s32 v36, v15;
	v63 =	vadd.s32 v61, v62;
	[tilespmem:$0xB6C0] =	vst v12  }
.Ltmp4:
0xe0: {  	v1 =	vadd.s32 v1, v46;
	[tilespmem:$0xB6F0] =	vst v63;
	(pc) =	sbr.rel @p1 .LBB2_4-.Ltmp4, $4  }
0xe1: {  	[tilespmem:$0xB6D0] =	vst v1  }
0xe2: {  	[tilespmem:s20], [sflag:$0x3] =	stream.indirect.gather [spmem:s1], $0x80, s19, s18, $0xb8;
	[tilespmem:$0x1B800] =	vst v63  }
0xe3: {  	_ = 	snop  }
0xe4: {  	[tilespmem:s22], [sflag:$0x3] =	stream.indirect.gather [spmem:s1], $0x80, s21, s18, $0xb8;
	[tilespmem:$0x1B800] =	vst v63  }
0xe5: {  	_ =	swait.ge [sflag:s23], $0x100  }
0xe6: {  	[sflag:s23] =	ssyncset.done $0x0  }
0xe7: {  	[sflag:s23] =	ssyncadd.s32 $0xFFFFFF00  }
0xe8: {  	_ =	swait.ge [sflag:s23], $0x100  }
0xe9: {  	[sflag:s23] =	ssyncset.done $0x0  }
0xea: {  	[sflag:s23] =	ssyncadd.s32 $0xFFFFFF00  }
0xeb: {  	_ =	swait.ge [sflag:s23], $0x100  }
0xec: {  	[sflag:s23] =	ssyncset.done $0x0  }
0xed: {  	[sflag:s23] =	ssyncadd.s32 $0xFFFFFF00  }
0xee: {  	v0 =	vld [tilespmem:$0xB080]  }
0xef: {  	v1 =	vld [tilespmem:$0xB280]  }
0xf0: {  	v2 =	vld [tilespmem:$0xB480]  }
0xf1: {  	v3 =	vld [tilespmem:$0xB090]  }
0xf2: {  	v5 =	vld [tilespmem:$0xB290]  }
0xf3: {  	v63 =	vld [tilespmem:$0xB490]  }
0xf4: {  	v8 =	vld [tilespmem:$0xB0A0]  }
0xf5: {  	v9 =	vld [tilespmem:$0xB2A0]  }
0xf6: {  	v25 =	vld [tilespmem:$0xB0B0]  }
0xf7: {  	v10 =	vld [tilespmem:$0xB2B0]  }
0xf8: {  	v32 =	vld [tilespmem:$0xB0C0]  }
0xf9: {  	v35 =	vld [tilespmem:$0xB2C0]  }
0xfa: {  	v17 =	vld [tilespmem:$0xB4A0]  }
0xfb: {  	v29 =	vld [tilespmem:$0xB4B0]  }
0xfc: {  	v58 =	vld [tilespmem:$0xB0F0]  }
0xfd: {  	v61 =	vld [tilespmem:$0xB2F0];
	vm0 =	vgt.s32 v0, v1;
	vm7 =	vgt.s32 v3, v5  }
0xfe: {  	v37 =	vld [tilespmem:$0xB4C0];
	vm9 =	vgt.s32 v8, v9;
	vm11 =	vgt.s32 v25, v10;
	vm13 =	vgt.s32 v32, v35  }
0xff: {  	v4 =	vsel vm0, v0, v1;
	v0 =	vsel vm0, v1, v0;
	v14 =	vsel vm7, v3, v5  }
0x100: {  	v3 =	vsel vm7, v5, v3;
	v23 =	vsel vm9, v8, v9;
	v8 =	vsel vm9, v9, v8  }
0x101: {  	v34 =	vsel vm11, v25, v10;
	v9 =	vsel vm11, v10, v25;
	v40 =	vsel vm13, v32, v35  }
0x102: {  	vm7 =	vgt.s32 v58, v61;
	vm1 =	vlt.s32 v4, v2;
	vm8 =	vlt.s32 v14, v63  }
0x103: {  	vm10 =	vlt.s32 v23, v17;
	vm12 =	vlt.s32 v34, v29;
	vm14 =	vlt.s32 v40, v37  }
0x104: {  	v62 =	vsel vm1, v2, v4;
	v2 =	vsel vm1, v4, v2;
	v16 =	vsel vm8, v63, v14  }
0x105: {  	v18 =	vsel vm8, v14, v63;
	v26 =	vsel vm10, v17, v23;
	v27 =	vsel vm10, v23, v17  }
0x106: {  	v36 =	vsel vm12, v29, v34;
	v42 =	vsel vm14, v37, v40;
	v44 =	vsel vm14, v40, v37  }
0x107: {  	vm0 =	vlt.s32 v0, v2;
	v6 =	vadd.s32 $0x1, v62;
	v1 =	vmul.u32 $0xAAAAAAAB, v62  }
0x108: {  	v19 =	vadd.s32 $0x1, v16;
	v22 =	vmul.u32 $0xAAAAAAAB, v16;
	v28 =	vadd.s32 $0x1, v26  }
0x109: {  	v38 =	vadd.s32 $0x1, v36;
	v45 =	vadd.s32 $0x1, v42;
	v48 =	vmul.u32 $0xAAAAAAAB, v42  }
0x10a: {  	v7 =	vsel vm0, v2, v0;
	v0 =	vsel vm0, v0, v2;
	v12 =	vmul.u32 v62, v6  }
0x10b: {  	vm0 =	vlt.s32 v3, v18;
	v20 =	vmul.u32 v16, v19;
	v5 =	vmul.u32 v26, v28  }
0x10c: {  	v46 =	vmul.u32 v42, v45;
	v13 =	vadd.s32 $0x1, v7;
	v1 =	vadd.s32 $0x55555556, v1  }
0x10d: {  	v21 =	vsel vm0, v18, v3;
	v2 =	vshra.s32 v12, $0x1;
	v6 =	vmul.u32 v7, v13  }
0x10e: {  	v11 =	vld [tilespmem:$0xB0D0];
	v24 =	vadd.s32 $0x1, v21;
	v7 =	vmul.u32 $0xAAAAAAAB, v26;
	v5 =	vshra.s32 v5, $0x1  }
0x10f: {  	v51 =	vld [tilespmem:$0xB0E0];
	v1 =	vmul.u32 v2, v1;
	v2 =	vsel vm0, v3, v18;
	v3 =	vadd.s32 $0x55555556, v22  }
0x110: {  	v12 =	vld [tilespmem:$0xB2D0];
	v4 =	vmul.u32 v21, v24;
	vm0 =	vlt.s32 v8, v27;
	v15 =	vshra.s32 v6, $0x1  }
0x111: {  	v13 =	vld [tilespmem:$0xB2E0];
	v30 =	vsel vm0, v27, v8;
	v7 =	vadd.s32 $0x55555556, v7;
	v0 =	vadd.s32 v0, v15  }
0x112: {  	v63 =	vld [tilespmem:$0xB4F0];
	v4 =	vshra.s32 v4, $0x1;
	v31 =	vadd.s32 $0x1, v30;
	v33 =	vmul.u32 v5, v7  }
0x113: {  	v5 =	vsel vm12, v34, v29;
	v7 =	vsel vm13, v35, v32;
	v0 =	vadd.s32 v1, v0  }
0x114: {  	v1 =	vshra.s32 v20, $0x1;
	v2 =	vadd.s32 v2, v4;
	v4 =	vmul.u32 v30, v31  }
0x115: {  	v20 =	vsel vm7, v58, v61;
	v1 =	vmul.u32 v1, v3;
	v3 =	vsel vm0, v8, v27  }
0x116: {  	v43 =	vld [tilespmem:$0xB4D0];
	vm0 =	vlt.s32 v9, v5;
	vm15 =	vgt.s32 v11, v12;
	vm5 =	vgt.s32 v51, v13  }
0x117: {  	v55 =	vld [tilespmem:$0xB4E0];
	vm8 =	vlt.s32 v20, v63;
	v4 =	vshra.s32 v4, $0x1;
	v10 =	vsel vm0, v5, v9  }
0x118: {  	v5 =	vsel vm0, v9, v5;
	vm0 =	vlt.s32 v7, v44;
	v49 =	vsel vm15, v11, v12  }
0x119: {  	v11 =	vsel vm15, v12, v11;
	v60 =	vsel vm5, v51, v13;
	v12 =	vsel vm5, v13, v51  }
0x11a: {  	v14 =	vld [tilespmem:$0xB180];
	v22 =	vsel vm8, v63, v20;
	v24 =	vsel vm8, v20, v63;
	v1 =	vadd.s32 v1, v2  }
0x11b: {  	v15 =	vld [tilespmem:$0xB380];
	v3 =	vadd.s32 v3, v4;
	v4 =	vmul.u32 $0xAAAAAAAB, v36;
	v39 =	vadd.s32 $0x1, v10  }
0x11c: {  	v47 =	vsel vm0, v44, v7;
	vm4 =	vlt.s32 v49, v43;
	vm6 =	vlt.s32 v60, v55  }
0x11d: {  	v16 =	vld [tilespmem:$0xB390];
	v25 =	vadd.s32 $0x1, v22;
	v28 =	vmul.u32 $0xAAAAAAAB, v22;
	v2 =	vadd.s32 v33, v3  }
0x11e: {  	v31 =	vld [tilespmem:$0xB190];
	v3 =	vmul.u32 v36, v38;
	v9 =	vmul.u32 v10, v39;
	v50 =	vadd.s32 $0x1, v47  }
0x11f: {  	v23 =	vld [tilespmem:$0xB580];
	v52 =	vsel vm4, v43, v49;
	v53 =	vsel vm4, v49, v43;
	v62 =	vsel vm6, v55, v60  }
0x120: {  	v26 =	vmul.u32 v22, v25;
	vm9 =	vgt.s32 v14, v15;
	v4 =	vadd.s32 $0x55555556, v4  }
0x121: {  	v6 =	vmul.u32 v47, v50;
	v54 =	vadd.s32 $0x1, v52;
	v10 =	vmul.u32 $0xAAAAAAAB, v52  }
0x122: {  	v18 =	vadd.s32 $0x1, v62;
	v29 =	vsel vm9, v14, v15;
	v14 =	vsel vm9, v15, v14  }
0x123: {  	v35 =	vld [tilespmem:$0xB590];
	vm11 =	vgt.s32 v31, v16;
	v3 =	vshra.s32 v3, $0x1;
	v41 =	vshra.s32 v9, $0x1  }
0x124: {  	v8 =	vmul.u32 v52, v54;
	vm10 =	vlt.s32 v29, v23;
	v40 =	vsel vm11, v31, v16  }
0x125: {  	v15 =	vsel vm11, v16, v31;
	v3 =	vmul.u32 v3, v4;
	v4 =	vadd.s32 v5, v41  }
0x126: {  	v5 =	vsel vm0, v7, v44;
	v7 =	vadd.s32 $0x55555556, v48;
	v6 =	vshra.s32 v6, $0x1  }
0x127: {  	vm0 =	vlt.s32 v11, v53;
	v10 =	vadd.s32 $0x55555556, v10;
	v32 =	vsel vm10, v23, v29  }
0x128: {  	v17 =	vld [tilespmem:$0xB1B0];
	v33 =	vsel vm10, v29, v23;
	vm12 =	vlt.s32 v40, v35;
	v5 =	vadd.s32 v5, v6  }
0x129: {  	v47 =	vld [tilespmem:$0xB3B0];
	v56 =	vsel vm0, v53, v11;
	v8 =	vshra.s32 v8, $0x1;
	v34 =	vadd.s32 $0x1, v32  }
0x12a: {  	v42 =	vsel vm12, v35, v40;
	v3 =	vadd.s32 v3, v4;
	v4 =	vshra.s32 v46, $0x1  }
0x12b: {  	v38 =	vld [tilespmem:$0xB1A0];
	v57 =	vadd.s32 $0x1, v56;
	v59 =	vmul.u32 v8, v10;
	v8 =	vsel vm6, v60, v55  }
0x12c: {  	v52 =	vld [tilespmem:$0xB5B0];
	v10 =	vsel vm7, v61, v58;
	v44 =	vadd.s32 $0x1, v42;
	v4 =	vmul.u32 v4, v7  }
0x12d: {  	v41 =	vld [tilespmem:$0xB3A0];
	v7 =	vsel vm0, v11, v53;
	v6 =	vmul.u32 v56, v57;
	vm0 =	vlt.s32 v12, v8  }
0x12e: {  	v11 =	vmul.u32 v32, v34;
	vm15 =	vgt.s32 v17, v47;
	v13 =	vsel vm0, v8, v12  }
0x12f: {  	v8 =	vsel vm0, v12, v8;
	vm0 =	vlt.s32 v10, v24;
	v57 =	vsel vm15, v17, v47  }
0x130: {  	v43 =	vld [tilespmem:$0xB5A0];
	v58 =	vsel vm15, v47, v17;
	v4 =	vadd.s32 v4, v5;
	v6 =	vshra.s32 v6, $0x1  }
0x131: {  	v19 =	vadd.s32 $0x1, v13;
	v27 =	vsel vm0, v24, v10;
	v11 =	vshra.s32 v11, $0x1  }
0x132: {  	vm13 =	vgt.s32 v38, v41;
	vm4 =	vlt.s32 v57, v52;
	v6 =	vadd.s32 v7, v6  }
0x133: {  	v7 =	vmul.u32 $0xAAAAAAAB, v62;
	v12 =	vmul.u32 v13, v19;
	v30 =	vadd.s32 $0x1, v27  }
0x134: {  	v13 =	vmul.u32 $0xAAAAAAAB, v32;
	v46 =	vsel vm13, v38, v41;
	v5 =	vadd.s32 v59, v6  }
0x135: {  	v6 =	vmul.u32 v62, v18;
	v9 =	vmul.u32 v27, v30;
	vm14 =	vlt.s32 v46, v43  }
0x136: {  	v19 =	vld [tilespmem:$0xB3C0];
	v59 =	vsel vm4, v52, v57;
	v7 =	vadd.s32 $0x55555556, v7;
	v21 =	vshra.s32 v12, $0x1  }
0x137: {  	v32 =	vld [tilespmem:$0xB3E0];
	v13 =	vadd.s32 $0x55555556, v13;
	v49 =	vsel vm14, v43, v46;
	v50 =	vsel vm14, v46, v43  }
0x138: {  	v18 =	vld [tilespmem:$0xB1C0];
	v61 =	vadd.s32 $0x1, v59;
	v6 =	vshra.s32 v6, $0x1;
	v9 =	vshra.s32 v9, $0x1  }
0x139: {  	v30 =	vld [tilespmem:$0xB1E0];
	v39 =	vmul.u32 v11, v13;
	v11 =	vsel vm12, v40, v35;
	v13 =	vsel vm13, v41, v38  }
0x13a: {  	v51 =	vadd.s32 $0x1, v49;
	v55 =	vmul.u32 $0xAAAAAAAB, v49;
	v6 =	vmul.u32 v6, v7  }
0x13b: {  	v60 =	vld [tilespmem:$0xB5C0];
	v7 =	vadd.s32 v8, v21;
	v8 =	vsel vm0, v10, v24;
	v10 =	vadd.s32 $0x55555556, v28  }
0x13c: {  	v40 =	vld [tilespmem:$0xB1F0];
	vm0 =	vlt.s32 v14, v33;
	v53 =	vmul.u32 v49, v51;
	v8 =	vadd.s32 v8, v9  }
0x13d: {  	v41 =	vld [tilespmem:$0xB3F0];
	v36 =	vsel vm0, v33, v14;
	v6 =	vadd.s32 v6, v7;
	v7 =	vshra.s32 v26, $0x1  }
0x13e: {  	v37 =	vadd.s32 $0x1, v36;
	vm5 =	vgt.s32 v18, v19;
	vm11 =	vgt.s32 v30, v32  }
0x13f: {  	v20 =	vld [tilespmem:$0xB1D0];
	v7 =	vmul.u32 v7, v10;
	v10 =	vsel vm0, v14, v33;
	v9 =	vmul.u32 v36, v37  }
0x140: {  	v21 =	vld [tilespmem:$0xB3D0];
	vm0 =	vlt.s32 v15, v11;
	v14 =	vmul.u32 $0xAAAAAAAB, v59;
	v63 =	vsel vm5, v18, v19  }
0x141: {  	v18 =	vsel vm5, v19, v18;
	v16 =	vsel vm0, v11, v15;
	v11 =	vsel vm0, v15, v11  }
0x142: {  	vm0 =	vlt.s32 v13, v50;
	vm6 =	vlt.s32 v63, v60;
	vm13 =	vgt.s32 v40, v41  }
0x143: {  	v7 =	vadd.s32 v7, v8;
	v9 =	vshra.s32 v9, $0x1;
	v45 =	vadd.s32 $0x1, v16  }
0x144: {  	v54 =	vsel vm0, v50, v13;
	v14 =	vadd.s32 $0x55555556, v14;
	v23 =	vsel vm6, v63, v60  }
0x145: {  	v24 =	vld [tilespmem:$0xB5D0];
	v25 =	vsel vm6, v60, v63;
	vm8 =	vgt.s32 v20, v21;
	v51 =	vsel vm13, v41, v40  }
0x146: {  	v9 =	vadd.s32 v10, v9;
	v10 =	vmul.u32 $0xAAAAAAAB, v42;
	v15 =	vmul.u32 v16, v45  }
0x147: {  	v34 =	vld [tilespmem:$0xB5E0];
	v56 =	vadd.s32 $0x1, v54;
	vm7 =	vlt.s32 v18, v23;
	v29 =	vadd.s32 $0x1, v25  }
0x148: {  	v31 =	vsel vm8, v20, v21;
	v20 =	vsel vm8, v21, v20;
	v16 =	vsel vm11, v32, v30  }
0x149: {  	v8 =	vadd.s32 v39, v9;
	v9 =	vmul.u32 v42, v44;
	v12 =	vmul.u32 v54, v56  }
0x14a: {  	v27 =	vsel vm7, v23, v18;
	v28 =	vsel vm7, v18, v23;
	vm9 =	vlt.s32 v31, v24  }
0x14b: {  	v39 =	vsel vm11, v30, v32;
	v10 =	vadd.s32 $0x55555556, v10;
	v48 =	vshra.s32 v15, $0x1  }
0x14c: {  	v15 =	vsel vm4, v57, v52;
	v33 =	vsel vm9, v31, v24;
	vm12 =	vlt.s32 v39, v34  }
0x14d: {  	v9 =	vshra.s32 v9, $0x1;
	v12 =	vshra.s32 v12, $0x1;
	vm10 =	vlt.s32 v20, v33  }
0x14e: {  	v42 =	vsel vm12, v34, v39;
	v43 =	vsel vm12, v39, v34;
	v9 =	vmul.u32 v9, v10  }
0x14f: {  	v44 =	vld [tilespmem:$0xB5F0];
	v10 =	vadd.s32 v11, v48;
	v11 =	vsel vm0, v13, v50;
	v13 =	vadd.s32 $0x55555556, v55  }
0x150: {  	vm0 =	vlt.s32 v58, v15;
	v35 =	vsel vm10, v33, v20;
	v36 =	vsel vm10, v20, v33  }
0x151: {  	v48 =	vadd.s32 $0x1, v42;
	v49 =	vmul.u32 $0xAAAAAAAB, v42;
	v50 =	vsel vm13, v40, v41  }
0x152: {  	v11 =	vadd.s32 v11, v12;
	v17 =	vsel vm0, v15, v58;
	v12 =	vmul.u32 v59, v61  }
0x153: {  	[tilespmem:$0xB730] =	vst v3;
	v23 =	vadd.s32 $0x1, v35;
	v3 =	vmul.u32 v42, v48;
	v9 =	vadd.s32 v9, v10  }
0x154: {  	v10 =	vshra.s32 v53, $0x1;
	v62 =	vadd.s32 $0x1, v17;
	vm14 =	vlt.s32 v50, v44  }
0x155: {  	[tilespmem:$0xB740] =	vst v4;
	v4 =	vadd.s32 $0x55555556, v49;
	v10 =	vmul.u32 v10, v13;
	v13 =	vsel vm0, v58, v15  }
0x156: {  	v12 =	vshra.s32 v12, $0x1;
	v15 =	vmul.u32 v17, v62;
	v17 =	vsel vm9, v24, v31  }
0x157: {  	vm0 =	vlt.s32 v16, v43;
	v3 =	vshra.s32 v3, $0x1;
	v52 =	vsel vm14, v50, v44  }
0x158: {  	v53 =	vsel vm14, v44, v50;
	v12 =	vmul.u32 v12, v14;
	v14 =	vmul.u32 $0xAAAAAAAB, v25  }
0x159: {  	[tilespmem:$0xB700] =	vst v0;
	v37 =	vadd.s32 $0x1, v17;
	v47 =	vsel vm0, v43, v16;
	v0 =	vsel vm0, v16, v43  }
0x15a: {  	[tilespmem:$0xB760] =	vst v6;
	vm15 =	vlt.s32 v51, v52;
	v56 =	vadd.s32 $0x1, v53;
	v6 =	vmul.u32 $0xAAAAAAAB, v53  }
0x15b: {  	v3 =	vmul.u32 v3, v4;
	v22 =	vshra.s32 v15, $0x1;
	v10 =	vadd.s32 v10, v11  }
0x15c: {  	v15 =	vmul.u32 v25, v29;
	v38 =	vmul.u32 v17, v37;
	v17 =	vmul.u32 $0xAAAAAAAB, v17  }
0x15d: {  	v54 =	vadd.s32 $0x1, v47;
	v55 =	vsel vm15, v52, v51;
	v57 =	vmul.u32 v53, v56  }
0x15e: {  	[tilespmem:$0xB720] =	vst v2;
	v2 =	vsel vm15, v51, v52;
	v13 =	vadd.s32 v13, v22;
	v22 =	vadd.s32 $0x1, v27  }
0x15f: {  	[tilespmem:$0xB770] =	vst v7;
	v14 =	vadd.s32 $0x55555556, v14;
	v7 =	vmul.u32 v47, v54;
	v58 =	vadd.s32 $0x1, v55  }
0x160: {  	[tilespmem:$0xB710] =	vst v1;
	v6 =	vadd.s32 $0x55555556, v6;
	v26 =	vadd.s32 v12, v13;
	v15 =	vshra.s32 v15, $0x1  }
0x161: {  	[tilespmem:$0xB750] =	vst v5;
	v12 =	vmul.u32 v27, v22;
	v13 =	vshra.s32 v38, $0x1;
	v45 =	vadd.s32 $0x55555556, v17  }
0x162: {  	[tilespmem:$0xB780] =	vst v8;
	v59 =	vmul.u32 v55, v58;
	v60 =	vshra.s32 v57, $0x1;
	v14 =	vmul.u32 v15, v14  }
0x163: {  	[tilespmem:$0xB790] =	vst v9;
	v15 =	vmul.u32 v35, v23;
	v1 =	vmul.u32 v13, v45;
	v7 =	vshra.s32 v7, $0x1  }
0x164: {  	[tilespmem:$0xB7A0] =	vst v10;
	v61 =	vmul.u32 v60, v6;
	v12 =	vshra.s32 v12, $0x1;
	v0 =	vadd.s32 v0, v7  }
0x165: {  	[tilespmem:$0xB7B0] =	vst v26;
	v4 =	vshra.s32 v59, $0x1;
	v12 =	vadd.s32 v28, v12;
	v0 =	vadd.s32 v3, v0  }
0x166: {  	v15 =	vshra.s32 v15, $0x1;
	v62 =	vadd.s32 v2, v4;
	v12 =	vadd.s32 v14, v12;
	[tilespmem:$0xB7E0] =	vst v0  }
0x167: {  	v46 =	vadd.s32 v36, v15;
	v63 =	vadd.s32 v61, v62;
	[tilespmem:$0xB7C0] =	vst v12  }
.Ltmp5:
0x168: {  	v1 =	vadd.s32 v1, v46;
	[tilespmem:$0xB7F0] =	vst v63;
	(pc) =	sbr.rel .LBB2_4-.Ltmp5, $4  }
0x169: {  	[tilespmem:$0xB7D0] =	vst v1  }
0x16a: {  	[tilespmem:s25], [sflag:$0x4] =	stream.indirect.gather [spmem:s1], $0x80, s24, s18, $0xb8;
	[tilespmem:$0x1B800] =	vst v63  }
0x16b: {  	_ = 	snop  }
0x16c: {  	[tilespmem:s28], [sflag:$0x4] =	stream.indirect.gather [spmem:s1], $0x80, s26, s18, $0xb8;
	[tilespmem:$0x1B800] =	vst v63  }
.LBB2_6:
0x16d: {  	_ =	sfence.sel $0x180000  }
0x16e: {  	[bflag:$0x0] =	sbarrier.arrive $0xFFFF  }
0x16f: {  	_ =	strace $0x90000047  }
0x170: {  	[bflag:$0x2] =	sbarrier.arrive $0xFFFF  }
0x171: {  	s0 =	rddreg [dreg:$0x3]  }
0x172: {  	s0 =	sadd.s32 @!p0 $0x100000, s0  }
0x173: {  	[sflag:s0] =	ssyncadd.tile.s32 @!p0 $0x1;
	_ =	shalt  }
.Lfunc_end2:
_tile_overlayer_lowered:
.L_overlay_start_2:
0x174: {  	(tag) =	ssettag $0x2  }
0x175: {  	s0 =	rddreg [dreg:$0x0];
	s2 =	stileid.u32  }
0x176: {  	s1 =	rddreg [dreg:$0x1];
	p0 =	sne.s32 s2, $0x0  }
0x177: {  	s3 =	rddreg [dreg:$0x2];
	[bflag:$0x3] =	sbarrier.arrive $0xFFFF;
	s2 =	simm.s32 @!p0 $0x1C07  }
0x178: {  	[timem:s3], [sflag:s2] =	dma.local @!p0 [hbm:s0], s1  }
0x179: {  	s0 =	simm.s32 @!p0 $0x7  }
0x17a: {  	_ =	swait.ge @!p0 [sflag:s0], s1  }
0x17b: {  	s1 =	ssub.s32 @!p0 $0x0, s1;
	[sflag:s0] =	ssyncset.done @!p0 $0x0  }
0x17c: {  	[sflag:s0] =	ssyncadd.s32 @!p0 s1  }
0x17d: {  	[bflag:$0x3] =	sbarrier.arrive $0xFFFF  }
0x17e: {  	_ =	shalt  }

</sc_bundles>
